<compile_context>
chip_gen: v7x
topology: tpu7x:2x2x1
jax: 0.10.2.dev20260603
libtpu: 0.0.44.dev20260713+nightly
codegen_flags: <defaults>
</compile_context>

<pallas_src>
import functools

import jax
import jax.numpy as jnp
from jax import lax
from jax.experimental import pallas as pl
from jax.experimental.pallas import tpu as pltpu
from jax.experimental.pallas import tpu_sc as plsc

N = 10000
E = 320000
D = 128

NC = 2
NS = 16
NP = 10240
TROWS = NP // NS
K = 128
CPW = 80
E2 = NC * NS * CPW * K
ER = E2 // K

_sc_mesh = plsc.VectorSubcoreMesh(core_axis_name="c", subcore_axis_name="s")



@functools.partial(
    pl.kernel,
    out_type=jax.ShapeDtypeStruct((NC * NP,), jnp.float32),
    mesh=_sc_mesh,
    scratch_types=[
        pltpu.VMEM_SHARED((NP,), jnp.float32),
        pltpu.VMEM((CPW, K), jnp.int32),
        pltpu.VMEM((K,), jnp.float32),
        pltpu.SemaphoreType.DMA,
        pltpu.SemaphoreType.DMA,
        pltpu.SemaphoreType.DMA,
    ],
)
def _sc_degree(dstm_hbm, zeros_hbm, ones_hbm, out_hbm, acc, dia, ones_v,
               semi, semo, sems):
    c = lax.axis_index("c")
    s = lax.axis_index("s")
    w = c * NS + s
    row_slice = pl.ds(s * TROWS, TROWS)
    cpi = pltpu.async_copy(dstm_hbm.at[pl.ds(w * CPW, CPW), :], dia, semi)
    cpo = pltpu.async_copy(ones_hbm, ones_v, semo)
    pltpu.sync_copy(zeros_hbm, acc.at[row_slice])
    cpi.wait()
    cpo.wait()
    plsc.subcore_barrier()

    @pl.loop(0, CPW, step=8)
    def _(i):
        descs = [
            pltpu.async_copy(ones_v, acc.at[dia.at[i + b]], sems, add=True)
            for b in range(8)
        ]
        for d in descs:
            d.wait()

    plsc.subcore_barrier()
    pltpu.sync_copy(acc.at[row_slice],
                    out_hbm.at[pl.ds(c * NP + s * TROWS, TROWS)])


@functools.partial(
    pl.kernel,
    out_type=jax.ShapeDtypeStruct((NC, NP, D), jnp.float32),
    mesh=_sc_mesh,
    scratch_types=[
        pltpu.VMEM_SHARED((NP, D), jnp.float32),
        pltpu.VMEM((CPW // 2, K), jnp.int32),
        pltpu.VMEM((CPW // 2, K), jnp.int32),
        pltpu.VMEM((K, D), jnp.float32),
        pltpu.VMEM((K, D), jnp.float32),
        pltpu.SemaphoreType.DMA,
        pltpu.SemaphoreType.DMA,
        pltpu.SemaphoreType.DMA,
        pltpu.SemaphoreType.DMA,
        pltpu.SemaphoreType.DMA,
        pltpu.SemaphoreType.DMA,
    ],
)
def _sc_scatter(y_hbm, srcm_hbm, dstm_hbm, zeros_hbm, out_hbm,
                acc, sia, dia, r0, r1, semi0, semi1, semg0, semg1, sems0, sems1):
    c = lax.axis_index("c")
    s = lax.axis_index("s")
    w = c * NS + s
    row_slice = pl.ds(s * TROWS, TROWS)
    half = CPW // 2

    cpi0 = pltpu.async_copy(srcm_hbm.at[pl.ds(w * CPW, half), :], sia, semi0)
    cpi1 = pltpu.async_copy(dstm_hbm.at[pl.ds(w * CPW, half), :], dia, semi1)

    @pl.when(c == 0)
    def _():
        pltpu.sync_copy(y_hbm.at[row_slice, :], acc.at[row_slice, :])

    @pl.when(c != 0)
    def _():
        pltpu.sync_copy(zeros_hbm, acc.at[row_slice, :])

    cpi0.wait()
    cpi1.wait()
    plsc.subcore_barrier()

    @pl.loop(0, 2)
    def _(p):
        @pl.when(p > 0)
        def _():
            pltpu.async_copy(
                srcm_hbm.at[pl.ds(w * CPW + p * half, half), :], sia, semi0
            ).wait()
            pltpu.async_copy(
                dstm_hbm.at[pl.ds(w * CPW + p * half, half), :], dia, semi1
            ).wait()

        @pl.loop(0, half, step=2)
        def _(i):
            g0 = pltpu.async_copy(y_hbm.at[sia.at[i]], r0, semg0)
            g1 = pltpu.async_copy(y_hbm.at[sia.at[i + 1]], r1, semg1)
            g0.wait()
            s0 = pltpu.async_copy(r0, acc.at[dia.at[i]], sems0, add=True)
            g1.wait()
            s1 = pltpu.async_copy(r1, acc.at[dia.at[i + 1]], sems1, add=True)
            s0.wait()
            s1.wait()

    plsc.subcore_barrier()
    pltpu.sync_copy(acc.at[row_slice, :], out_hbm.at[c, row_slice, :])



RB = 1024
GRID = NP // RB
FRB = 1000
FGRID = N // FRB

_HI = jax.lax.Precision.HIGHEST


def _mm_body(x_ref, w_ref, o_ref):
    o_ref[...] = jnp.dot(x_ref[...], w_ref[...], precision=_HI)


_tc_matmul = pl.pallas_call(
    _mm_body,
    grid=(GRID,),
    in_specs=[
        pl.BlockSpec((RB, D), lambda i: (i, 0)),
        pl.BlockSpec((D, D), lambda i: (0, 0)),
    ],
    out_specs=pl.BlockSpec((RB, D), lambda i: (i, 0)),
    out_shape=jax.ShapeDtypeStruct((NP, D), jnp.float32),
)


def _lin1_body(xw_ref, d0_ref, d1_ref, y_ref, dinv_ref):
    deg = d0_ref[...] + d1_ref[...] + 1.0
    dv = jax.lax.rsqrt(deg)
    dinv_ref[...] = dv
    y_ref[...] = xw_ref[...] * dv


_tc_lin1 = pl.pallas_call(
    _lin1_body,
    grid=(GRID,),
    in_specs=[
        pl.BlockSpec((RB, D), lambda i: (i, 0)),
        pl.BlockSpec((RB, 1), lambda i: (i, 0)),
        pl.BlockSpec((RB, 1), lambda i: (i, 0)),
    ],
    out_specs=[
        pl.BlockSpec((RB, D), lambda i: (i, 0)),
        pl.BlockSpec((RB, 1), lambda i: (i, 0)),
    ],
    out_shape=[
        jax.ShapeDtypeStruct((NP, D), jnp.float32),
        jax.ShapeDtypeStruct((NP, 1), jnp.float32),
    ],
)


def _combine_body(p_ref, dinv_ref, b_ref, w_ref, y_ref):
    dv = dinv_ref[...]
    t = dv * (p_ref[0] + p_ref[1]) + b_ref[...]
    t = jnp.maximum(t, 0.0)
    y_ref[...] = dv * jnp.dot(t, w_ref[...], precision=_HI)


_tc_combine = pl.pallas_call(
    _combine_body,
    grid=(GRID,),
    in_specs=[
        pl.BlockSpec((NC, RB, D), lambda i: (0, i, 0)),
        pl.BlockSpec((RB, 1), lambda i: (i, 0)),
        pl.BlockSpec((1, D), lambda i: (0, 0)),
        pl.BlockSpec((D, D), lambda i: (0, 0)),
    ],
    out_specs=pl.BlockSpec((RB, D), lambda i: (i, 0)),
    out_shape=jax.ShapeDtypeStruct((NP, D), jnp.float32),
)


def _final_body(p_ref, dinv_ref, b_ref, o_ref):
    o_ref[...] = dinv_ref[...] * (p_ref[0] + p_ref[1]) + b_ref[...]


_tc_final = pl.pallas_call(
    _final_body,
    grid=(FGRID,),
    in_specs=[
        pl.BlockSpec((NC, FRB, D), lambda i: (0, i, 0)),
        pl.BlockSpec((FRB, 1), lambda i: (i, 0)),
        pl.BlockSpec((1, D), lambda i: (0, 0)),
    ],
    out_specs=pl.BlockSpec((FRB, D), lambda i: (i, 0)),
    out_shape=jax.ShapeDtypeStruct((N, D), jnp.float32),
)



def kernel(data, edge_index, W1, b1, W2, b2, W3, b3):
    epad = jnp.full((E2 - E,), N, jnp.int32)
    srcm = jnp.concatenate([edge_index[0], epad]).reshape(ER, K)
    dstm = jnp.concatenate([edge_index[1], epad]).reshape(ER, K)
    data_p = jnp.pad(data, ((0, NP - N), (0, 0)))
    zeros_row = jnp.zeros((TROWS, D), jnp.float32)
    zeros_deg = jnp.zeros((TROWS,), jnp.float32)
    ones_deg = jnp.ones((K,), jnp.float32)

    degp = _sc_degree(dstm, zeros_deg, ones_deg)
    xw1 = _tc_matmul(data_p, W1)
    d0 = degp[:NP].reshape(NP, 1)
    d1 = degp[NP:].reshape(NP, 1)
    y1, dinv = _tc_lin1(xw1, d0, d1)

    p1 = _sc_scatter(y1, srcm, dstm, zeros_row)
    y2 = _tc_combine(p1, dinv, b1.reshape(1, D), W2)
    p2 = _sc_scatter(y2, srcm, dstm, zeros_row)
    y3 = _tc_combine(p2, dinv, b2.reshape(1, D), W3)
    p3 = _sc_scatter(y3, srcm, dstm, zeros_row)
    return _tc_final(p3, dinv, b3.reshape(1, D))

# --- scband reference (transcript-rebuilt; emitter-appended) ---
"""Pipeline reference for scband-gnnmodel-54520314855459 (READ-ONLY COPY).

The authoritative reference and input builder live on the scoring server;
editing this copy changes nothing except your own understanding.
"""

import jax, jax.numpy as jnp
import numpy as np

N = 10000
E = 320000
D_IN = 128
D_HID = 128
D_OUT = 128


def setup_inputs(seed: int = 0) -> dict:
    key = jax.random.key(seed)
    ks = jax.random.split(key, 8)
    data = jax.random.normal(ks[0], (N, D_IN), dtype=jnp.float32)
    edge_index = jax.random.randint(ks[1], (2, E), 0, N, dtype=jnp.int32)
    s1 = 1.0 / np.sqrt(D_IN)
    s2 = 1.0 / np.sqrt(D_HID)
    W1 = jax.random.normal(ks[2], (D_IN, D_HID), dtype=jnp.float32) * s1
    b1 = jnp.zeros((D_HID,), dtype=jnp.float32)
    W2 = jax.random.normal(ks[3], (D_HID, D_HID), dtype=jnp.float32) * s2
    b2 = jnp.zeros((D_HID,), dtype=jnp.float32)
    W3 = jax.random.normal(ks[4], (D_HID, D_OUT), dtype=jnp.float32) * s2
    b3 = jnp.zeros((D_OUT,), dtype=jnp.float32)
    return {"data": data, "edge_index": edge_index, "W1": W1, "b1": b1, "W2": W2, "b2": b2, "W3": W3, "b3": b3}


def gcn_conv(x, edge_index, W, b):
    # GCNConv (Kipf & Welling): out = D^{-1/2} (A + I) D^{-1/2} X W + b
    src = edge_index[0]
    dst = edge_index[1]
    loop = jnp.arange(N, dtype=src.dtype)
    src = jnp.concatenate([src, loop])
    dst = jnp.concatenate([dst, loop])
    deg = jnp.zeros((N,), dtype=x.dtype).at[dst].add(1.0)
    dinv = jnp.where(deg > 0, jax.lax.rsqrt(jnp.maximum(deg, 1e-12)), 0.0)
    norm = dinv[src] * dinv[dst]
    xw = x @ W
    msg = xw[src] * norm[:, None]
    out = jnp.zeros((N, W.shape[1]), dtype=x.dtype).at[dst].add(msg)
    return out + b


def reference(data, edge_index, W1, b1, W2, b2, W3, b3):
    # GNNBasicBlock(in, hid): conv + ReLU, returns (out, edge_index) -> we keep out
    out = jax.nn.relu(gcn_conv(data, edge_index, W1, b1))
    out = jax.nn.relu(gcn_conv(out, edge_index, W2, b2))
    # nn.Dropout(0.1) is identity in eval mode
    out = gcn_conv(out, edge_index, W3, b3)
    return out

if __name__ == "__main__":
    import jax
    _d = setup_inputs()
    print(jax.jit(kernel)(*tuple(_d.values())))

</pallas_src>

<mosaic_0001>
#map = affine_map<(d0, d1) -> (0, 0)>
#map1 = affine_map<(d0, d1) -> (0, 0, 0)>
module attributes {stable_mosaic.version = 14 : i64} {
  func.func @_sc_scatter(%arg0: i32, %arg1: i32, %arg2: memref<10240x128xf32, #tpu.memory_space<hbm>>, %arg3: memref<2560x128xi32, #tpu.memory_space<hbm>>, %arg4: memref<2560x128xi32, #tpu.memory_space<hbm>>, %arg5: memref<640x128xf32, #tpu.memory_space<hbm>>, %arg6: memref<2x10240x128xf32, #tpu.memory_space<hbm>>, %arg7: memref<10240x128xf32, #tpu.memory_space<vmem_shared>>, %arg8: memref<40x128xi32, #tpu.memory_space<vmem>>, %arg9: memref<40x128xi32, #tpu.memory_space<vmem>>, %arg10: memref<128x128xf32, #tpu.memory_space<vmem>>, %arg11: memref<128x128xf32, #tpu.memory_space<vmem>>, %arg12: memref<!tpu.dma_semaphore, #tpu.memory_space<semaphore_mem>>, %arg13: memref<!tpu.dma_semaphore, #tpu.memory_space<semaphore_mem>>, %arg14: memref<!tpu.dma_semaphore, #tpu.memory_space<semaphore_mem>>, %arg15: memref<!tpu.dma_semaphore, #tpu.memory_space<semaphore_mem>>, %arg16: memref<!tpu.dma_semaphore, #tpu.memory_space<semaphore_mem>>, %arg17: memref<!tpu.dma_semaphore, #tpu.memory_space<semaphore_mem>>) attributes {dimension_semantics = [#tpu.dimension_semantics<core_parallel>, #tpu.dimension_semantics<subcore_parallel>], iteration_bounds = array<i64: 2, 16>, scalar_prefetch = 0 : i64, scratch_operands = 11 : i64, tpu.core_type = #tpu.core_type<sc_vector_subcore>, window_params = [{transform_indices = #map}, {transform_indices = #map}, {transform_indices = #map}, {transform_indices = #map}, {transform_indices = #map1}]} {
    %mul3A = arith.constant 16 : i32
    %mul3A_0 = arith.muli %arg0, %mul3A : i32
    %add3A = arith.addi %mul3A_0, %arg1 : i32
    %mul3A_1 = arith.constant 640 : i32
    %mul3A_2 = arith.muli %arg1, %mul3A_1 : i32
    %mul3A_3 = arith.constant 80 : i32
    %mul3A_4 = arith.muli %add3A, %mul3A_3 : i32
    %dma_start3A = arith.constant 0 : i32
    %dma_start3A_5 = tpu.memref_slice %arg3[%mul3A_4, %dma_start3A] : memref<2560x128xi32, #tpu.memory_space<hbm>> -> memref<40x128xi32, #tpu.memory_space<hbm>>
    %dma_start3A_6 = arith.constant 0 : i32
    %dma_start3A_7 = tpu.memref_slice %arg3[%mul3A_4, %dma_start3A_6] : memref<2560x128xi32, #tpu.memory_space<hbm>> -> memref<40x128xi32, #tpu.memory_space<hbm>>
    tpu.enqueue_dma source(%dma_start3A_7 : memref<40x128xi32, #tpu.memory_space<hbm>>) target(%arg8 : memref<40x128xi32, #tpu.memory_space<vmem>>) target_semaphore(%arg12 : memref<!tpu.dma_semaphore, #tpu.memory_space<semaphore_mem>>)
    %mul3A_8 = arith.constant 80 : i32
    %mul3A_9 = arith.muli %add3A, %mul3A_8 : i32
    %dma_start3A_10 = arith.constant 0 : i32
    %dma_start3A_11 = tpu.memref_slice %arg4[%mul3A_9, %dma_start3A_10] : memref<2560x128xi32, #tpu.memory_space<hbm>> -> memref<40x128xi32, #tpu.memory_space<hbm>>
    %dma_start3A_12 = arith.constant 0 : i32
    %dma_start3A_13 = tpu.memref_slice %arg4[%mul3A_9, %dma_start3A_12] : memref<2560x128xi32, #tpu.memory_space<hbm>> -> memref<40x128xi32, #tpu.memory_space<hbm>>
    tpu.enqueue_dma source(%dma_start3A_13 : memref<40x128xi32, #tpu.memory_space<hbm>>) target(%arg9 : memref<40x128xi32, #tpu.memory_space<vmem>>) target_semaphore(%arg13 : memref<!tpu.dma_semaphore, #tpu.memory_space<semaphore_mem>>)
    %eq3A = arith.constant 0 : i32
    %eq3A_14 = arith.cmpi eq, %arg0, %eq3A : i32
    %convert_element_type3A = arith.extui %eq3A_14 : i1 to i32
    %cond3A = arith.constant 0 : i32
    %cond3A_15 = arith.cmpi ne, %convert_element_type3A, %cond3A : i32
    scf.if %cond3A_15 {
      "tpu.region"() ({
        %run_scoped3A = tpu.sem_alloc : memref<!tpu.dma_semaphore, #tpu.memory_space<semaphore_mem>>
        %dma_start3A_32 = arith.constant 0 : i32
        %dma_start3A_33 = tpu.memref_slice %arg7[%mul3A_2, %dma_start3A_32] : memref<10240x128xf32, #tpu.memory_space<vmem_shared>> -> memref<640x128xf32, #tpu.memory_space<vmem_shared>>
        %dma_start3A_34 = arith.constant 0 : i32
        %dma_start3A_35 = tpu.memref_slice %arg2[%mul3A_2, %dma_start3A_34] : memref<10240x128xf32, #tpu.memory_space<hbm>> -> memref<640x128xf32, #tpu.memory_space<hbm>>
        tpu.enqueue_dma source(%dma_start3A_35 : memref<640x128xf32, #tpu.memory_space<hbm>>) target(%dma_start3A_33 : memref<640x128xf32, #tpu.memory_space<vmem_shared>>) target_semaphore(%run_scoped3A : memref<!tpu.dma_semaphore, #tpu.memory_space<semaphore_mem>>)
        %dma_wait3A_36 = arith.constant 0 : i32
        %dma_wait3A_37 = tpu.memref_slice %arg7[%mul3A_2, %dma_wait3A_36] : memref<10240x128xf32, #tpu.memory_space<vmem_shared>> -> memref<640x128xf32, #tpu.memory_space<vmem_shared>>
        %dma_wait3A_38 = arith.constant 0 : i32
        %dma_wait3A_39 = tpu.memref_slice %arg2[%mul3A_2, %dma_wait3A_38] : memref<10240x128xf32, #tpu.memory_space<hbm>> -> memref<640x128xf32, #tpu.memory_space<hbm>>
        tpu.wait_dma2 semaphore(%run_scoped3A : memref<!tpu.dma_semaphore, #tpu.memory_space<semaphore_mem>>) src(%dma_wait3A_39 : memref<640x128xf32, #tpu.memory_space<hbm>>) dst(%dma_wait3A_37 : memref<640x128xf32, #tpu.memory_space<vmem_shared>>)
        tpu.yield
      }) : () -> ()
    } else {
    }
    %ne3A = arith.constant 0 : i32
    %ne3A_16 = arith.cmpi ne, %arg0, %ne3A : i32
    %convert_element_type3A_17 = arith.extui %ne3A_16 : i1 to i32
    %cond3A_18 = arith.constant 0 : i32
    %cond3A_19 = arith.cmpi ne, %convert_element_type3A_17, %cond3A_18 : i32
    scf.if %cond3A_19 {
      "tpu.region"() ({
        %run_scoped3A = tpu.sem_alloc : memref<!tpu.dma_semaphore, #tpu.memory_space<semaphore_mem>>
        %dma_start3A_32 = arith.constant 0 : i32
        %dma_start3A_33 = tpu.memref_slice %arg7[%mul3A_2, %dma_start3A_32] : memref<10240x128xf32, #tpu.memory_space<vmem_shared>> -> memref<640x128xf32, #tpu.memory_space<vmem_shared>>
        tpu.enqueue_dma source(%arg5 : memref<640x128xf32, #tpu.memory_space<hbm>>) target(%dma_start3A_33 : memref<640x128xf32, #tpu.memory_space<vmem_shared>>) target_semaphore(%run_scoped3A : memref<!tpu.dma_semaphore, #tpu.memory_space<semaphore_mem>>)
        %dma_wait3A_34 = arith.constant 0 : i32
        %dma_wait3A_35 = tpu.memref_slice %arg7[%mul3A_2, %dma_wait3A_34] : memref<10240x128xf32, #tpu.memory_space<vmem_shared>> -> memref<640x128xf32, #tpu.memory_space<vmem_shared>>
        tpu.wait_dma2 semaphore(%run_scoped3A : memref<!tpu.dma_semaphore, #tpu.memory_space<semaphore_mem>>) src(%arg5 : memref<640x128xf32, #tpu.memory_space<hbm>>) dst(%dma_wait3A_35 : memref<640x128xf32, #tpu.memory_space<vmem_shared>>)
        tpu.yield
      }) : () -> ()
    } else {
    }
    %dma_wait3A = arith.constant 0 : i32
    %dma_wait3A_20 = tpu.memref_slice %arg3[%mul3A_4, %dma_wait3A] : memref<2560x128xi32, #tpu.memory_space<hbm>> -> memref<40x128xi32, #tpu.memory_space<hbm>>
    %dma_wait3A_21 = arith.constant 0 : i32
    %dma_wait3A_22 = tpu.memref_slice %arg3[%mul3A_4, %dma_wait3A_21] : memref<2560x128xi32, #tpu.memory_space<hbm>> -> memref<40x128xi32, #tpu.memory_space<hbm>>
    tpu.wait_dma2 semaphore(%arg12 : memref<!tpu.dma_semaphore, #tpu.memory_space<semaphore_mem>>) src(%dma_wait3A_22 : memref<40x128xi32, #tpu.memory_space<hbm>>) dst(%arg8 : memref<40x128xi32, #tpu.memory_space<vmem>>)
    %dma_wait3A_23 = arith.constant 0 : i32
    %dma_wait3A_24 = tpu.memref_slice %arg4[%mul3A_9, %dma_wait3A_23] : memref<2560x128xi32, #tpu.memory_space<hbm>> -> memref<40x128xi32, #tpu.memory_space<hbm>>
    %dma_wait3A_25 = arith.constant 0 : i32
    %dma_wait3A_26 = tpu.memref_slice %arg4[%mul3A_9, %dma_wait3A_25] : memref<2560x128xi32, #tpu.memory_space<hbm>> -> memref<40x128xi32, #tpu.memory_space<hbm>>
    tpu.wait_dma2 semaphore(%arg13 : memref<!tpu.dma_semaphore, #tpu.memory_space<semaphore_mem>>) src(%dma_wait3A_26 : memref<40x128xi32, #tpu.memory_space<hbm>>) dst(%arg9 : memref<40x128xi32, #tpu.memory_space<vmem>>)
    %barrier3A = arith.constant 0 : index
    tpu.barrier barrier_id(%barrier3A)
    %scan3A = arith.constant 0 : i32
    %scan3A_27 = arith.constant 2 : i32
    %scan3A_28 = arith.addi %scan3A, %scan3A_27 : i32
    %scan3A_29 = arith.constant 1 : i32
    scf.for %scan3A_32 = %scan3A to %scan3A_28 step %scan3A_29  : i32 {
      %mul3A_33 = arith.constant 1 : i32
      %mul3A_34 = arith.muli %scan3A_32, %mul3A_33 : i32
      %add3A_35 = arith.constant 0 : i32
      %add3A_36 = arith.addi %add3A_35, %mul3A_34 : i32
      %gt3A = arith.constant 0 : i32
      %gt3A_37 = arith.cmpi sgt, %add3A_36, %gt3A : i32
      %convert_element_type3A_38 = arith.extui %gt3A_37 : i1 to i32
      %cond3A_39 = arith.constant 0 : i32
      %cond3A_40 = arith.cmpi ne, %convert_element_type3A_38, %cond3A_39 : i32
      scf.if %cond3A_40 {
        %mul3A_46 = arith.constant 80 : i32
        %mul3A_47 = arith.muli %add3A, %mul3A_46 : i32
        %mul3A_48 = arith.constant 40 : i32
        %mul3A_49 = arith.muli %add3A_36, %mul3A_48 : i32
        %add3A_50 = arith.addi %mul3A_47, %mul3A_49 : i32
        %dma_start3A_51 = arith.constant 0 : i32
        %dma_start3A_52 = tpu.memref_slice %arg3[%add3A_50, %dma_start3A_51] : memref<2560x128xi32, #tpu.memory_space<hbm>> -> memref<40x128xi32, #tpu.memory_space<hbm>>
        %dma_start3A_53 = arith.constant 0 : i32
        %dma_start3A_54 = tpu.memref_slice %arg3[%add3A_50, %dma_start3A_53] : memref<2560x128xi32, #tpu.memory_space<hbm>> -> memref<40x128xi32, #tpu.memory_space<hbm>>
        tpu.enqueue_dma source(%dma_start3A_54 : memref<40x128xi32, #tpu.memory_space<hbm>>) target(%arg8 : memref<40x128xi32, #tpu.memory_space<vmem>>) target_semaphore(%arg12 : memref<!tpu.dma_semaphore, #tpu.memory_space<semaphore_mem>>)
        %dma_wait3A_55 = arith.constant 0 : i32
        %dma_wait3A_56 = tpu.memref_slice %arg3[%add3A_50, %dma_wait3A_55] : memref<2560x128xi32, #tpu.memory_space<hbm>> -> memref<40x128xi32, #tpu.memory_space<hbm>>
        %dma_wait3A_57 = arith.constant 0 : i32
        %dma_wait3A_58 = tpu.memref_slice %arg3[%add3A_50, %dma_wait3A_57] : memref<2560x128xi32, #tpu.memory_space<hbm>> -> memref<40x128xi32, #tpu.memory_space<hbm>>
        tpu.wait_dma2 semaphore(%arg12 : memref<!tpu.dma_semaphore, #tpu.memory_space<semaphore_mem>>) src(%dma_wait3A_58 : memref<40x128xi32, #tpu.memory_space<hbm>>) dst(%arg8 : memref<40x128xi32, #tpu.memory_space<vmem>>)
        %mul3A_59 = arith.constant 80 : i32
        %mul3A_60 = arith.muli %add3A, %mul3A_59 : i32
        %mul3A_61 = arith.constant 40 : i32
        %mul3A_62 = arith.muli %add3A_36, %mul3A_61 : i32
        %add3A_63 = arith.addi %mul3A_60, %mul3A_62 : i32
        %dma_start3A_64 = arith.constant 0 : i32
        %dma_start3A_65 = tpu.memref_slice %arg4[%add3A_63, %dma_start3A_64] : memref<2560x128xi32, #tpu.memory_space<hbm>> -> memref<40x128xi32, #tpu.memory_space<hbm>>
        %dma_start3A_66 = arith.constant 0 : i32
        %dma_start3A_67 = tpu.memref_slice %arg4[%add3A_63, %dma_start3A_66] : memref<2560x128xi32, #tpu.memory_space<hbm>> -> memref<40x128xi32, #tpu.memory_space<hbm>>
        tpu.enqueue_dma source(%dma_start3A_67 : memref<40x128xi32, #tpu.memory_space<hbm>>) target(%arg9 : memref<40x128xi32, #tpu.memory_space<vmem>>) target_semaphore(%arg13 : memref<!tpu.dma_semaphore, #tpu.memory_space<semaphore_mem>>)
        %dma_wait3A_68 = arith.constant 0 : i32
        %dma_wait3A_69 = tpu.memref_slice %arg4[%add3A_63, %dma_wait3A_68] : memref<2560x128xi32, #tpu.memory_space<hbm>> -> memref<40x128xi32, #tpu.memory_space<hbm>>
        %dma_wait3A_70 = arith.constant 0 : i32
        %dma_wait3A_71 = tpu.memref_slice %arg4[%add3A_63, %dma_wait3A_70] : memref<2560x128xi32, #tpu.memory_space<hbm>> -> memref<40x128xi32, #tpu.memory_space<hbm>>
        tpu.wait_dma2 semaphore(%arg13 : memref<!tpu.dma_semaphore, #tpu.memory_space<semaphore_mem>>) src(%dma_wait3A_71 : memref<40x128xi32, #tpu.memory_space<hbm>>) dst(%arg9 : memref<40x128xi32, #tpu.memory_space<vmem>>)
      } else {
      }
      %scan3A_41 = arith.constant 0 : i32
      %scan3A_42 = arith.constant 20 : i32
      %scan3A_43 = arith.addi %scan3A_41, %scan3A_42 : i32
      %scan3A_44 = arith.constant 1 : i32
      scf.for %scan3A_46 = %scan3A_41 to %scan3A_43 step %scan3A_44  : i32 {
        %mul3A_47 = arith.constant 2 : i32
        %mul3A_48 = arith.muli %scan3A_46, %mul3A_47 : i32
        %add3A_49 = arith.constant 0 : i32
        %add3A_50 = arith.addi %add3A_49, %mul3A_48 : i32
        %dma_start3A_51 = arith.constant 0 : i32
        %dma_start3A_52 = tpu.memref_slice %arg8[%add3A_50, %dma_start3A_51] : memref<40x128xi32, #tpu.memory_space<vmem>> -> memref<1x128xi32, #tpu.memory_space<vmem>>
        %dma_start3A_53 = tpu.memref_squeeze %dma_start3A_52 : memref<1x128xi32, #tpu.memory_space<vmem>> -> memref<128xi32, #tpu.memory_space<vmem>>
        %dma_start3A_54 = arith.constant 0 : i32
        %dma_start3A_55 = arith.constant 0 : i32
        %dma_start3A_56 = tpu.memref_slice %arg2[%dma_start3A_54, %dma_start3A_55] : memref<10240x128xf32, #tpu.memory_space<hbm>> -> memref<10240x128xf32, #tpu.memory_space<hbm>>
        tpu.enqueue_indirect_dma source(%dma_start3A_56 : memref<10240x128xf32, #tpu.memory_space<hbm>>) target(%arg10 : memref<128x128xf32, #tpu.memory_space<vmem>>) offsets(%dma_start3A_53 : memref<128xi32, #tpu.memory_space<vmem>>) semaphore(%arg14 : memref<!tpu.dma_semaphore, #tpu.memory_space<semaphore_mem>>)
        %add3A_57 = arith.constant 1 : i32
        %add3A_58 = arith.addi %add3A_50, %add3A_57 : i32
        %dma_start3A_59 = arith.constant 0 : i32
        %dma_start3A_60 = tpu.memref_slice %arg8[%add3A_58, %dma_start3A_59] : memref<40x128xi32, #tpu.memory_space<vmem>> -> memref<1x128xi32, #tpu.memory_space<vmem>>
        %dma_start3A_61 = tpu.memref_squeeze %dma_start3A_60 : memref<1x128xi32, #tpu.memory_space<vmem>> -> memref<128xi32, #tpu.memory_space<vmem>>
        %dma_start3A_62 = arith.constant 0 : i32
        %dma_start3A_63 = arith.constant 0 : i32
        %dma_start3A_64 = tpu.memref_slice %arg2[%dma_start3A_62, %dma_start3A_63] : memref<10240x128xf32, #tpu.memory_space<hbm>> -> memref<10240x128xf32, #tpu.memory_space<hbm>>
        tpu.enqueue_indirect_dma source(%dma_start3A_64 : memref<10240x128xf32, #tpu.memory_space<hbm>>) target(%arg11 : memref<128x128xf32, #tpu.memory_space<vmem>>) offsets(%dma_start3A_61 : memref<128xi32, #tpu.memory_space<vmem>>) semaphore(%arg15 : memref<!tpu.dma_semaphore, #tpu.memory_space<semaphore_mem>>)
        %dma_wait3A_65 = arith.constant 0 : i32
        %dma_wait3A_66 = tpu.memref_slice %arg8[%add3A_50, %dma_wait3A_65] : memref<40x128xi32, #tpu.memory_space<vmem>> -> memref<1x128xi32, #tpu.memory_space<vmem>>
        %dma_wait3A_67 = tpu.memref_squeeze %dma_wait3A_66 : memref<1x128xi32, #tpu.memory_space<vmem>> -> memref<128xi32, #tpu.memory_space<vmem>>
        %dma_wait3A_68 = arith.constant 0 : i32
        %dma_wait3A_69 = arith.constant 0 : i32
        %dma_wait3A_70 = tpu.memref_slice %arg2[%dma_wait3A_68, %dma_wait3A_69] : memref<10240x128xf32, #tpu.memory_space<hbm>> -> memref<10240x128xf32, #tpu.memory_space<hbm>>
        tpu.wait_indirect_dma semaphore(%arg14 : memref<!tpu.dma_semaphore, #tpu.memory_space<semaphore_mem>>) src(%dma_wait3A_70 : memref<10240x128xf32, #tpu.memory_space<hbm>>) dst(%arg10 : memref<128x128xf32, #tpu.memory_space<vmem>>)
        %dma_start3A_71 = arith.constant 0 : i32
        %dma_start3A_72 = tpu.memref_slice %arg9[%add3A_50, %dma_start3A_71] : memref<40x128xi32, #tpu.memory_space<vmem>> -> memref<1x128xi32, #tpu.memory_space<vmem>>
        %dma_start3A_73 = tpu.memref_squeeze %dma_start3A_72 : memref<1x128xi32, #tpu.memory_space<vmem>> -> memref<128xi32, #tpu.memory_space<vmem>>
        %dma_start3A_74 = arith.constant 0 : i32
        %dma_start3A_75 = arith.constant 0 : i32
        %dma_start3A_76 = tpu.memref_slice %arg7[%dma_start3A_74, %dma_start3A_75] : memref<10240x128xf32, #tpu.memory_space<vmem_shared>> -> memref<10240x128xf32, #tpu.memory_space<vmem_shared>>
        tpu.enqueue_indirect_dma source(%arg10 : memref<128x128xf32, #tpu.memory_space<vmem>>) target(%dma_start3A_76 : memref<10240x128xf32, #tpu.memory_space<vmem_shared>>) offsets(%dma_start3A_73 : memref<128xi32, #tpu.memory_space<vmem>>) semaphore(%arg16 : memref<!tpu.dma_semaphore, #tpu.memory_space<semaphore_mem>>) {add = true}
        %dma_wait3A_77 = arith.constant 0 : i32
        %dma_wait3A_78 = tpu.memref_slice %arg8[%add3A_58, %dma_wait3A_77] : memref<40x128xi32, #tpu.memory_space<vmem>> -> memref<1x128xi32, #tpu.memory_space<vmem>>
        %dma_wait3A_79 = tpu.memref_squeeze %dma_wait3A_78 : memref<1x128xi32, #tpu.memory_space<vmem>> -> memref<128xi32, #tpu.memory_space<vmem>>
        %dma_wait3A_80 = arith.constant 0 : i32
        %dma_wait3A_81 = arith.constant 0 : i32
        %dma_wait3A_82 = tpu.memref_slice %arg2[%dma_wait3A_80, %dma_wait3A_81] : memref<10240x128xf32, #tpu.memory_space<hbm>> -> memref<10240x128xf32, #tpu.memory_space<hbm>>
        tpu.wait_indirect_dma semaphore(%arg15 : memref<!tpu.dma_semaphore, #tpu.memory_space<semaphore_mem>>) src(%dma_wait3A_82 : memref<10240x128xf32, #tpu.memory_space<hbm>>) dst(%arg11 : memref<128x128xf32, #tpu.memory_space<vmem>>)
        %add3A_83 = arith.constant 1 : i32
        %add3A_84 = arith.addi %add3A_50, %add3A_83 : i32
        %dma_start3A_85 = arith.constant 0 : i32
        %dma_start3A_86 = tpu.memref_slice %arg9[%add3A_84, %dma_start3A_85] : memref<40x128xi32, #tpu.memory_space<vmem>> -> memref<1x128xi32, #tpu.memory_space<vmem>>
        %dma_start3A_87 = tpu.memref_squeeze %dma_start3A_86 : memref<1x128xi32, #tpu.memory_space<vmem>> -> memref<128xi32, #tpu.memory_space<vmem>>
        %dma_start3A_88 = arith.constant 0 : i32
        %dma_start3A_89 = arith.constant 0 : i32
        %dma_start3A_90 = tpu.memref_slice %arg7[%dma_start3A_88, %dma_start3A_89] : memref<10240x128xf32, #tpu.memory_space<vmem_shared>> -> memref<10240x128xf32, #tpu.memory_space<vmem_shared>>
        tpu.enqueue_indirect_dma source(%arg11 : memref<128x128xf32, #tpu.memory_space<vmem>>) target(%dma_start3A_90 : memref<10240x128xf32, #tpu.memory_space<vmem_shared>>) offsets(%dma_start3A_87 : memref<128xi32, #tpu.memory_space<vmem>>) semaphore(%arg17 : memref<!tpu.dma_semaphore, #tpu.memory_space<semaphore_mem>>) {add = true}
        %dma_wait3A_91 = arith.constant 0 : i32
        %dma_wait3A_92 = tpu.memref_slice %arg9[%add3A_50, %dma_wait3A_91] : memref<40x128xi32, #tpu.memory_space<vmem>> -> memref<1x128xi32, #tpu.memory_space<vmem>>
        %dma_wait3A_93 = tpu.memref_squeeze %dma_wait3A_92 : memref<1x128xi32, #tpu.memory_space<vmem>> -> memref<128xi32, #tpu.memory_space<vmem>>
        %dma_wait3A_94 = arith.constant 0 : i32
        %dma_wait3A_95 = arith.constant 0 : i32
        %dma_wait3A_96 = tpu.memref_slice %arg7[%dma_wait3A_94, %dma_wait3A_95] : memref<10240x128xf32, #tpu.memory_space<vmem_shared>> -> memref<10240x128xf32, #tpu.memory_space<vmem_shared>>
        tpu.wait_indirect_dma semaphore(%arg16 : memref<!tpu.dma_semaphore, #tpu.memory_space<semaphore_mem>>) src(%arg10 : memref<128x128xf32, #tpu.memory_space<vmem>>) dst(%dma_wait3A_96 : memref<10240x128xf32, #tpu.memory_space<vmem_shared>>)
        %dma_wait3A_97 = arith.constant 0 : i32
        %dma_wait3A_98 = tpu.memref_slice %arg9[%add3A_84, %dma_wait3A_97] : memref<40x128xi32, #tpu.memory_space<vmem>> -> memref<1x128xi32, #tpu.memory_space<vmem>>
        %dma_wait3A_99 = tpu.memref_squeeze %dma_wait3A_98 : memref<1x128xi32, #tpu.memory_space<vmem>> -> memref<128xi32, #tpu.memory_space<vmem>>
        %dma_wait3A_100 = arith.constant 0 : i32
        %dma_wait3A_101 = arith.constant 0 : i32
        %dma_wait3A_102 = tpu.memref_slice %arg7[%dma_wait3A_100, %dma_wait3A_101] : memref<10240x128xf32, #tpu.memory_space<vmem_shared>> -> memref<10240x128xf32, #tpu.memory_space<vmem_shared>>
        tpu.wait_indirect_dma semaphore(%arg17 : memref<!tpu.dma_semaphore, #tpu.memory_space<semaphore_mem>>) src(%arg11 : memref<128x128xf32, #tpu.memory_space<vmem>>) dst(%dma_wait3A_102 : memref<10240x128xf32, #tpu.memory_space<vmem_shared>>)
      }
      %scan3A_45 = arith.constant 20 : i32
    }
    %scan3A_30 = arith.constant 2 : i32
    %barrier3A_31 = arith.constant 0 : index
    tpu.barrier barrier_id(%barrier3A_31)
    "tpu.region"() ({
      %run_scoped3A = tpu.sem_alloc : memref<!tpu.dma_semaphore, #tpu.memory_space<semaphore_mem>>
      %dma_start3A_32 = arith.constant 0 : i32
      %dma_start3A_33 = tpu.memref_slice %arg6[%arg0, %mul3A_2, %dma_start3A_32] : memref<2x10240x128xf32, #tpu.memory_space<hbm>> -> memref<1x640x128xf32, #tpu.memory_space<hbm>>
      %dma_start3A_34 = tpu.memref_squeeze %dma_start3A_33 : memref<1x640x128xf32, #tpu.memory_space<hbm>> -> memref<640x128xf32, #tpu.memory_space<hbm>>
      %dma_start3A_35 = arith.constant 0 : i32
      %dma_start3A_36 = tpu.memref_slice %arg7[%mul3A_2, %dma_start3A_35] : memref<10240x128xf32, #tpu.memory_space<vmem_shared>> -> memref<640x128xf32, #tpu.memory_space<vmem_shared>>
      tpu.enqueue_dma source(%dma_start3A_36 : memref<640x128xf32, #tpu.memory_space<vmem_shared>>) target(%dma_start3A_34 : memref<640x128xf32, #tpu.memory_space<hbm>>) target_semaphore(%run_scoped3A : memref<!tpu.dma_semaphore, #tpu.memory_space<semaphore_mem>>)
      %dma_wait3A_37 = arith.constant 0 : i32
      %dma_wait3A_38 = tpu.memref_slice %arg6[%arg0, %mul3A_2, %dma_wait3A_37] : memref<2x10240x128xf32, #tpu.memory_space<hbm>> -> memref<1x640x128xf32, #tpu.memory_space<hbm>>
      %dma_wait3A_39 = tpu.memref_squeeze %dma_wait3A_38 : memref<1x640x128xf32, #tpu.memory_space<hbm>> -> memref<640x128xf32, #tpu.memory_space<hbm>>
      %dma_wait3A_40 = arith.constant 0 : i32
      %dma_wait3A_41 = tpu.memref_slice %arg7[%mul3A_2, %dma_wait3A_40] : memref<10240x128xf32, #tpu.memory_space<vmem_shared>> -> memref<640x128xf32, #tpu.memory_space<vmem_shared>>
      tpu.wait_dma2 semaphore(%run_scoped3A : memref<!tpu.dma_semaphore, #tpu.memory_space<semaphore_mem>>) src(%dma_wait3A_41 : memref<640x128xf32, #tpu.memory_space<vmem_shared>>) dst(%dma_wait3A_39 : memref<640x128xf32, #tpu.memory_space<hbm>>)
      tpu.yield
    }) : () -> ()
    return
  }
}

#map = affine_map<(d0, d1) -> (0, 0)>
#map1 = affine_map<(d0, d1) -> (0)>
module attributes {stable_mosaic.version = 14 : i64} {
  func.func @_sc_degree(%arg0: i32, %arg1: i32, %arg2: memref<2560x128xi32, #tpu.memory_space<hbm>>, %arg3: memref<640xf32, #tpu.memory_space<hbm>>, %arg4: memref<128xf32, #tpu.memory_space<hbm>>, %arg5: memref<20480xf32, #tpu.memory_space<hbm>>, %arg6: memref<10240xf32, #tpu.memory_space<vmem_shared>>, %arg7: memref<80x128xi32, #tpu.memory_space<vmem>>, %arg8: memref<128xf32, #tpu.memory_space<vmem>>, %arg9: memref<!tpu.dma_semaphore, #tpu.memory_space<semaphore_mem>>, %arg10: memref<!tpu.dma_semaphore, #tpu.memory_space<semaphore_mem>>, %arg11: memref<!tpu.dma_semaphore, #tpu.memory_space<semaphore_mem>>) attributes {dimension_semantics = [#tpu.dimension_semantics<core_parallel>, #tpu.dimension_semantics<subcore_parallel>], iteration_bounds = array<i64: 2, 16>, scalar_prefetch = 0 : i64, scratch_operands = 6 : i64, tpu.core_type = #tpu.core_type<sc_vector_subcore>, window_params = [{transform_indices = #map}, {transform_indices = #map1}, {transform_indices = #map1}, {transform_indices = #map1}]} {
    %mul3A = arith.constant 16 : i32
    %mul3A_0 = arith.muli %arg0, %mul3A : i32
    %add3A = arith.addi %mul3A_0, %arg1 : i32
    %mul3A_1 = arith.constant 640 : i32
    %mul3A_2 = arith.muli %arg1, %mul3A_1 : i32
    %mul3A_3 = arith.constant 80 : i32
    %mul3A_4 = arith.muli %add3A, %mul3A_3 : i32
    %dma_start3A = arith.constant 0 : i32
    %dma_start3A_5 = tpu.memref_slice %arg2[%mul3A_4, %dma_start3A] : memref<2560x128xi32, #tpu.memory_space<hbm>> -> memref<80x128xi32, #tpu.memory_space<hbm>>
    %dma_start3A_6 = arith.constant 0 : i32
    %dma_start3A_7 = tpu.memref_slice %arg2[%mul3A_4, %dma_start3A_6] : memref<2560x128xi32, #tpu.memory_space<hbm>> -> memref<80x128xi32, #tpu.memory_space<hbm>>
    tpu.enqueue_dma source(%dma_start3A_7 : memref<80x128xi32, #tpu.memory_space<hbm>>) target(%arg7 : memref<80x128xi32, #tpu.memory_space<vmem>>) target_semaphore(%arg9 : memref<!tpu.dma_semaphore, #tpu.memory_space<semaphore_mem>>)
    tpu.enqueue_dma source(%arg4 : memref<128xf32, #tpu.memory_space<hbm>>) target(%arg8 : memref<128xf32, #tpu.memory_space<vmem>>) target_semaphore(%arg10 : memref<!tpu.dma_semaphore, #tpu.memory_space<semaphore_mem>>)
    "tpu.region"() ({
      %run_scoped3A = tpu.sem_alloc : memref<!tpu.dma_semaphore, #tpu.memory_space<semaphore_mem>>
      %dma_start3A_21 = tpu.memref_slice %arg6[%mul3A_2] : memref<10240xf32, #tpu.memory_space<vmem_shared>> -> memref<640xf32, #tpu.memory_space<vmem_shared>>
      tpu.enqueue_dma source(%arg3 : memref<640xf32, #tpu.memory_space<hbm>>) target(%dma_start3A_21 : memref<640xf32, #tpu.memory_space<vmem_shared>>) target_semaphore(%run_scoped3A : memref<!tpu.dma_semaphore, #tpu.memory_space<semaphore_mem>>)
      %dma_wait3A_22 = tpu.memref_slice %arg6[%mul3A_2] : memref<10240xf32, #tpu.memory_space<vmem_shared>> -> memref<640xf32, #tpu.memory_space<vmem_shared>>
      tpu.wait_dma2 semaphore(%run_scoped3A : memref<!tpu.dma_semaphore, #tpu.memory_space<semaphore_mem>>) src(%arg3 : memref<640xf32, #tpu.memory_space<hbm>>) dst(%dma_wait3A_22 : memref<640xf32, #tpu.memory_space<vmem_shared>>)
      tpu.yield
    }) : () -> ()
    %dma_wait3A = arith.constant 0 : i32
    %dma_wait3A_8 = tpu.memref_slice %arg2[%mul3A_4, %dma_wait3A] : memref<2560x128xi32, #tpu.memory_space<hbm>> -> memref<80x128xi32, #tpu.memory_space<hbm>>
    %dma_wait3A_9 = arith.constant 0 : i32
    %dma_wait3A_10 = tpu.memref_slice %arg2[%mul3A_4, %dma_wait3A_9] : memref<2560x128xi32, #tpu.memory_space<hbm>> -> memref<80x128xi32, #tpu.memory_space<hbm>>
    tpu.wait_dma2 semaphore(%arg9 : memref<!tpu.dma_semaphore, #tpu.memory_space<semaphore_mem>>) src(%dma_wait3A_10 : memref<80x128xi32, #tpu.memory_space<hbm>>) dst(%arg7 : memref<80x128xi32, #tpu.memory_space<vmem>>)
    tpu.wait_dma2 semaphore(%arg10 : memref<!tpu.dma_semaphore, #tpu.memory_space<semaphore_mem>>) src(%arg4 : memref<128xf32, #tpu.memory_space<hbm>>) dst(%arg8 : memref<128xf32, #tpu.memory_space<vmem>>)
    %barrier3A = arith.constant 0 : index
    tpu.barrier barrier_id(%barrier3A)
    %scan3A = arith.constant 0 : i32
    %scan3A_11 = arith.constant 10 : i32
    %scan3A_12 = arith.addi %scan3A, %scan3A_11 : i32
    %scan3A_13 = arith.constant 1 : i32
    scf.for %scan3A_21 = %scan3A to %scan3A_12 step %scan3A_13  : i32 {
      %mul3A_22 = arith.constant 8 : i32
      %mul3A_23 = arith.muli %scan3A_21, %mul3A_22 : i32
      %add3A_24 = arith.constant 0 : i32
      %add3A_25 = arith.addi %add3A_24, %mul3A_23 : i32
      %add3A_26 = arith.constant 0 : i32
      %add3A_27 = arith.addi %add3A_25, %add3A_26 : i32
      %dma_start3A_28 = arith.constant 0 : i32
      %dma_start3A_29 = tpu.memref_slice %arg7[%add3A_27, %dma_start3A_28] : memref<80x128xi32, #tpu.memory_space<vmem>> -> memref<1x128xi32, #tpu.memory_space<vmem>>
      %dma_start3A_30 = tpu.memref_squeeze %dma_start3A_29 : memref<1x128xi32, #tpu.memory_space<vmem>> -> memref<128xi32, #tpu.memory_space<vmem>>
      %dma_start3A_31 = arith.constant 0 : i32
      %dma_start3A_32 = tpu.memref_slice %arg6[%dma_start3A_31] : memref<10240xf32, #tpu.memory_space<vmem_shared>> -> memref<10240xf32, #tpu.memory_space<vmem_shared>>
      tpu.enqueue_indirect_dma source(%arg8 : memref<128xf32, #tpu.memory_space<vmem>>) target(%dma_start3A_32 : memref<10240xf32, #tpu.memory_space<vmem_shared>>) offsets(%dma_start3A_30 : memref<128xi32, #tpu.memory_space<vmem>>) semaphore(%arg11 : memref<!tpu.dma_semaphore, #tpu.memory_space<semaphore_mem>>) {add = true}
      %add3A_33 = arith.constant 1 : i32
      %add3A_34 = arith.addi %add3A_25, %add3A_33 : i32
      %dma_start3A_35 = arith.constant 0 : i32
      %dma_start3A_36 = tpu.memref_slice %arg7[%add3A_34, %dma_start3A_35] : memref<80x128xi32, #tpu.memory_space<vmem>> -> memref<1x128xi32, #tpu.memory_space<vmem>>
      %dma_start3A_37 = tpu.memref_squeeze %dma_start3A_36 : memref<1x128xi32, #tpu.memory_space<vmem>> -> memref<128xi32, #tpu.memory_space<vmem>>
      %dma_start3A_38 = arith.constant 0 : i32
      %dma_start3A_39 = tpu.memref_slice %arg6[%dma_start3A_38] : memref<10240xf32, #tpu.memory_space<vmem_shared>> -> memref<10240xf32, #tpu.memory_space<vmem_shared>>
      tpu.enqueue_indirect_dma source(%arg8 : memref<128xf32, #tpu.memory_space<vmem>>) target(%dma_start3A_39 : memref<10240xf32, #tpu.memory_space<vmem_shared>>) offsets(%dma_start3A_37 : memref<128xi32, #tpu.memory_space<vmem>>) semaphore(%arg11 : memref<!tpu.dma_semaphore, #tpu.memory_space<semaphore_mem>>) {add = true}
      %add3A_40 = arith.constant 2 : i32
      %add3A_41 = arith.addi %add3A_25, %add3A_40 : i32
      %dma_start3A_42 = arith.constant 0 : i32
      %dma_start3A_43 = tpu.memref_slice %arg7[%add3A_41, %dma_start3A_42] : memref<80x128xi32, #tpu.memory_space<vmem>> -> memref<1x128xi32, #tpu.memory_space<vmem>>
      %dma_start3A_44 = tpu.memref_squeeze %dma_start3A_43 : memref<1x128xi32, #tpu.memory_space<vmem>> -> memref<128xi32, #tpu.memory_space<vmem>>
      %dma_start3A_45 = arith.constant 0 : i32
      %dma_start3A_46 = tpu.memref_slice %arg6[%dma_start3A_45] : memref<10240xf32, #tpu.memory_space<vmem_shared>> -> memref<10240xf32, #tpu.memory_space<vmem_shared>>
      tpu.enqueue_indirect_dma source(%arg8 : memref<128xf32, #tpu.memory_space<vmem>>) target(%dma_start3A_46 : memref<10240xf32, #tpu.memory_space<vmem_shared>>) offsets(%dma_start3A_44 : memref<128xi32, #tpu.memory_space<vmem>>) semaphore(%arg11 : memref<!tpu.dma_semaphore, #tpu.memory_space<semaphore_mem>>) {add = true}
      %add3A_47 = arith.constant 3 : i32
      %add3A_48 = arith.addi %add3A_25, %add3A_47 : i32
      %dma_start3A_49 = arith.constant 0 : i32
      %dma_start3A_50 = tpu.memref_slice %arg7[%add3A_48, %dma_start3A_49] : memref<80x128xi32, #tpu.memory_space<vmem>> -> memref<1x128xi32, #tpu.memory_space<vmem>>
      %dma_start3A_51 = tpu.memref_squeeze %dma_start3A_50 : memref<1x128xi32, #tpu.memory_space<vmem>> -> memref<128xi32, #tpu.memory_space<vmem>>
      %dma_start3A_52 = arith.constant 0 : i32
      %dma_start3A_53 = tpu.memref_slice %arg6[%dma_start3A_52] : memref<10240xf32, #tpu.memory_space<vmem_shared>> -> memref<10240xf32, #tpu.memory_space<vmem_shared>>
      tpu.enqueue_indirect_dma source(%arg8 : memref<128xf32, #tpu.memory_space<vmem>>) target(%dma_start3A_53 : memref<10240xf32, #tpu.memory_space<vmem_shared>>) offsets(%dma_start3A_51 : memref<128xi32, #tpu.memory_space<vmem>>) semaphore(%arg11 : memref<!tpu.dma_semaphore, #tpu.memory_space<semaphore_mem>>) {add = true}
      %add3A_54 = arith.constant 4 : i32
      %add3A_55 = arith.addi %add3A_25, %add3A_54 : i32
      %dma_start3A_56 = arith.constant 0 : i32
      %dma_start3A_57 = tpu.memref_slice %arg7[%add3A_55, %dma_start3A_56] : memref<80x128xi32, #tpu.memory_space<vmem>> -> memref<1x128xi32, #tpu.memory_space<vmem>>
      %dma_start3A_58 = tpu.memref_squeeze %dma_start3A_57 : memref<1x128xi32, #tpu.memory_space<vmem>> -> memref<128xi32, #tpu.memory_space<vmem>>
      %dma_start3A_59 = arith.constant 0 : i32
      %dma_start3A_60 = tpu.memref_slice %arg6[%dma_start3A_59] : memref<10240xf32, #tpu.memory_space<vmem_shared>> -> memref<10240xf32, #tpu.memory_space<vmem_shared>>
      tpu.enqueue_indirect_dma source(%arg8 : memref<128xf32, #tpu.memory_space<vmem>>) target(%dma_start3A_60 : memref<10240xf32, #tpu.memory_space<vmem_shared>>) offsets(%dma_start3A_58 : memref<128xi32, #tpu.memory_space<vmem>>) semaphore(%arg11 : memref<!tpu.dma_semaphore, #tpu.memory_space<semaphore_mem>>) {add = true}
      %add3A_61 = arith.constant 5 : i32
      %add3A_62 = arith.addi %add3A_25, %add3A_61 : i32
      %dma_start3A_63 = arith.constant 0 : i32
      %dma_start3A_64 = tpu.memref_slice %arg7[%add3A_62, %dma_start3A_63] : memref<80x128xi32, #tpu.memory_space<vmem>> -> memref<1x128xi32, #tpu.memory_space<vmem>>
      %dma_start3A_65 = tpu.memref_squeeze %dma_start3A_64 : memref<1x128xi32, #tpu.memory_space<vmem>> -> memref<128xi32, #tpu.memory_space<vmem>>
      %dma_start3A_66 = arith.constant 0 : i32
      %dma_start3A_67 = tpu.memref_slice %arg6[%dma_start3A_66] : memref<10240xf32, #tpu.memory_space<vmem_shared>> -> memref<10240xf32, #tpu.memory_space<vmem_shared>>
      tpu.enqueue_indirect_dma source(%arg8 : memref<128xf32, #tpu.memory_space<vmem>>) target(%dma_start3A_67 : memref<10240xf32, #tpu.memory_space<vmem_shared>>) offsets(%dma_start3A_65 : memref<128xi32, #tpu.memory_space<vmem>>) semaphore(%arg11 : memref<!tpu.dma_semaphore, #tpu.memory_space<semaphore_mem>>) {add = true}
      %add3A_68 = arith.constant 6 : i32
      %add3A_69 = arith.addi %add3A_25, %add3A_68 : i32
      %dma_start3A_70 = arith.constant 0 : i32
      %dma_start3A_71 = tpu.memref_slice %arg7[%add3A_69, %dma_start3A_70] : memref<80x128xi32, #tpu.memory_space<vmem>> -> memref<1x128xi32, #tpu.memory_space<vmem>>
      %dma_start3A_72 = tpu.memref_squeeze %dma_start3A_71 : memref<1x128xi32, #tpu.memory_space<vmem>> -> memref<128xi32, #tpu.memory_space<vmem>>
      %dma_start3A_73 = arith.constant 0 : i32
      %dma_start3A_74 = tpu.memref_slice %arg6[%dma_start3A_73] : memref<10240xf32, #tpu.memory_space<vmem_shared>> -> memref<10240xf32, #tpu.memory_space<vmem_shared>>
      tpu.enqueue_indirect_dma source(%arg8 : memref<128xf32, #tpu.memory_space<vmem>>) target(%dma_start3A_74 : memref<10240xf32, #tpu.memory_space<vmem_shared>>) offsets(%dma_start3A_72 : memref<128xi32, #tpu.memory_space<vmem>>) semaphore(%arg11 : memref<!tpu.dma_semaphore, #tpu.memory_space<semaphore_mem>>) {add = true}
      %add3A_75 = arith.constant 7 : i32
      %add3A_76 = arith.addi %add3A_25, %add3A_75 : i32
      %dma_start3A_77 = arith.constant 0 : i32
      %dma_start3A_78 = tpu.memref_slice %arg7[%add3A_76, %dma_start3A_77] : memref<80x128xi32, #tpu.memory_space<vmem>> -> memref<1x128xi32, #tpu.memory_space<vmem>>
      %dma_start3A_79 = tpu.memref_squeeze %dma_start3A_78 : memref<1x128xi32, #tpu.memory_space<vmem>> -> memref<128xi32, #tpu.memory_space<vmem>>
      %dma_start3A_80 = arith.constant 0 : i32
      %dma_start3A_81 = tpu.memref_slice %arg6[%dma_start3A_80] : memref<10240xf32, #tpu.memory_space<vmem_shared>> -> memref<10240xf32, #tpu.memory_space<vmem_shared>>
      tpu.enqueue_indirect_dma source(%arg8 : memref<128xf32, #tpu.memory_space<vmem>>) target(%dma_start3A_81 : memref<10240xf32, #tpu.memory_space<vmem_shared>>) offsets(%dma_start3A_79 : memref<128xi32, #tpu.memory_space<vmem>>) semaphore(%arg11 : memref<!tpu.dma_semaphore, #tpu.memory_space<semaphore_mem>>) {add = true}
      %dma_wait3A_82 = arith.constant 0 : i32
      %dma_wait3A_83 = tpu.memref_slice %arg7[%add3A_27, %dma_wait3A_82] : memref<80x128xi32, #tpu.memory_space<vmem>> -> memref<1x128xi32, #tpu.memory_space<vmem>>
      %dma_wait3A_84 = tpu.memref_squeeze %dma_wait3A_83 : memref<1x128xi32, #tpu.memory_space<vmem>> -> memref<128xi32, #tpu.memory_space<vmem>>
      %dma_wait3A_85 = arith.constant 0 : i32
      %dma_wait3A_86 = tpu.memref_slice %arg6[%dma_wait3A_85] : memref<10240xf32, #tpu.memory_space<vmem_shared>> -> memref<10240xf32, #tpu.memory_space<vmem_shared>>
      tpu.wait_indirect_dma semaphore(%arg11 : memref<!tpu.dma_semaphore, #tpu.memory_space<semaphore_mem>>) src(%arg8 : memref<128xf32, #tpu.memory_space<vmem>>) dst(%dma_wait3A_86 : memref<10240xf32, #tpu.memory_space<vmem_shared>>)
      %dma_wait3A_87 = arith.constant 0 : i32
      %dma_wait3A_88 = tpu.memref_slice %arg7[%add3A_34, %dma_wait3A_87] : memref<80x128xi32, #tpu.memory_space<vmem>> -> memref<1x128xi32, #tpu.memory_space<vmem>>
      %dma_wait3A_89 = tpu.memref_squeeze %dma_wait3A_88 : memref<1x128xi32, #tpu.memory_space<vmem>> -> memref<128xi32, #tpu.memory_space<vmem>>
      %dma_wait3A_90 = arith.constant 0 : i32
      %dma_wait3A_91 = tpu.memref_slice %arg6[%dma_wait3A_90] : memref<10240xf32, #tpu.memory_space<vmem_shared>> -> memref<10240xf32, #tpu.memory_space<vmem_shared>>
      tpu.wait_indirect_dma semaphore(%arg11 : memref<!tpu.dma_semaphore, #tpu.memory_space<semaphore_mem>>) src(%arg8 : memref<128xf32, #tpu.memory_space<vmem>>) dst(%dma_wait3A_91 : memref<10240xf32, #tpu.memory_space<vmem_shared>>)
      %dma_wait3A_92 = arith.constant 0 : i32
      %dma_wait3A_93 = tpu.memref_slice %arg7[%add3A_41, %dma_wait3A_92] : memref<80x128xi32, #tpu.memory_space<vmem>> -> memref<1x128xi32, #tpu.memory_space<vmem>>
      %dma_wait3A_94 = tpu.memref_squeeze %dma_wait3A_93 : memref<1x128xi32, #tpu.memory_space<vmem>> -> memref<128xi32, #tpu.memory_space<vmem>>
      %dma_wait3A_95 = arith.constant 0 : i32
      %dma_wait3A_96 = tpu.memref_slice %arg6[%dma_wait3A_95] : memref<10240xf32, #tpu.memory_space<vmem_shared>> -> memref<10240xf32, #tpu.memory_space<vmem_shared>>
      tpu.wait_indirect_dma semaphore(%arg11 : memref<!tpu.dma_semaphore, #tpu.memory_space<semaphore_mem>>) src(%arg8 : memref<128xf32, #tpu.memory_space<vmem>>) dst(%dma_wait3A_96 : memref<10240xf32, #tpu.memory_space<vmem_shared>>)
      %dma_wait3A_97 = arith.constant 0 : i32
      %dma_wait3A_98 = tpu.memref_slice %arg7[%add3A_48, %dma_wait3A_97] : memref<80x128xi32, #tpu.memory_space<vmem>> -> memref<1x128xi32, #tpu.memory_space<vmem>>
      %dma_wait3A_99 = tpu.memref_squeeze %dma_wait3A_98 : memref<1x128xi32, #tpu.memory_space<vmem>> -> memref<128xi32, #tpu.memory_space<vmem>>
      %dma_wait3A_100 = arith.constant 0 : i32
      %dma_wait3A_101 = tpu.memref_slice %arg6[%dma_wait3A_100] : memref<10240xf32, #tpu.memory_space<vmem_shared>> -> memref<10240xf32, #tpu.memory_space<vmem_shared>>
      tpu.wait_indirect_dma semaphore(%arg11 : memref<!tpu.dma_semaphore, #tpu.memory_space<semaphore_mem>>) src(%arg8 : memref<128xf32, #tpu.memory_space<vmem>>) dst(%dma_wait3A_101 : memref<10240xf32, #tpu.memory_space<vmem_shared>>)
      %dma_wait3A_102 = arith.constant 0 : i32
      %dma_wait3A_103 = tpu.memref_slice %arg7[%add3A_55, %dma_wait3A_102] : memref<80x128xi32, #tpu.memory_space<vmem>> -> memref<1x128xi32, #tpu.memory_space<vmem>>
      %dma_wait3A_104 = tpu.memref_squeeze %dma_wait3A_103 : memref<1x128xi32, #tpu.memory_space<vmem>> -> memref<128xi32, #tpu.memory_space<vmem>>
      %dma_wait3A_105 = arith.constant 0 : i32
      %dma_wait3A_106 = tpu.memref_slice %arg6[%dma_wait3A_105] : memref<10240xf32, #tpu.memory_space<vmem_shared>> -> memref<10240xf32, #tpu.memory_space<vmem_shared>>
      tpu.wait_indirect_dma semaphore(%arg11 : memref<!tpu.dma_semaphore, #tpu.memory_space<semaphore_mem>>) src(%arg8 : memref<128xf32, #tpu.memory_space<vmem>>) dst(%dma_wait3A_106 : memref<10240xf32, #tpu.memory_space<vmem_shared>>)
      %dma_wait3A_107 = arith.constant 0 : i32
      %dma_wait3A_108 = tpu.memref_slice %arg7[%add3A_62, %dma_wait3A_107] : memref<80x128xi32, #tpu.memory_space<vmem>> -> memref<1x128xi32, #tpu.memory_space<vmem>>
      %dma_wait3A_109 = tpu.memref_squeeze %dma_wait3A_108 : memref<1x128xi32, #tpu.memory_space<vmem>> -> memref<128xi32, #tpu.memory_space<vmem>>
      %dma_wait3A_110 = arith.constant 0 : i32
      %dma_wait3A_111 = tpu.memref_slice %arg6[%dma_wait3A_110] : memref<10240xf32, #tpu.memory_space<vmem_shared>> -> memref<10240xf32, #tpu.memory_space<vmem_shared>>
      tpu.wait_indirect_dma semaphore(%arg11 : memref<!tpu.dma_semaphore, #tpu.memory_space<semaphore_mem>>) src(%arg8 : memref<128xf32, #tpu.memory_space<vmem>>) dst(%dma_wait3A_111 : memref<10240xf32, #tpu.memory_space<vmem_shared>>)
      %dma_wait3A_112 = arith.constant 0 : i32
      %dma_wait3A_113 = tpu.memref_slice %arg7[%add3A_69, %dma_wait3A_112] : memref<80x128xi32, #tpu.memory_space<vmem>> -> memref<1x128xi32, #tpu.memory_space<vmem>>
      %dma_wait3A_114 = tpu.memref_squeeze %dma_wait3A_113 : memref<1x128xi32, #tpu.memory_space<vmem>> -> memref<128xi32, #tpu.memory_space<vmem>>
      %dma_wait3A_115 = arith.constant 0 : i32
      %dma_wait3A_116 = tpu.memref_slice %arg6[%dma_wait3A_115] : memref<10240xf32, #tpu.memory_space<vmem_shared>> -> memref<10240xf32, #tpu.memory_space<vmem_shared>>
      tpu.wait_indirect_dma semaphore(%arg11 : memref<!tpu.dma_semaphore, #tpu.memory_space<semaphore_mem>>) src(%arg8 : memref<128xf32, #tpu.memory_space<vmem>>) dst(%dma_wait3A_116 : memref<10240xf32, #tpu.memory_space<vmem_shared>>)
      %dma_wait3A_117 = arith.constant 0 : i32
      %dma_wait3A_118 = tpu.memref_slice %arg7[%add3A_76, %dma_wait3A_117] : memref<80x128xi32, #tpu.memory_space<vmem>> -> memref<1x128xi32, #tpu.memory_space<vmem>>
      %dma_wait3A_119 = tpu.memref_squeeze %dma_wait3A_118 : memref<1x128xi32, #tpu.memory_space<vmem>> -> memref<128xi32, #tpu.memory_space<vmem>>
      %dma_wait3A_120 = arith.constant 0 : i32
      %dma_wait3A_121 = tpu.memref_slice %arg6[%dma_wait3A_120] : memref<10240xf32, #tpu.memory_space<vmem_shared>> -> memref<10240xf32, #tpu.memory_space<vmem_shared>>
      tpu.wait_indirect_dma semaphore(%arg11 : memref<!tpu.dma_semaphore, #tpu.memory_space<semaphore_mem>>) src(%arg8 : memref<128xf32, #tpu.memory_space<vmem>>) dst(%dma_wait3A_121 : memref<10240xf32, #tpu.memory_space<vmem_shared>>)
    }
    %scan3A_14 = arith.constant 10 : i32
    %barrier3A_15 = arith.constant 0 : index
    tpu.barrier barrier_id(%barrier3A_15)
    %mul3A_16 = arith.constant 10240 : i32
    %mul3A_17 = arith.muli %arg0, %mul3A_16 : i32
    %mul3A_18 = arith.constant 640 : i32
    %mul3A_19 = arith.muli %arg1, %mul3A_18 : i32
    %add3A_20 = arith.addi %mul3A_17, %mul3A_19 : i32
    "tpu.region"() ({
      %run_scoped3A = tpu.sem_alloc : memref<!tpu.dma_semaphore, #tpu.memory_space<semaphore_mem>>
      %dma_start3A_21 = tpu.memref_slice %arg5[%add3A_20] : memref<20480xf32, #tpu.memory_space<hbm>> -> memref<640xf32, #tpu.memory_space<hbm>>
      %dma_start3A_22 = tpu.memref_slice %arg6[%mul3A_2] : memref<10240xf32, #tpu.memory_space<vmem_shared>> -> memref<640xf32, #tpu.memory_space<vmem_shared>>
      tpu.enqueue_dma source(%dma_start3A_22 : memref<640xf32, #tpu.memory_space<vmem_shared>>) target(%dma_start3A_21 : memref<640xf32, #tpu.memory_space<hbm>>) target_semaphore(%run_scoped3A : memref<!tpu.dma_semaphore, #tpu.memory_space<semaphore_mem>>)
      %dma_wait3A_23 = tpu.memref_slice %arg5[%add3A_20] : memref<20480xf32, #tpu.memory_space<hbm>> -> memref<640xf32, #tpu.memory_space<hbm>>
      %dma_wait3A_24 = tpu.memref_slice %arg6[%mul3A_2] : memref<10240xf32, #tpu.memory_space<vmem_shared>> -> memref<640xf32, #tpu.memory_space<vmem_shared>>
      tpu.wait_dma2 semaphore(%run_scoped3A : memref<!tpu.dma_semaphore, #tpu.memory_space<semaphore_mem>>) src(%dma_wait3A_24 : memref<640xf32, #tpu.memory_space<vmem_shared>>) dst(%dma_wait3A_23 : memref<640xf32, #tpu.memory_space<hbm>>)
      tpu.yield
    }) : () -> ()
    return
  }
}

#map = affine_map<(d0, d1) -> (0, 0)>
#map1 = affine_map<(d0, d1) -> (0, 0, 0)>
module attributes {stable_mosaic.version = 14 : i64} {
  func.func @_sc_scatter(%arg0: i32, %arg1: i32, %arg2: memref<10240x128xf32, #tpu.memory_space<hbm>>, %arg3: memref<2560x128xi32, #tpu.memory_space<hbm>>, %arg4: memref<2560x128xi32, #tpu.memory_space<hbm>>, %arg5: memref<640x128xf32, #tpu.memory_space<hbm>>, %arg6: memref<2x10240x128xf32, #tpu.memory_space<hbm>>, %arg7: memref<10240x128xf32, #tpu.memory_space<vmem_shared>>, %arg8: memref<40x128xi32, #tpu.memory_space<vmem>>, %arg9: memref<40x128xi32, #tpu.memory_space<vmem>>, %arg10: memref<128x128xf32, #tpu.memory_space<vmem>>, %arg11: memref<128x128xf32, #tpu.memory_space<vmem>>, %arg12: memref<!tpu.dma_semaphore, #tpu.memory_space<semaphore_mem>>, %arg13: memref<!tpu.dma_semaphore, #tpu.memory_space<semaphore_mem>>, %arg14: memref<!tpu.dma_semaphore, #tpu.memory_space<semaphore_mem>>, %arg15: memref<!tpu.dma_semaphore, #tpu.memory_space<semaphore_mem>>, %arg16: memref<!tpu.dma_semaphore, #tpu.memory_space<semaphore_mem>>, %arg17: memref<!tpu.dma_semaphore, #tpu.memory_space<semaphore_mem>>) attributes {dimension_semantics = [#tpu.dimension_semantics<core_parallel>, #tpu.dimension_semantics<subcore_parallel>], iteration_bounds = array<i64: 2, 16>, scalar_prefetch = 0 : i64, scratch_operands = 11 : i64, tpu.core_type = #tpu.core_type<sc_vector_subcore>, window_params = [{transform_indices = #map}, {transform_indices = #map}, {transform_indices = #map}, {transform_indices = #map}, {transform_indices = #map1}]} {
    %mul3A = arith.constant 16 : i32
    %mul3A_0 = arith.muli %arg0, %mul3A : i32
    %add3A = arith.addi %mul3A_0, %arg1 : i32
    %mul3A_1 = arith.constant 640 : i32
    %mul3A_2 = arith.muli %arg1, %mul3A_1 : i32
    %mul3A_3 = arith.constant 80 : i32
    %mul3A_4 = arith.muli %add3A, %mul3A_3 : i32
    %dma_start3A = arith.constant 0 : i32
    %dma_start3A_5 = tpu.memref_slice %arg3[%mul3A_4, %dma_start3A] : memref<2560x128xi32, #tpu.memory_space<hbm>> -> memref<40x128xi32, #tpu.memory_space<hbm>>
    %dma_start3A_6 = arith.constant 0 : i32
    %dma_start3A_7 = tpu.memref_slice %arg3[%mul3A_4, %dma_start3A_6] : memref<2560x128xi32, #tpu.memory_space<hbm>> -> memref<40x128xi32, #tpu.memory_space<hbm>>
    tpu.enqueue_dma source(%dma_start3A_7 : memref<40x128xi32, #tpu.memory_space<hbm>>) target(%arg8 : memref<40x128xi32, #tpu.memory_space<vmem>>) target_semaphore(%arg12 : memref<!tpu.dma_semaphore, #tpu.memory_space<semaphore_mem>>)
    %mul3A_8 = arith.constant 80 : i32
    %mul3A_9 = arith.muli %add3A, %mul3A_8 : i32
    %dma_start3A_10 = arith.constant 0 : i32
    %dma_start3A_11 = tpu.memref_slice %arg4[%mul3A_9, %dma_start3A_10] : memref<2560x128xi32, #tpu.memory_space<hbm>> -> memref<40x128xi32, #tpu.memory_space<hbm>>
    %dma_start3A_12 = arith.constant 0 : i32
    %dma_start3A_13 = tpu.memref_slice %arg4[%mul3A_9, %dma_start3A_12] : memref<2560x128xi32, #tpu.memory_space<hbm>> -> memref<40x128xi32, #tpu.memory_space<hbm>>
    tpu.enqueue_dma source(%dma_start3A_13 : memref<40x128xi32, #tpu.memory_space<hbm>>) target(%arg9 : memref<40x128xi32, #tpu.memory_space<vmem>>) target_semaphore(%arg13 : memref<!tpu.dma_semaphore, #tpu.memory_space<semaphore_mem>>)
    %eq3A = arith.constant 0 : i32
    %eq3A_14 = arith.cmpi eq, %arg0, %eq3A : i32
    %convert_element_type3A = arith.extui %eq3A_14 : i1 to i32
    %cond3A = arith.constant 0 : i32
    %cond3A_15 = arith.cmpi ne, %convert_element_type3A, %cond3A : i32
    scf.if %cond3A_15 {
      "tpu.region"() ({
        %run_scoped3A = tpu.sem_alloc : memref<!tpu.dma_semaphore, #tpu.memory_space<semaphore_mem>>
        %dma_start3A_32 = arith.constant 0 : i32
        %dma_start3A_33 = tpu.memref_slice %arg7[%mul3A_2, %dma_start3A_32] : memref<10240x128xf32, #tpu.memory_space<vmem_shared>> -> memref<640x128xf32, #tpu.memory_space<vmem_shared>>
        %dma_start3A_34 = arith.constant 0 : i32
        %dma_start3A_35 = tpu.memref_slice %arg2[%mul3A_2, %dma_start3A_34] : memref<10240x128xf32, #tpu.memory_space<hbm>> -> memref<640x128xf32, #tpu.memory_space<hbm>>
        tpu.enqueue_dma source(%dma_start3A_35 : memref<640x128xf32, #tpu.memory_space<hbm>>) target(%dma_start3A_33 : memref<640x128xf32, #tpu.memory_space<vmem_shared>>) target_semaphore(%run_scoped3A : memref<!tpu.dma_semaphore, #tpu.memory_space<semaphore_mem>>)
        %dma_wait3A_36 = arith.constant 0 : i32
        %dma_wait3A_37 = tpu.memref_slice %arg7[%mul3A_2, %dma_wait3A_36] : memref<10240x128xf32, #tpu.memory_space<vmem_shared>> -> memref<640x128xf32, #tpu.memory_space<vmem_shared>>
        %dma_wait3A_38 = arith.constant 0 : i32
        %dma_wait3A_39 = tpu.memref_slice %arg2[%mul3A_2, %dma_wait3A_38] : memref<10240x128xf32, #tpu.memory_space<hbm>> -> memref<640x128xf32, #tpu.memory_space<hbm>>
        tpu.wait_dma2 semaphore(%run_scoped3A : memref<!tpu.dma_semaphore, #tpu.memory_space<semaphore_mem>>) src(%dma_wait3A_39 : memref<640x128xf32, #tpu.memory_space<hbm>>) dst(%dma_wait3A_37 : memref<640x128xf32, #tpu.memory_space<vmem_shared>>)
        tpu.yield
      }) : () -> ()
    } else {
    }
    %ne3A = arith.constant 0 : i32
    %ne3A_16 = arith.cmpi ne, %arg0, %ne3A : i32
    %convert_element_type3A_17 = arith.extui %ne3A_16 : i1 to i32
    %cond3A_18 = arith.constant 0 : i32
    %cond3A_19 = arith.cmpi ne, %convert_element_type3A_17, %cond3A_18 : i32
    scf.if %cond3A_19 {
      "tpu.region"() ({
        %run_scoped3A = tpu.sem_alloc : memref<!tpu.dma_semaphore, #tpu.memory_space<semaphore_mem>>
        %dma_start3A_32 = arith.constant 0 : i32
        %dma_start3A_33 = tpu.memref_slice %arg7[%mul3A_2, %dma_start3A_32] : memref<10240x128xf32, #tpu.memory_space<vmem_shared>> -> memref<640x128xf32, #tpu.memory_space<vmem_shared>>
        tpu.enqueue_dma source(%arg5 : memref<640x128xf32, #tpu.memory_space<hbm>>) target(%dma_start3A_33 : memref<640x128xf32, #tpu.memory_space<vmem_shared>>) target_semaphore(%run_scoped3A : memref<!tpu.dma_semaphore, #tpu.memory_space<semaphore_mem>>)
        %dma_wait3A_34 = arith.constant 0 : i32
        %dma_wait3A_35 = tpu.memref_slice %arg7[%mul3A_2, %dma_wait3A_34] : memref<10240x128xf32, #tpu.memory_space<vmem_shared>> -> memref<640x128xf32, #tpu.memory_space<vmem_shared>>
        tpu.wait_dma2 semaphore(%run_scoped3A : memref<!tpu.dma_semaphore, #tpu.memory_space<semaphore_mem>>) src(%arg5 : memref<640x128xf32, #tpu.memory_space<hbm>>) dst(%dma_wait3A_35 : memref<640x128xf32, #tpu.memory_space<vmem_shared>>)
        tpu.yield
      }) : () -> ()
    } else {
    }
    %dma_wait3A = arith.constant 0 : i32
    %dma_wait3A_20 = tpu.memref_slice %arg3[%mul3A_4, %dma_wait3A] : memref<2560x128xi32, #tpu.memory_space<hbm>> -> memref<40x128xi32, #tpu.memory_space<hbm>>
    %dma_wait3A_21 = arith.constant 0 : i32
    %dma_wait3A_22 = tpu.memref_slice %arg3[%mul3A_4, %dma_wait3A_21] : memref<2560x128xi32, #tpu.memory_space<hbm>> -> memref<40x128xi32, #tpu.memory_space<hbm>>
    tpu.wait_dma2 semaphore(%arg12 : memref<!tpu.dma_semaphore, #tpu.memory_space<semaphore_mem>>) src(%dma_wait3A_22 : memref<40x128xi32, #tpu.memory_space<hbm>>) dst(%arg8 : memref<40x128xi32, #tpu.memory_space<vmem>>)
    %dma_wait3A_23 = arith.constant 0 : i32
    %dma_wait3A_24 = tpu.memref_slice %arg4[%mul3A_9, %dma_wait3A_23] : memref<2560x128xi32, #tpu.memory_space<hbm>> -> memref<40x128xi32, #tpu.memory_space<hbm>>
    %dma_wait3A_25 = arith.constant 0 : i32
    %dma_wait3A_26 = tpu.memref_slice %arg4[%mul3A_9, %dma_wait3A_25] : memref<2560x128xi32, #tpu.memory_space<hbm>> -> memref<40x128xi32, #tpu.memory_space<hbm>>
    tpu.wait_dma2 semaphore(%arg13 : memref<!tpu.dma_semaphore, #tpu.memory_space<semaphore_mem>>) src(%dma_wait3A_26 : memref<40x128xi32, #tpu.memory_space<hbm>>) dst(%arg9 : memref<40x128xi32, #tpu.memory_space<vmem>>)
    %barrier3A = arith.constant 0 : index
    tpu.barrier barrier_id(%barrier3A)
    %scan3A = arith.constant 0 : i32
    %scan3A_27 = arith.constant 2 : i32
    %scan3A_28 = arith.addi %scan3A, %scan3A_27 : i32
    %scan3A_29 = arith.constant 1 : i32
    scf.for %scan3A_32 = %scan3A to %scan3A_28 step %scan3A_29  : i32 {
      %mul3A_33 = arith.constant 1 : i32
      %mul3A_34 = arith.muli %scan3A_32, %mul3A_33 : i32
      %add3A_35 = arith.constant 0 : i32
      %add3A_36 = arith.addi %add3A_35, %mul3A_34 : i32
      %gt3A = arith.constant 0 : i32
      %gt3A_37 = arith.cmpi sgt, %add3A_36, %gt3A : i32
      %convert_element_type3A_38 = arith.extui %gt3A_37 : i1 to i32
      %cond3A_39 = arith.constant 0 : i32
      %cond3A_40 = arith.cmpi ne, %convert_element_type3A_38, %cond3A_39 : i32
      scf.if %cond3A_40 {
        %mul3A_46 = arith.constant 80 : i32
        %mul3A_47 = arith.muli %add3A, %mul3A_46 : i32
        %mul3A_48 = arith.constant 40 : i32
        %mul3A_49 = arith.muli %add3A_36, %mul3A_48 : i32
        %add3A_50 = arith.addi %mul3A_47, %mul3A_49 : i32
        %dma_start3A_51 = arith.constant 0 : i32
        %dma_start3A_52 = tpu.memref_slice %arg3[%add3A_50, %dma_start3A_51] : memref<2560x128xi32, #tpu.memory_space<hbm>> -> memref<40x128xi32, #tpu.memory_space<hbm>>
        %dma_start3A_53 = arith.constant 0 : i32
        %dma_start3A_54 = tpu.memref_slice %arg3[%add3A_50, %dma_start3A_53] : memref<2560x128xi32, #tpu.memory_space<hbm>> -> memref<40x128xi32, #tpu.memory_space<hbm>>
        tpu.enqueue_dma source(%dma_start3A_54 : memref<40x128xi32, #tpu.memory_space<hbm>>) target(%arg8 : memref<40x128xi32, #tpu.memory_space<vmem>>) target_semaphore(%arg12 : memref<!tpu.dma_semaphore, #tpu.memory_space<semaphore_mem>>)
        %dma_wait3A_55 = arith.constant 0 : i32
        %dma_wait3A_56 = tpu.memref_slice %arg3[%add3A_50, %dma_wait3A_55] : memref<2560x128xi32, #tpu.memory_space<hbm>> -> memref<40x128xi32, #tpu.memory_space<hbm>>
        %dma_wait3A_57 = arith.constant 0 : i32
        %dma_wait3A_58 = tpu.memref_slice %arg3[%add3A_50, %dma_wait3A_57] : memref<2560x128xi32, #tpu.memory_space<hbm>> -> memref<40x128xi32, #tpu.memory_space<hbm>>
        tpu.wait_dma2 semaphore(%arg12 : memref<!tpu.dma_semaphore, #tpu.memory_space<semaphore_mem>>) src(%dma_wait3A_58 : memref<40x128xi32, #tpu.memory_space<hbm>>) dst(%arg8 : memref<40x128xi32, #tpu.memory_space<vmem>>)
        %mul3A_59 = arith.constant 80 : i32
        %mul3A_60 = arith.muli %add3A, %mul3A_59 : i32
        %mul3A_61 = arith.constant 40 : i32
        %mul3A_62 = arith.muli %add3A_36, %mul3A_61 : i32
        %add3A_63 = arith.addi %mul3A_60, %mul3A_62 : i32
        %dma_start3A_64 = arith.constant 0 : i32
        %dma_start3A_65 = tpu.memref_slice %arg4[%add3A_63, %dma_start3A_64] : memref<2560x128xi32, #tpu.memory_space<hbm>> -> memref<40x128xi32, #tpu.memory_space<hbm>>
        %dma_start3A_66 = arith.constant 0 : i32
        %dma_start3A_67 = tpu.memref_slice %arg4[%add3A_63, %dma_start3A_66] : memref<2560x128xi32, #tpu.memory_space<hbm>> -> memref<40x128xi32, #tpu.memory_space<hbm>>
        tpu.enqueue_dma source(%dma_start3A_67 : memref<40x128xi32, #tpu.memory_space<hbm>>) target(%arg9 : memref<40x128xi32, #tpu.memory_space<vmem>>) target_semaphore(%arg13 : memref<!tpu.dma_semaphore, #tpu.memory_space<semaphore_mem>>)
        %dma_wait3A_68 = arith.constant 0 : i32
        %dma_wait3A_69 = tpu.memref_slice %arg4[%add3A_63, %dma_wait3A_68] : memref<2560x128xi32, #tpu.memory_space<hbm>> -> memref<40x128xi32, #tpu.memory_space<hbm>>
        %dma_wait3A_70 = arith.constant 0 : i32
        %dma_wait3A_71 = tpu.memref_slice %arg4[%add3A_63, %dma_wait3A_70] : memref<2560x128xi32, #tpu.memory_space<hbm>> -> memref<40x128xi32, #tpu.memory_space<hbm>>
        tpu.wait_dma2 semaphore(%arg13 : memref<!tpu.dma_semaphore, #tpu.memory_space<semaphore_mem>>) src(%dma_wait3A_71 : memref<40x128xi32, #tpu.memory_space<hbm>>) dst(%arg9 : memref<40x128xi32, #tpu.memory_space<vmem>>)
      } else {
      }
      %scan3A_41 = arith.constant 0 : i32
      %scan3A_42 = arith.constant 20 : i32
      %scan3A_43 = arith.addi %scan3A_41, %scan3A_42 : i32
      %scan3A_44 = arith.constant 1 : i32
      scf.for %scan3A_46 = %scan3A_41 to %scan3A_43 step %scan3A_44  : i32 {
        %mul3A_47 = arith.constant 2 : i32
        %mul3A_48 = arith.muli %scan3A_46, %mul3A_47 : i32
        %add3A_49 = arith.constant 0 : i32
        %add3A_50 = arith.addi %add3A_49, %mul3A_48 : i32
        %dma_start3A_51 = arith.constant 0 : i32
        %dma_start3A_52 = tpu.memref_slice %arg8[%add3A_50, %dma_start3A_51] : memref<40x128xi32, #tpu.memory_space<vmem>> -> memref<1x128xi32, #tpu.memory_space<vmem>>
        %dma_start3A_53 = tpu.memref_squeeze %dma_start3A_52 : memref<1x128xi32, #tpu.memory_space<vmem>> -> memref<128xi32, #tpu.memory_space<vmem>>
        %dma_start3A_54 = arith.constant 0 : i32
        %dma_start3A_55 = arith.constant 0 : i32
        %dma_start3A_56 = tpu.memref_slice %arg2[%dma_start3A_54, %dma_start3A_55] : memref<10240x128xf32, #tpu.memory_space<hbm>> -> memref<10240x128xf32, #tpu.memory_space<hbm>>
        tpu.enqueue_indirect_dma source(%dma_start3A_56 : memref<10240x128xf32, #tpu.memory_space<hbm>>) target(%arg10 : memref<128x128xf32, #tpu.memory_space<vmem>>) offsets(%dma_start3A_53 : memref<128xi32, #tpu.memory_space<vmem>>) semaphore(%arg14 : memref<!tpu.dma_semaphore, #tpu.memory_space<semaphore_mem>>)
        %add3A_57 = arith.constant 1 : i32
        %add3A_58 = arith.addi %add3A_50, %add3A_57 : i32
        %dma_start3A_59 = arith.constant 0 : i32
        %dma_start3A_60 = tpu.memref_slice %arg8[%add3A_58, %dma_start3A_59] : memref<40x128xi32, #tpu.memory_space<vmem>> -> memref<1x128xi32, #tpu.memory_space<vmem>>
        %dma_start3A_61 = tpu.memref_squeeze %dma_start3A_60 : memref<1x128xi32, #tpu.memory_space<vmem>> -> memref<128xi32, #tpu.memory_space<vmem>>
        %dma_start3A_62 = arith.constant 0 : i32
        %dma_start3A_63 = arith.constant 0 : i32
        %dma_start3A_64 = tpu.memref_slice %arg2[%dma_start3A_62, %dma_start3A_63] : memref<10240x128xf32, #tpu.memory_space<hbm>> -> memref<10240x128xf32, #tpu.memory_space<hbm>>
        tpu.enqueue_indirect_dma source(%dma_start3A_64 : memref<10240x128xf32, #tpu.memory_space<hbm>>) target(%arg11 : memref<128x128xf32, #tpu.memory_space<vmem>>) offsets(%dma_start3A_61 : memref<128xi32, #tpu.memory_space<vmem>>) semaphore(%arg15 : memref<!tpu.dma_semaphore, #tpu.memory_space<semaphore_mem>>)
        %dma_wait3A_65 = arith.constant 0 : i32
        %dma_wait3A_66 = tpu.memref_slice %arg8[%add3A_50, %dma_wait3A_65] : memref<40x128xi32, #tpu.memory_space<vmem>> -> memref<1x128xi32, #tpu.memory_space<vmem>>
        %dma_wait3A_67 = tpu.memref_squeeze %dma_wait3A_66 : memref<1x128xi32, #tpu.memory_space<vmem>> -> memref<128xi32, #tpu.memory_space<vmem>>
        %dma_wait3A_68 = arith.constant 0 : i32
        %dma_wait3A_69 = arith.constant 0 : i32
        %dma_wait3A_70 = tpu.memref_slice %arg2[%dma_wait3A_68, %dma_wait3A_69] : memref<10240x128xf32, #tpu.memory_space<hbm>> -> memref<10240x128xf32, #tpu.memory_space<hbm>>
        tpu.wait_indirect_dma semaphore(%arg14 : memref<!tpu.dma_semaphore, #tpu.memory_space<semaphore_mem>>) src(%dma_wait3A_70 : memref<10240x128xf32, #tpu.memory_space<hbm>>) dst(%arg10 : memref<128x128xf32, #tpu.memory_space<vmem>>)
        %dma_start3A_71 = arith.constant 0 : i32
        %dma_start3A_72 = tpu.memref_slice %arg9[%add3A_50, %dma_start3A_71] : memref<40x128xi32, #tpu.memory_space<vmem>> -> memref<1x128xi32, #tpu.memory_space<vmem>>
        %dma_start3A_73 = tpu.memref_squeeze %dma_start3A_72 : memref<1x128xi32, #tpu.memory_space<vmem>> -> memref<128xi32, #tpu.memory_space<vmem>>
        %dma_start3A_74 = arith.constant 0 : i32
        %dma_start3A_75 = arith.constant 0 : i32
        %dma_start3A_76 = tpu.memref_slice %arg7[%dma_start3A_74, %dma_start3A_75] : memref<10240x128xf32, #tpu.memory_space<vmem_shared>> -> memref<10240x128xf32, #tpu.memory_space<vmem_shared>>
        tpu.enqueue_indirect_dma source(%arg10 : memref<128x128xf32, #tpu.memory_space<vmem>>) target(%dma_start3A_76 : memref<10240x128xf32, #tpu.memory_space<vmem_shared>>) offsets(%dma_start3A_73 : memref<128xi32, #tpu.memory_space<vmem>>) semaphore(%arg16 : memref<!tpu.dma_semaphore, #tpu.memory_space<semaphore_mem>>) {add = true}
        %dma_wait3A_77 = arith.constant 0 : i32
        %dma_wait3A_78 = tpu.memref_slice %arg8[%add3A_58, %dma_wait3A_77] : memref<40x128xi32, #tpu.memory_space<vmem>> -> memref<1x128xi32, #tpu.memory_space<vmem>>
        %dma_wait3A_79 = tpu.memref_squeeze %dma_wait3A_78 : memref<1x128xi32, #tpu.memory_space<vmem>> -> memref<128xi32, #tpu.memory_space<vmem>>
        %dma_wait3A_80 = arith.constant 0 : i32
        %dma_wait3A_81 = arith.constant 0 : i32
        %dma_wait3A_82 = tpu.memref_slice %arg2[%dma_wait3A_80, %dma_wait3A_81] : memref<10240x128xf32, #tpu.memory_space<hbm>> -> memref<10240x128xf32, #tpu.memory_space<hbm>>
        tpu.wait_indirect_dma semaphore(%arg15 : memref<!tpu.dma_semaphore, #tpu.memory_space<semaphore_mem>>) src(%dma_wait3A_82 : memref<10240x128xf32, #tpu.memory_space<hbm>>) dst(%arg11 : memref<128x128xf32, #tpu.memory_space<vmem>>)
        %add3A_83 = arith.constant 1 : i32
        %add3A_84 = arith.addi %add3A_50, %add3A_83 : i32
        %dma_start3A_85 = arith.constant 0 : i32
        %dma_start3A_86 = tpu.memref_slice %arg9[%add3A_84, %dma_start3A_85] : memref<40x128xi32, #tpu.memory_space<vmem>> -> memref<1x128xi32, #tpu.memory_space<vmem>>
        %dma_start3A_87 = tpu.memref_squeeze %dma_start3A_86 : memref<1x128xi32, #tpu.memory_space<vmem>> -> memref<128xi32, #tpu.memory_space<vmem>>
        %dma_start3A_88 = arith.constant 0 : i32
        %dma_start3A_89 = arith.constant 0 : i32
        %dma_start3A_90 = tpu.memref_slice %arg7[%dma_start3A_88, %dma_start3A_89] : memref<10240x128xf32, #tpu.memory_space<vmem_shared>> -> memref<10240x128xf32, #tpu.memory_space<vmem_shared>>
        tpu.enqueue_indirect_dma source(%arg11 : memref<128x128xf32, #tpu.memory_space<vmem>>) target(%dma_start3A_90 : memref<10240x128xf32, #tpu.memory_space<vmem_shared>>) offsets(%dma_start3A_87 : memref<128xi32, #tpu.memory_space<vmem>>) semaphore(%arg17 : memref<!tpu.dma_semaphore, #tpu.memory_space<semaphore_mem>>) {add = true}
        %dma_wait3A_91 = arith.constant 0 : i32
        %dma_wait3A_92 = tpu.memref_slice %arg9[%add3A_50, %dma_wait3A_91] : memref<40x128xi32, #tpu.memory_space<vmem>> -> memref<1x128xi32, #tpu.memory_space<vmem>>
        %dma_wait3A_93 = tpu.memref_squeeze %dma_wait3A_92 : memref<1x128xi32, #tpu.memory_space<vmem>> -> memref<128xi32, #tpu.memory_space<vmem>>
        %dma_wait3A_94 = arith.constant 0 : i32
        %dma_wait3A_95 = arith.constant 0 : i32
        %dma_wait3A_96 = tpu.memref_slice %arg7[%dma_wait3A_94, %dma_wait3A_95] : memref<10240x128xf32, #tpu.memory_space<vmem_shared>> -> memref<10240x128xf32, #tpu.memory_space<vmem_shared>>
        tpu.wait_indirect_dma semaphore(%arg16 : memref<!tpu.dma_semaphore, #tpu.memory_space<semaphore_mem>>) src(%arg10 : memref<128x128xf32, #tpu.memory_space<vmem>>) dst(%dma_wait3A_96 : memref<10240x128xf32, #tpu.memory_space<vmem_shared>>)
        %dma_wait3A_97 = arith.constant 0 : i32
        %dma_wait3A_98 = tpu.memref_slice %arg9[%add3A_84, %dma_wait3A_97] : memref<40x128xi32, #tpu.memory_space<vmem>> -> memref<1x128xi32, #tpu.memory_space<vmem>>
        %dma_wait3A_99 = tpu.memref_squeeze %dma_wait3A_98 : memref<1x128xi32, #tpu.memory_space<vmem>> -> memref<128xi32, #tpu.memory_space<vmem>>
        %dma_wait3A_100 = arith.constant 0 : i32
        %dma_wait3A_101 = arith.constant 0 : i32
        %dma_wait3A_102 = tpu.memref_slice %arg7[%dma_wait3A_100, %dma_wait3A_101] : memref<10240x128xf32, #tpu.memory_space<vmem_shared>> -> memref<10240x128xf32, #tpu.memory_space<vmem_shared>>
        tpu.wait_indirect_dma semaphore(%arg17 : memref<!tpu.dma_semaphore, #tpu.memory_space<semaphore_mem>>) src(%arg11 : memref<128x128xf32, #tpu.memory_space<vmem>>) dst(%dma_wait3A_102 : memref<10240x128xf32, #tpu.memory_space<vmem_shared>>)
      }
      %scan3A_45 = arith.constant 20 : i32
    }
    %scan3A_30 = arith.constant 2 : i32
    %barrier3A_31 = arith.constant 0 : index
    tpu.barrier barrier_id(%barrier3A_31)
    "tpu.region"() ({
      %run_scoped3A = tpu.sem_alloc : memref<!tpu.dma_semaphore, #tpu.memory_space<semaphore_mem>>
      %dma_start3A_32 = arith.constant 0 : i32
      %dma_start3A_33 = tpu.memref_slice %arg6[%arg0, %mul3A_2, %dma_start3A_32] : memref<2x10240x128xf32, #tpu.memory_space<hbm>> -> memref<1x640x128xf32, #tpu.memory_space<hbm>>
      %dma_start3A_34 = tpu.memref_squeeze %dma_start3A_33 : memref<1x640x128xf32, #tpu.memory_space<hbm>> -> memref<640x128xf32, #tpu.memory_space<hbm>>
      %dma_start3A_35 = arith.constant 0 : i32
      %dma_start3A_36 = tpu.memref_slice %arg7[%mul3A_2, %dma_start3A_35] : memref<10240x128xf32, #tpu.memory_space<vmem_shared>> -> memref<640x128xf32, #tpu.memory_space<vmem_shared>>
      tpu.enqueue_dma source(%dma_start3A_36 : memref<640x128xf32, #tpu.memory_space<vmem_shared>>) target(%dma_start3A_34 : memref<640x128xf32, #tpu.memory_space<hbm>>) target_semaphore(%run_scoped3A : memref<!tpu.dma_semaphore, #tpu.memory_space<semaphore_mem>>)
      %dma_wait3A_37 = arith.constant 0 : i32
      %dma_wait3A_38 = tpu.memref_slice %arg6[%arg0, %mul3A_2, %dma_wait3A_37] : memref<2x10240x128xf32, #tpu.memory_space<hbm>> -> memref<1x640x128xf32, #tpu.memory_space<hbm>>
      %dma_wait3A_39 = tpu.memref_squeeze %dma_wait3A_38 : memref<1x640x128xf32, #tpu.memory_space<hbm>> -> memref<640x128xf32, #tpu.memory_space<hbm>>
      %dma_wait3A_40 = arith.constant 0 : i32
      %dma_wait3A_41 = tpu.memref_slice %arg7[%mul3A_2, %dma_wait3A_40] : memref<10240x128xf32, #tpu.memory_space<vmem_shared>> -> memref<640x128xf32, #tpu.memory_space<vmem_shared>>
      tpu.wait_dma2 semaphore(%run_scoped3A : memref<!tpu.dma_semaphore, #tpu.memory_space<semaphore_mem>>) src(%dma_wait3A_41 : memref<640x128xf32, #tpu.memory_space<vmem_shared>>) dst(%dma_wait3A_39 : memref<640x128xf32, #tpu.memory_space<hbm>>)
      tpu.yield
    }) : () -> ()
    return
  }
}

#map = affine_map<(d0, d1) -> (0, 0)>
#map1 = affine_map<(d0, d1) -> (0, 0, 0)>
module attributes {stable_mosaic.version = 14 : i64} {
  func.func @_sc_scatter(%arg0: i32, %arg1: i32, %arg2: memref<10240x128xf32, #tpu.memory_space<hbm>>, %arg3: memref<2560x128xi32, #tpu.memory_space<hbm>>, %arg4: memref<2560x128xi32, #tpu.memory_space<hbm>>, %arg5: memref<640x128xf32, #tpu.memory_space<hbm>>, %arg6: memref<2x10240x128xf32, #tpu.memory_space<hbm>>, %arg7: memref<10240x128xf32, #tpu.memory_space<vmem_shared>>, %arg8: memref<40x128xi32, #tpu.memory_space<vmem>>, %arg9: memref<40x128xi32, #tpu.memory_space<vmem>>, %arg10: memref<128x128xf32, #tpu.memory_space<vmem>>, %arg11: memref<128x128xf32, #tpu.memory_space<vmem>>, %arg12: memref<!tpu.dma_semaphore, #tpu.memory_space<semaphore_mem>>, %arg13: memref<!tpu.dma_semaphore, #tpu.memory_space<semaphore_mem>>, %arg14: memref<!tpu.dma_semaphore, #tpu.memory_space<semaphore_mem>>, %arg15: memref<!tpu.dma_semaphore, #tpu.memory_space<semaphore_mem>>, %arg16: memref<!tpu.dma_semaphore, #tpu.memory_space<semaphore_mem>>, %arg17: memref<!tpu.dma_semaphore, #tpu.memory_space<semaphore_mem>>) attributes {dimension_semantics = [#tpu.dimension_semantics<core_parallel>, #tpu.dimension_semantics<subcore_parallel>], iteration_bounds = array<i64: 2, 16>, scalar_prefetch = 0 : i64, scratch_operands = 11 : i64, tpu.core_type = #tpu.core_type<sc_vector_subcore>, window_params = [{transform_indices = #map}, {transform_indices = #map}, {transform_indices = #map}, {transform_indices = #map}, {transform_indices = #map1}]} {
    %mul3A = arith.constant 16 : i32
    %mul3A_0 = arith.muli %arg0, %mul3A : i32
    %add3A = arith.addi %mul3A_0, %arg1 : i32
    %mul3A_1 = arith.constant 640 : i32
    %mul3A_2 = arith.muli %arg1, %mul3A_1 : i32
    %mul3A_3 = arith.constant 80 : i32
    %mul3A_4 = arith.muli %add3A, %mul3A_3 : i32
    %dma_start3A = arith.constant 0 : i32
    %dma_start3A_5 = tpu.memref_slice %arg3[%mul3A_4, %dma_start3A] : memref<2560x128xi32, #tpu.memory_space<hbm>> -> memref<40x128xi32, #tpu.memory_space<hbm>>
    %dma_start3A_6 = arith.constant 0 : i32
    %dma_start3A_7 = tpu.memref_slice %arg3[%mul3A_4, %dma_start3A_6] : memref<2560x128xi32, #tpu.memory_space<hbm>> -> memref<40x128xi32, #tpu.memory_space<hbm>>
    tpu.enqueue_dma source(%dma_start3A_7 : memref<40x128xi32, #tpu.memory_space<hbm>>) target(%arg8 : memref<40x128xi32, #tpu.memory_space<vmem>>) target_semaphore(%arg12 : memref<!tpu.dma_semaphore, #tpu.memory_space<semaphore_mem>>)
    %mul3A_8 = arith.constant 80 : i32
    %mul3A_9 = arith.muli %add3A, %mul3A_8 : i32
    %dma_start3A_10 = arith.constant 0 : i32
    %dma_start3A_11 = tpu.memref_slice %arg4[%mul3A_9, %dma_start3A_10] : memref<2560x128xi32, #tpu.memory_space<hbm>> -> memref<40x128xi32, #tpu.memory_space<hbm>>
    %dma_start3A_12 = arith.constant 0 : i32
    %dma_start3A_13 = tpu.memref_slice %arg4[%mul3A_9, %dma_start3A_12] : memref<2560x128xi32, #tpu.memory_space<hbm>> -> memref<40x128xi32, #tpu.memory_space<hbm>>
    tpu.enqueue_dma source(%dma_start3A_13 : memref<40x128xi32, #tpu.memory_space<hbm>>) target(%arg9 : memref<40x128xi32, #tpu.memory_space<vmem>>) target_semaphore(%arg13 : memref<!tpu.dma_semaphore, #tpu.memory_space<semaphore_mem>>)
    %eq3A = arith.constant 0 : i32
    %eq3A_14 = arith.cmpi eq, %arg0, %eq3A : i32
    %convert_element_type3A = arith.extui %eq3A_14 : i1 to i32
    %cond3A = arith.constant 0 : i32
    %cond3A_15 = arith.cmpi ne, %convert_element_type3A, %cond3A : i32
    scf.if %cond3A_15 {
      "tpu.region"() ({
        %run_scoped3A = tpu.sem_alloc : memref<!tpu.dma_semaphore, #tpu.memory_space<semaphore_mem>>
        %dma_start3A_32 = arith.constant 0 : i32
        %dma_start3A_33 = tpu.memref_slice %arg7[%mul3A_2, %dma_start3A_32] : memref<10240x128xf32, #tpu.memory_space<vmem_shared>> -> memref<640x128xf32, #tpu.memory_space<vmem_shared>>
        %dma_start3A_34 = arith.constant 0 : i32
        %dma_start3A_35 = tpu.memref_slice %arg2[%mul3A_2, %dma_start3A_34] : memref<10240x128xf32, #tpu.memory_space<hbm>> -> memref<640x128xf32, #tpu.memory_space<hbm>>
        tpu.enqueue_dma source(%dma_start3A_35 : memref<640x128xf32, #tpu.memory_space<hbm>>) target(%dma_start3A_33 : memref<640x128xf32, #tpu.memory_space<vmem_shared>>) target_semaphore(%run_scoped3A : memref<!tpu.dma_semaphore, #tpu.memory_space<semaphore_mem>>)
        %dma_wait3A_36 = arith.constant 0 : i32
        %dma_wait3A_37 = tpu.memref_slice %arg7[%mul3A_2, %dma_wait3A_36] : memref<10240x128xf32, #tpu.memory_space<vmem_shared>> -> memref<640x128xf32, #tpu.memory_space<vmem_shared>>
        %dma_wait3A_38 = arith.constant 0 : i32
        %dma_wait3A_39 = tpu.memref_slice %arg2[%mul3A_2, %dma_wait3A_38] : memref<10240x128xf32, #tpu.memory_space<hbm>> -> memref<640x128xf32, #tpu.memory_space<hbm>>
        tpu.wait_dma2 semaphore(%run_scoped3A : memref<!tpu.dma_semaphore, #tpu.memory_space<semaphore_mem>>) src(%dma_wait3A_39 : memref<640x128xf32, #tpu.memory_space<hbm>>) dst(%dma_wait3A_37 : memref<640x128xf32, #tpu.memory_space<vmem_shared>>)
        tpu.yield
      }) : () -> ()
    } else {
    }
    %ne3A = arith.constant 0 : i32
    %ne3A_16 = arith.cmpi ne, %arg0, %ne3A : i32
    %convert_element_type3A_17 = arith.extui %ne3A_16 : i1 to i32
    %cond3A_18 = arith.constant 0 : i32
    %cond3A_19 = arith.cmpi ne, %convert_element_type3A_17, %cond3A_18 : i32
    scf.if %cond3A_19 {
      "tpu.region"() ({
        %run_scoped3A = tpu.sem_alloc : memref<!tpu.dma_semaphore, #tpu.memory_space<semaphore_mem>>
        %dma_start3A_32 = arith.constant 0 : i32
        %dma_start3A_33 = tpu.memref_slice %arg7[%mul3A_2, %dma_start3A_32] : memref<10240x128xf32, #tpu.memory_space<vmem_shared>> -> memref<640x128xf32, #tpu.memory_space<vmem_shared>>
        tpu.enqueue_dma source(%arg5 : memref<640x128xf32, #tpu.memory_space<hbm>>) target(%dma_start3A_33 : memref<640x128xf32, #tpu.memory_space<vmem_shared>>) target_semaphore(%run_scoped3A : memref<!tpu.dma_semaphore, #tpu.memory_space<semaphore_mem>>)
        %dma_wait3A_34 = arith.constant 0 : i32
        %dma_wait3A_35 = tpu.memref_slice %arg7[%mul3A_2, %dma_wait3A_34] : memref<10240x128xf32, #tpu.memory_space<vmem_shared>> -> memref<640x128xf32, #tpu.memory_space<vmem_shared>>
        tpu.wait_dma2 semaphore(%run_scoped3A : memref<!tpu.dma_semaphore, #tpu.memory_space<semaphore_mem>>) src(%arg5 : memref<640x128xf32, #tpu.memory_space<hbm>>) dst(%dma_wait3A_35 : memref<640x128xf32, #tpu.memory_space<vmem_shared>>)
        tpu.yield
      }) : () -> ()
    } else {
    }
    %dma_wait3A = arith.constant 0 : i32
    %dma_wait3A_20 = tpu.memref_slice %arg3[%mul3A_4, %dma_wait3A] : memref<2560x128xi32, #tpu.memory_space<hbm>> -> memref<40x128xi32, #tpu.memory_space<hbm>>
    %dma_wait3A_21 = arith.constant 0 : i32
    %dma_wait3A_22 = tpu.memref_slice %arg3[%mul3A_4, %dma_wait3A_21] : memref<2560x128xi32, #tpu.memory_space<hbm>> -> memref<40x128xi32, #tpu.memory_space<hbm>>
    tpu.wait_dma2 semaphore(%arg12 : memref<!tpu.dma_semaphore, #tpu.memory_space<semaphore_mem>>) src(%dma_wait3A_22 : memref<40x128xi32, #tpu.memory_space<hbm>>) dst(%arg8 : memref<40x128xi32, #tpu.memory_space<vmem>>)
    %dma_wait3A_23 = arith.constant 0 : i32
    %dma_wait3A_24 = tpu.memref_slice %arg4[%mul3A_9, %dma_wait3A_23] : memref<2560x128xi32, #tpu.memory_space<hbm>> -> memref<40x128xi32, #tpu.memory_space<hbm>>
    %dma_wait3A_25 = arith.constant 0 : i32
    %dma_wait3A_26 = tpu.memref_slice %arg4[%mul3A_9, %dma_wait3A_25] : memref<2560x128xi32, #tpu.memory_space<hbm>> -> memref<40x128xi32, #tpu.memory_space<hbm>>
    tpu.wait_dma2 semaphore(%arg13 : memref<!tpu.dma_semaphore, #tpu.memory_space<semaphore_mem>>) src(%dma_wait3A_26 : memref<40x128xi32, #tpu.memory_space<hbm>>) dst(%arg9 : memref<40x128xi32, #tpu.memory_space<vmem>>)
    %barrier3A = arith.constant 0 : index
    tpu.barrier barrier_id(%barrier3A)
    %scan3A = arith.constant 0 : i32
    %scan3A_27 = arith.constant 2 : i32
    %scan3A_28 = arith.addi %scan3A, %scan3A_27 : i32
    %scan3A_29 = arith.constant 1 : i32
    scf.for %scan3A_32 = %scan3A to %scan3A_28 step %scan3A_29  : i32 {
      %mul3A_33 = arith.constant 1 : i32
      %mul3A_34 = arith.muli %scan3A_32, %mul3A_33 : i32
      %add3A_35 = arith.constant 0 : i32
      %add3A_36 = arith.addi %add3A_35, %mul3A_34 : i32
      %gt3A = arith.constant 0 : i32
      %gt3A_37 = arith.cmpi sgt, %add3A_36, %gt3A : i32
      %convert_element_type3A_38 = arith.extui %gt3A_37 : i1 to i32
      %cond3A_39 = arith.constant 0 : i32
      %cond3A_40 = arith.cmpi ne, %convert_element_type3A_38, %cond3A_39 : i32
      scf.if %cond3A_40 {
        %mul3A_46 = arith.constant 80 : i32
        %mul3A_47 = arith.muli %add3A, %mul3A_46 : i32
        %mul3A_48 = arith.constant 40 : i32
        %mul3A_49 = arith.muli %add3A_36, %mul3A_48 : i32
        %add3A_50 = arith.addi %mul3A_47, %mul3A_49 : i32
        %dma_start3A_51 = arith.constant 0 : i32
        %dma_start3A_52 = tpu.memref_slice %arg3[%add3A_50, %dma_start3A_51] : memref<2560x128xi32, #tpu.memory_space<hbm>> -> memref<40x128xi32, #tpu.memory_space<hbm>>
        %dma_start3A_53 = arith.constant 0 : i32
        %dma_start3A_54 = tpu.memref_slice %arg3[%add3A_50, %dma_start3A_53] : memref<2560x128xi32, #tpu.memory_space<hbm>> -> memref<40x128xi32, #tpu.memory_space<hbm>>
        tpu.enqueue_dma source(%dma_start3A_54 : memref<40x128xi32, #tpu.memory_space<hbm>>) target(%arg8 : memref<40x128xi32, #tpu.memory_space<vmem>>) target_semaphore(%arg12 : memref<!tpu.dma_semaphore, #tpu.memory_space<semaphore_mem>>)
        %dma_wait3A_55 = arith.constant 0 : i32
        %dma_wait3A_56 = tpu.memref_slice %arg3[%add3A_50, %dma_wait3A_55] : memref<2560x128xi32, #tpu.memory_space<hbm>> -> memref<40x128xi32, #tpu.memory_space<hbm>>
        %dma_wait3A_57 = arith.constant 0 : i32
        %dma_wait3A_58 = tpu.memref_slice %arg3[%add3A_50, %dma_wait3A_57] : memref<2560x128xi32, #tpu.memory_space<hbm>> -> memref<40x128xi32, #tpu.memory_space<hbm>>
        tpu.wait_dma2 semaphore(%arg12 : memref<!tpu.dma_semaphore, #tpu.memory_space<semaphore_mem>>) src(%dma_wait3A_58 : memref<40x128xi32, #tpu.memory_space<hbm>>) dst(%arg8 : memref<40x128xi32, #tpu.memory_space<vmem>>)
        %mul3A_59 = arith.constant 80 : i32
        %mul3A_60 = arith.muli %add3A, %mul3A_59 : i32
        %mul3A_61 = arith.constant 40 : i32
        %mul3A_62 = arith.muli %add3A_36, %mul3A_61 : i32
        %add3A_63 = arith.addi %mul3A_60, %mul3A_62 : i32
        %dma_start3A_64 = arith.constant 0 : i32
        %dma_start3A_65 = tpu.memref_slice %arg4[%add3A_63, %dma_start3A_64] : memref<2560x128xi32, #tpu.memory_space<hbm>> -> memref<40x128xi32, #tpu.memory_space<hbm>>
        %dma_start3A_66 = arith.constant 0 : i32
        %dma_start3A_67 = tpu.memref_slice %arg4[%add3A_63, %dma_start3A_66] : memref<2560x128xi32, #tpu.memory_space<hbm>> -> memref<40x128xi32, #tpu.memory_space<hbm>>
        tpu.enqueue_dma source(%dma_start3A_67 : memref<40x128xi32, #tpu.memory_space<hbm>>) target(%arg9 : memref<40x128xi32, #tpu.memory_space<vmem>>) target_semaphore(%arg13 : memref<!tpu.dma_semaphore, #tpu.memory_space<semaphore_mem>>)
        %dma_wait3A_68 = arith.constant 0 : i32
        %dma_wait3A_69 = tpu.memref_slice %arg4[%add3A_63, %dma_wait3A_68] : memref<2560x128xi32, #tpu.memory_space<hbm>> -> memref<40x128xi32, #tpu.memory_space<hbm>>
        %dma_wait3A_70 = arith.constant 0 : i32
        %dma_wait3A_71 = tpu.memref_slice %arg4[%add3A_63, %dma_wait3A_70] : memref<2560x128xi32, #tpu.memory_space<hbm>> -> memref<40x128xi32, #tpu.memory_space<hbm>>
        tpu.wait_dma2 semaphore(%arg13 : memref<!tpu.dma_semaphore, #tpu.memory_space<semaphore_mem>>) src(%dma_wait3A_71 : memref<40x128xi32, #tpu.memory_space<hbm>>) dst(%arg9 : memref<40x128xi32, #tpu.memory_space<vmem>>)
      } else {
      }
      %scan3A_41 = arith.constant 0 : i32
      %scan3A_42 = arith.constant 20 : i32
      %scan3A_43 = arith.addi %scan3A_41, %scan3A_42 : i32
      %scan3A_44 = arith.constant 1 : i32
      scf.for %scan3A_46 = %scan3A_41 to %scan3A_43 step %scan3A_44  : i32 {
        %mul3A_47 = arith.constant 2 : i32
        %mul3A_48 = arith.muli %scan3A_46, %mul3A_47 : i32
        %add3A_49 = arith.constant 0 : i32
        %add3A_50 = arith.addi %add3A_49, %mul3A_48 : i32
        %dma_start3A_51 = arith.constant 0 : i32
        %dma_start3A_52 = tpu.memref_slice %arg8[%add3A_50, %dma_start3A_51] : memref<40x128xi32, #tpu.memory_space<vmem>> -> memref<1x128xi32, #tpu.memory_space<vmem>>
        %dma_start3A_53 = tpu.memref_squeeze %dma_start3A_52 : memref<1x128xi32, #tpu.memory_space<vmem>> -> memref<128xi32, #tpu.memory_space<vmem>>
        %dma_start3A_54 = arith.constant 0 : i32
        %dma_start3A_55 = arith.constant 0 : i32
        %dma_start3A_56 = tpu.memref_slice %arg2[%dma_start3A_54, %dma_start3A_55] : memref<10240x128xf32, #tpu.memory_space<hbm>> -> memref<10240x128xf32, #tpu.memory_space<hbm>>
        tpu.enqueue_indirect_dma source(%dma_start3A_56 : memref<10240x128xf32, #tpu.memory_space<hbm>>) target(%arg10 : memref<128x128xf32, #tpu.memory_space<vmem>>) offsets(%dma_start3A_53 : memref<128xi32, #tpu.memory_space<vmem>>) semaphore(%arg14 : memref<!tpu.dma_semaphore, #tpu.memory_space<semaphore_mem>>)
        %add3A_57 = arith.constant 1 : i32
        %add3A_58 = arith.addi %add3A_50, %add3A_57 : i32
        %dma_start3A_59 = arith.constant 0 : i32
        %dma_start3A_60 = tpu.memref_slice %arg8[%add3A_58, %dma_start3A_59] : memref<40x128xi32, #tpu.memory_space<vmem>> -> memref<1x128xi32, #tpu.memory_space<vmem>>
        %dma_start3A_61 = tpu.memref_squeeze %dma_start3A_60 : memref<1x128xi32, #tpu.memory_space<vmem>> -> memref<128xi32, #tpu.memory_space<vmem>>
        %dma_start3A_62 = arith.constant 0 : i32
        %dma_start3A_63 = arith.constant 0 : i32
        %dma_start3A_64 = tpu.memref_slice %arg2[%dma_start3A_62, %dma_start3A_63] : memref<10240x128xf32, #tpu.memory_space<hbm>> -> memref<10240x128xf32, #tpu.memory_space<hbm>>
        tpu.enqueue_indirect_dma source(%dma_start3A_64 : memref<10240x128xf32, #tpu.memory_space<hbm>>) target(%arg11 : memref<128x128xf32, #tpu.memory_space<vmem>>) offsets(%dma_start3A_61 : memref<128xi32, #tpu.memory_space<vmem>>) semaphore(%arg15 : memref<!tpu.dma_semaphore, #tpu.memory_space<semaphore_mem>>)
        %dma_wait3A_65 = arith.constant 0 : i32
        %dma_wait3A_66 = tpu.memref_slice %arg8[%add3A_50, %dma_wait3A_65] : memref<40x128xi32, #tpu.memory_space<vmem>> -> memref<1x128xi32, #tpu.memory_space<vmem>>
        %dma_wait3A_67 = tpu.memref_squeeze %dma_wait3A_66 : memref<1x128xi32, #tpu.memory_space<vmem>> -> memref<128xi32, #tpu.memory_space<vmem>>
        %dma_wait3A_68 = arith.constant 0 : i32
        %dma_wait3A_69 = arith.constant 0 : i32
        %dma_wait3A_70 = tpu.memref_slice %arg2[%dma_wait3A_68, %dma_wait3A_69] : memref<10240x128xf32, #tpu.memory_space<hbm>> -> memref<10240x128xf32, #tpu.memory_space<hbm>>
        tpu.wait_indirect_dma semaphore(%arg14 : memref<!tpu.dma_semaphore, #tpu.memory_space<semaphore_mem>>) src(%dma_wait3A_70 : memref<10240x128xf32, #tpu.memory_space<hbm>>) dst(%arg10 : memref<128x128xf32, #tpu.memory_space<vmem>>)
        %dma_start3A_71 = arith.constant 0 : i32
        %dma_start3A_72 = tpu.memref_slice %arg9[%add3A_50, %dma_start3A_71] : memref<40x128xi32, #tpu.memory_space<vmem>> -> memref<1x128xi32, #tpu.memory_space<vmem>>
        %dma_start3A_73 = tpu.memref_squeeze %dma_start3A_72 : memref<1x128xi32, #tpu.memory_space<vmem>> -> memref<128xi32, #tpu.memory_space<vmem>>
        %dma_start3A_74 = arith.constant 0 : i32
        %dma_start3A_75 = arith.constant 0 : i32
        %dma_start3A_76 = tpu.memref_slice %arg7[%dma_start3A_74, %dma_start3A_75] : memref<10240x128xf32, #tpu.memory_space<vmem_shared>> -> memref<10240x128xf32, #tpu.memory_space<vmem_shared>>
        tpu.enqueue_indirect_dma source(%arg10 : memref<128x128xf32, #tpu.memory_space<vmem>>) target(%dma_start3A_76 : memref<10240x128xf32, #tpu.memory_space<vmem_shared>>) offsets(%dma_start3A_73 : memref<128xi32, #tpu.memory_space<vmem>>) semaphore(%arg16 : memref<!tpu.dma_semaphore, #tpu.memory_space<semaphore_mem>>) {add = true}
        %dma_wait3A_77 = arith.constant 0 : i32
        %dma_wait3A_78 = tpu.memref_slice %arg8[%add3A_58, %dma_wait3A_77] : memref<40x128xi32, #tpu.memory_space<vmem>> -> memref<1x128xi32, #tpu.memory_space<vmem>>
        %dma_wait3A_79 = tpu.memref_squeeze %dma_wait3A_78 : memref<1x128xi32, #tpu.memory_space<vmem>> -> memref<128xi32, #tpu.memory_space<vmem>>
        %dma_wait3A_80 = arith.constant 0 : i32
        %dma_wait3A_81 = arith.constant 0 : i32
        %dma_wait3A_82 = tpu.memref_slice %arg2[%dma_wait3A_80, %dma_wait3A_81] : memref<10240x128xf32, #tpu.memory_space<hbm>> -> memref<10240x128xf32, #tpu.memory_space<hbm>>
        tpu.wait_indirect_dma semaphore(%arg15 : memref<!tpu.dma_semaphore, #tpu.memory_space<semaphore_mem>>) src(%dma_wait3A_82 : memref<10240x128xf32, #tpu.memory_space<hbm>>) dst(%arg11 : memref<128x128xf32, #tpu.memory_space<vmem>>)
        %add3A_83 = arith.constant 1 : i32
        %add3A_84 = arith.addi %add3A_50, %add3A_83 : i32
        %dma_start3A_85 = arith.constant 0 : i32
        %dma_start3A_86 = tpu.memref_slice %arg9[%add3A_84, %dma_start3A_85] : memref<40x128xi32, #tpu.memory_space<vmem>> -> memref<1x128xi32, #tpu.memory_space<vmem>>
        %dma_start3A_87 = tpu.memref_squeeze %dma_start3A_86 : memref<1x128xi32, #tpu.memory_space<vmem>> -> memref<128xi32, #tpu.memory_space<vmem>>
        %dma_start3A_88 = arith.constant 0 : i32
        %dma_start3A_89 = arith.constant 0 : i32
        %dma_start3A_90 = tpu.memref_slice %arg7[%dma_start3A_88, %dma_start3A_89] : memref<10240x128xf32, #tpu.memory_space<vmem_shared>> -> memref<10240x128xf32, #tpu.memory_space<vmem_shared>>
        tpu.enqueue_indirect_dma source(%arg11 : memref<128x128xf32, #tpu.memory_space<vmem>>) target(%dma_start3A_90 : memref<10240x128xf32, #tpu.memory_space<vmem_shared>>) offsets(%dma_start3A_87 : memref<128xi32, #tpu.memory_space<vmem>>) semaphore(%arg17 : memref<!tpu.dma_semaphore, #tpu.memory_space<semaphore_mem>>) {add = true}
        %dma_wait3A_91 = arith.constant 0 : i32
        %dma_wait3A_92 = tpu.memref_slice %arg9[%add3A_50, %dma_wait3A_91] : memref<40x128xi32, #tpu.memory_space<vmem>> -> memref<1x128xi32, #tpu.memory_space<vmem>>
        %dma_wait3A_93 = tpu.memref_squeeze %dma_wait3A_92 : memref<1x128xi32, #tpu.memory_space<vmem>> -> memref<128xi32, #tpu.memory_space<vmem>>
        %dma_wait3A_94 = arith.constant 0 : i32
        %dma_wait3A_95 = arith.constant 0 : i32
        %dma_wait3A_96 = tpu.memref_slice %arg7[%dma_wait3A_94, %dma_wait3A_95] : memref<10240x128xf32, #tpu.memory_space<vmem_shared>> -> memref<10240x128xf32, #tpu.memory_space<vmem_shared>>
        tpu.wait_indirect_dma semaphore(%arg16 : memref<!tpu.dma_semaphore, #tpu.memory_space<semaphore_mem>>) src(%arg10 : memref<128x128xf32, #tpu.memory_space<vmem>>) dst(%dma_wait3A_96 : memref<10240x128xf32, #tpu.memory_space<vmem_shared>>)
        %dma_wait3A_97 = arith.constant 0 : i32
        %dma_wait3A_98 = tpu.memref_slice %arg9[%add3A_84, %dma_wait3A_97] : memref<40x128xi32, #tpu.memory_space<vmem>> -> memref<1x128xi32, #tpu.memory_space<vmem>>
        %dma_wait3A_99 = tpu.memref_squeeze %dma_wait3A_98 : memref<1x128xi32, #tpu.memory_space<vmem>> -> memref<128xi32, #tpu.memory_space<vmem>>
        %dma_wait3A_100 = arith.constant 0 : i32
        %dma_wait3A_101 = arith.constant 0 : i32
        %dma_wait3A_102 = tpu.memref_slice %arg7[%dma_wait3A_100, %dma_wait3A_101] : memref<10240x128xf32, #tpu.memory_space<vmem_shared>> -> memref<10240x128xf32, #tpu.memory_space<vmem_shared>>
        tpu.wait_indirect_dma semaphore(%arg17 : memref<!tpu.dma_semaphore, #tpu.memory_space<semaphore_mem>>) src(%arg11 : memref<128x128xf32, #tpu.memory_space<vmem>>) dst(%dma_wait3A_102 : memref<10240x128xf32, #tpu.memory_space<vmem_shared>>)
      }
      %scan3A_45 = arith.constant 20 : i32
    }
    %scan3A_30 = arith.constant 2 : i32
    %barrier3A_31 = arith.constant 0 : index
    tpu.barrier barrier_id(%barrier3A_31)
    "tpu.region"() ({
      %run_scoped3A = tpu.sem_alloc : memref<!tpu.dma_semaphore, #tpu.memory_space<semaphore_mem>>
      %dma_start3A_32 = arith.constant 0 : i32
      %dma_start3A_33 = tpu.memref_slice %arg6[%arg0, %mul3A_2, %dma_start3A_32] : memref<2x10240x128xf32, #tpu.memory_space<hbm>> -> memref<1x640x128xf32, #tpu.memory_space<hbm>>
      %dma_start3A_34 = tpu.memref_squeeze %dma_start3A_33 : memref<1x640x128xf32, #tpu.memory_space<hbm>> -> memref<640x128xf32, #tpu.memory_space<hbm>>
      %dma_start3A_35 = arith.constant 0 : i32
      %dma_start3A_36 = tpu.memref_slice %arg7[%mul3A_2, %dma_start3A_35] : memref<10240x128xf32, #tpu.memory_space<vmem_shared>> -> memref<640x128xf32, #tpu.memory_space<vmem_shared>>
      tpu.enqueue_dma source(%dma_start3A_36 : memref<640x128xf32, #tpu.memory_space<vmem_shared>>) target(%dma_start3A_34 : memref<640x128xf32, #tpu.memory_space<hbm>>) target_semaphore(%run_scoped3A : memref<!tpu.dma_semaphore, #tpu.memory_space<semaphore_mem>>)
      %dma_wait3A_37 = arith.constant 0 : i32
      %dma_wait3A_38 = tpu.memref_slice %arg6[%arg0, %mul3A_2, %dma_wait3A_37] : memref<2x10240x128xf32, #tpu.memory_space<hbm>> -> memref<1x640x128xf32, #tpu.memory_space<hbm>>
      %dma_wait3A_39 = tpu.memref_squeeze %dma_wait3A_38 : memref<1x640x128xf32, #tpu.memory_space<hbm>> -> memref<640x128xf32, #tpu.memory_space<hbm>>
      %dma_wait3A_40 = arith.constant 0 : i32
      %dma_wait3A_41 = tpu.memref_slice %arg7[%mul3A_2, %dma_wait3A_40] : memref<10240x128xf32, #tpu.memory_space<vmem_shared>> -> memref<640x128xf32, #tpu.memory_space<vmem_shared>>
      tpu.wait_dma2 semaphore(%run_scoped3A : memref<!tpu.dma_semaphore, #tpu.memory_space<semaphore_mem>>) src(%dma_wait3A_41 : memref<640x128xf32, #tpu.memory_space<vmem_shared>>) dst(%dma_wait3A_39 : memref<640x128xf32, #tpu.memory_space<hbm>>)
      tpu.yield
    }) : () -> ()
    return
  }
}

module attributes {stable_mosaic.version = 14 : i64} {
  func.func @_mm_body(%arg0: i32, %arg1: memref<1024x128xf32, #tpu.memory_space<vmem>>, %arg2: memref<128x128xf32, #tpu.memory_space<vmem>>, %arg3: memref<1024x128xf32, #tpu.memory_space<vmem>>) attributes {dimension_semantics = [#tpu.dimension_semantics<arbitrary>], iteration_bounds = array<i64: 10>, scalar_prefetch = 0 : i64, scratch_operands = 0 : i64, tpu.core_type = #tpu.core_type<tc>, window_params = [{transform_indices = @transform_0, window_bounds = array<i64: 1024, 128>}, {pipeline_mode = #tpu.pipeline_mode<synchronous>, transform_indices = @transform_1, window_bounds = array<i64: 128, 128>}, {transform_indices = @transform_2, window_bounds = array<i64: 1024, 128>}]} {
    %get3A = arith.constant 0 : index
    %get3A_0 = arith.constant 0 : index
    %get3A_1 = vector.load %arg1[%get3A, %get3A_0] : memref<1024x128xf32, #tpu.memory_space<vmem>>, vector<1024x128xf32>
    %get3A_2 = arith.constant 0 : index
    %get3A_3 = arith.constant 0 : index
    %get3A_4 = vector.load %arg2[%get3A_2, %get3A_3] : memref<128x128xf32, #tpu.memory_space<vmem>>, vector<128x128xf32>
    %dot_general3A = arith.constant dense<0.000000e+00> : vector<1024x128xf32>
    %dot_general3A_5 = tpu.matmul %get3A_1, %get3A_4, %dot_general3A {dimension_numbers = #tpu.dot_dimension_numbers<[1], [0], [0], [1], [0, 0, 1, 1], [], []>, precision = #tpu.contract_precision<fp32>, transpose_lhs_hint = false} : vector<1024x128xf32>, vector<128x128xf32>, vector<1024x128xf32> -> vector<1024x128xf32>
    %swap3A = arith.constant 0 : index
    %swap3A_6 = arith.constant 0 : index
    %swap3A_7 = vector.load %arg3[%swap3A, %swap3A_6] : memref<1024x128xf32, #tpu.memory_space<vmem>>, vector<1024x128xf32>
    tpu.vector_store %arg3[%swap3A, %swap3A_6], %dot_general3A_5 {strides = array<i32>} : memref<1024x128xf32, #tpu.memory_space<vmem>>, vector<1024x128xf32>,
    return
  }
  func.func @transform_0(%arg0: i32) -> (i32, i32) {
    %c0_i32 = arith.constant 0 : i32
    %c0_i32_0 = arith.constant 0 : i32
    return %arg0, %c0_i32 : i32, i32
  }
  func.func @transform_1(%arg0: i32) -> (i32, i32) {
    %c0_i32 = arith.constant 0 : i32
    %c0_i32_0 = arith.constant 0 : i32
    %c0_i32_1 = arith.constant 0 : i32
    return %c0_i32, %c0_i32_0 : i32, i32
  }
  func.func @transform_2(%arg0: i32) -> (i32, i32) {
    %c0_i32 = arith.constant 0 : i32
    %c0_i32_0 = arith.constant 0 : i32
    return %arg0, %c0_i32 : i32, i32
  }
}

module attributes {stable_mosaic.version = 14 : i64} {
  func.func @_lin1_body(%arg0: i32, %arg1: memref<1024x128xf32, #tpu.memory_space<vmem>>, %arg2: memref<1024x1xf32, #tpu.memory_space<vmem>>, %arg3: memref<1024x1xf32, #tpu.memory_space<vmem>>, %arg4: memref<1024x128xf32, #tpu.memory_space<vmem>>, %arg5: memref<1024x1xf32, #tpu.memory_space<vmem>>) attributes {dimension_semantics = [#tpu.dimension_semantics<arbitrary>], iteration_bounds = array<i64: 10>, scalar_prefetch = 0 : i64, scratch_operands = 0 : i64, tpu.core_type = #tpu.core_type<tc>, window_params = [{transform_indices = @transform_0, window_bounds = array<i64: 1024, 128>}, {transform_indices = @transform_1, window_bounds = array<i64: 1024, 1>}, {transform_indices = @transform_2, window_bounds = array<i64: 1024, 1>}, {transform_indices = @transform_3, window_bounds = array<i64: 1024, 128>}, {transform_indices = @transform_4, window_bounds = array<i64: 1024, 1>}]} {
    %get3A = arith.constant 0 : index
    %get3A_0 = arith.constant 0 : index
    %get3A_1 = vector.load %arg2[%get3A, %get3A_0] : memref<1024x1xf32, #tpu.memory_space<vmem>>, vector<1024x1xf32>
    %get3A_2 = arith.constant 0 : index
    %get3A_3 = arith.constant 0 : index
    %get3A_4 = vector.load %arg3[%get3A_2, %get3A_3] : memref<1024x1xf32, #tpu.memory_space<vmem>>, vector<1024x1xf32>
    %add3A = arith.addf %get3A_1, %get3A_4 : vector<1024x1xf32>
    %add3A_5 = arith.constant 1.000000e+00 : f32
    %add3A_6 = vector.broadcast %add3A_5 : f32 to vector<1024x1xf32>
    %add3A_7 = arith.addf %add3A, %add3A_6 : vector<1024x1xf32>
    %rsqrt3A = math.rsqrt %add3A_7 : vector<1024x1xf32>
    %swap3A = arith.constant 0 : index
    %swap3A_8 = arith.constant 0 : index
    %swap3A_9 = vector.load %arg5[%swap3A, %swap3A_8] : memref<1024x1xf32, #tpu.memory_space<vmem>>, vector<1024x1xf32>
    tpu.vector_store %arg5[%swap3A, %swap3A_8], %rsqrt3A {strides = array<i32>} : memref<1024x1xf32, #tpu.memory_space<vmem>>, vector<1024x1xf32>,
    %get3A_10 = arith.constant 0 : index
    %get3A_11 = arith.constant 0 : index
    %get3A_12 = vector.load %arg1[%get3A_10, %get3A_11] : memref<1024x128xf32, #tpu.memory_space<vmem>>, vector<1024x128xf32>
    %mul3A = vector.broadcast %rsqrt3A : vector<1024x1xf32> to vector<1024x128xf32>
    %mul3A_13 = arith.mulf %get3A_12, %mul3A : vector<1024x128xf32>
    %swap3A_14 = arith.constant 0 : index
    %swap3A_15 = arith.constant 0 : index
    %swap3A_16 = vector.load %arg4[%swap3A_14, %swap3A_15] : memref<1024x128xf32, #tpu.memory_space<vmem>>, vector<1024x128xf32>
    tpu.vector_store %arg4[%swap3A_14, %swap3A_15], %mul3A_13 {strides = array<i32>} : memref<1024x128xf32, #tpu.memory_space<vmem>>, vector<1024x128xf32>,
    return
  }
  func.func @transform_0(%arg0: i32) -> (i32, i32) {
    %c0_i32 = arith.constant 0 : i32
    %c0_i32_0 = arith.constant 0 : i32
    return %arg0, %c0_i32 : i32, i32
  }
  func.func @transform_1(%arg0: i32) -> (i32, i32) {
    %c0_i32 = arith.constant 0 : i32
    %c0_i32_0 = arith.constant 0 : i32
    return %arg0, %c0_i32 : i32, i32
  }
  func.func @transform_2(%arg0: i32) -> (i32, i32) {
    %c0_i32 = arith.constant 0 : i32
    %c0_i32_0 = arith.constant 0 : i32
    return %arg0, %c0_i32 : i32, i32
  }
  func.func @transform_3(%arg0: i32) -> (i32, i32) {
    %c0_i32 = arith.constant 0 : i32
    %c0_i32_0 = arith.constant 0 : i32
    return %arg0, %c0_i32 : i32, i32
  }
  func.func @transform_4(%arg0: i32) -> (i32, i32) {
    %c0_i32 = arith.constant 0 : i32
    %c0_i32_0 = arith.constant 0 : i32
    return %arg0, %c0_i32 : i32, i32
  }
}

module attributes {stable_mosaic.version = 14 : i64} {
  func.func @_combine_body(%arg0: i32, %arg1: memref<2x1024x128xf32, #tpu.memory_space<vmem>>, %arg2: memref<1024x1xf32, #tpu.memory_space<vmem>>, %arg3: memref<1x128xf32, #tpu.memory_space<vmem>>, %arg4: memref<128x128xf32, #tpu.memory_space<vmem>>, %arg5: memref<1024x128xf32, #tpu.memory_space<vmem>>) attributes {dimension_semantics = [#tpu.dimension_semantics<arbitrary>], iteration_bounds = array<i64: 10>, scalar_prefetch = 0 : i64, scratch_operands = 0 : i64, tpu.core_type = #tpu.core_type<tc>, window_params = [{transform_indices = @transform_0, window_bounds = array<i64: 2, 1024, 128>}, {transform_indices = @transform_1, window_bounds = array<i64: 1024, 1>}, {pipeline_mode = #tpu.pipeline_mode<synchronous>, transform_indices = @transform_2, window_bounds = array<i64: 1, 128>}, {pipeline_mode = #tpu.pipeline_mode<synchronous>, transform_indices = @transform_3, window_bounds = array<i64: 128, 128>}, {transform_indices = @transform_4, window_bounds = array<i64: 1024, 128>}]} {
    %get3A = arith.constant 0 : index
    %get3A_0 = arith.constant 0 : index
    %get3A_1 = vector.load %arg2[%get3A, %get3A_0] : memref<1024x1xf32, #tpu.memory_space<vmem>>, vector<1024x1xf32>
    %get3A_2 = arith.constant 0 : index
    %get3A_3 = arith.constant 0 : index
    %get3A_4 = arith.constant 0 : index
    %get3A_5 = vector.load %arg1[%get3A_2, %get3A_3, %get3A_4] : memref<2x1024x128xf32, #tpu.memory_space<vmem>>, vector<1x1024x128xf32>
    %get3A_6 = vector.shape_cast %get3A_5 : vector<1x1024x128xf32> to vector<1024x128xf32>
    %get3A_7 = arith.constant 1 : index
    %get3A_8 = arith.constant 0 : index
    %get3A_9 = arith.constant 0 : index
    %get3A_10 = vector.load %arg1[%get3A_7, %get3A_8, %get3A_9] : memref<2x1024x128xf32, #tpu.memory_space<vmem>>, vector<1x1024x128xf32>
    %get3A_11 = vector.shape_cast %get3A_10 : vector<1x1024x128xf32> to vector<1024x128xf32>
    %add3A = arith.addf %get3A_6, %get3A_11 : vector<1024x128xf32>
    %mul3A = vector.broadcast %get3A_1 : vector<1024x1xf32> to vector<1024x128xf32>
    %mul3A_12 = arith.mulf %mul3A, %add3A : vector<1024x128xf32>
    %get3A_13 = arith.constant 0 : index
    %get3A_14 = arith.constant 0 : index
    %get3A_15 = vector.load %arg3[%get3A_13, %get3A_14] : memref<1x128xf32, #tpu.memory_space<vmem>>, vector<1x128xf32>
    %add3A_16 = vector.broadcast %get3A_15 : vector<1x128xf32> to vector<1024x128xf32>
    %add3A_17 = arith.addf %mul3A_12, %add3A_16 : vector<1024x128xf32>
    %max3A = arith.constant 0.000000e+00 : f32
    %max3A_18 = vector.broadcast %max3A : f32 to vector<1024x128xf32>
    %max3A_19 = arith.maximumf %add3A_17, %max3A_18 : vector<1024x128xf32>
    %get3A_20 = arith.constant 0 : index
    %get3A_21 = arith.constant 0 : index
    %get3A_22 = vector.load %arg4[%get3A_20, %get3A_21] : memref<128x128xf32, #tpu.memory_space<vmem>>, vector<128x128xf32>
    %dot_general3A = arith.constant dense<0.000000e+00> : vector<1024x128xf32>
    %dot_general3A_23 = tpu.matmul %max3A_19, %get3A_22, %dot_general3A {dimension_numbers = #tpu.dot_dimension_numbers<[1], [0], [0], [1], [0, 0, 1, 1], [], []>, precision = #tpu.contract_precision<fp32>, transpose_lhs_hint = false} : vector<1024x128xf32>, vector<128x128xf32>, vector<1024x128xf32> -> vector<1024x128xf32>
    %mul3A_24 = vector.broadcast %get3A_1 : vector<1024x1xf32> to vector<1024x128xf32>
    %mul3A_25 = arith.mulf %mul3A_24, %dot_general3A_23 : vector<1024x128xf32>
    %swap3A = arith.constant 0 : index
    %swap3A_26 = arith.constant 0 : index
    %swap3A_27 = vector.load %arg5[%swap3A, %swap3A_26] : memref<1024x128xf32, #tpu.memory_space<vmem>>, vector<1024x128xf32>
    tpu.vector_store %arg5[%swap3A, %swap3A_26], %mul3A_25 {strides = array<i32>} : memref<1024x128xf32, #tpu.memory_space<vmem>>, vector<1024x128xf32>,
    return
  }
  func.func @transform_0(%arg0: i32) -> (i32, i32, i32) {
    %c0_i32 = arith.constant 0 : i32
    %c0_i32_0 = arith.constant 0 : i32
    %c0_i32_1 = arith.constant 0 : i32
    return %c0_i32, %arg0, %c0_i32_0 : i32, i32, i32
  }
  func.func @transform_1(%arg0: i32) -> (i32, i32) {
    %c0_i32 = arith.constant 0 : i32
    %c0_i32_0 = arith.constant 0 : i32
    return %arg0, %c0_i32 : i32, i32
  }
  func.func @transform_2(%arg0: i32) -> (i32, i32) {
    %c0_i32 = arith.constant 0 : i32
    %c0_i32_0 = arith.constant 0 : i32
    %c0_i32_1 = arith.constant 0 : i32
    return %c0_i32, %c0_i32_0 : i32, i32
  }
  func.func @transform_3(%arg0: i32) -> (i32, i32) {
    %c0_i32 = arith.constant 0 : i32
    %c0_i32_0 = arith.constant 0 : i32
    %c0_i32_1 = arith.constant 0 : i32
    return %c0_i32, %c0_i32_0 : i32, i32
  }
  func.func @transform_4(%arg0: i32) -> (i32, i32) {
    %c0_i32 = arith.constant 0 : i32
    %c0_i32_0 = arith.constant 0 : i32
    return %arg0, %c0_i32 : i32, i32
  }
}

module attributes {stable_mosaic.version = 14 : i64} {
  func.func @_final_body(%arg0: i32, %arg1: memref<2x1000x128xf32, #tpu.memory_space<vmem>>, %arg2: memref<1000x1xf32, #tpu.memory_space<vmem>>, %arg3: memref<1x128xf32, #tpu.memory_space<vmem>>, %arg4: memref<1000x128xf32, #tpu.memory_space<vmem>>) attributes {dimension_semantics = [#tpu.dimension_semantics<arbitrary>], iteration_bounds = array<i64: 10>, scalar_prefetch = 0 : i64, scratch_operands = 0 : i64, tpu.core_type = #tpu.core_type<tc>, window_params = [{transform_indices = @transform_0, window_bounds = array<i64: 2, 1000, 128>}, {transform_indices = @transform_1, window_bounds = array<i64: 1000, 1>}, {pipeline_mode = #tpu.pipeline_mode<synchronous>, transform_indices = @transform_2, window_bounds = array<i64: 1, 128>}, {transform_indices = @transform_3, window_bounds = array<i64: 1000, 128>}]} {
    %get3A = arith.constant 0 : index
    %get3A_0 = arith.constant 0 : index
    %get3A_1 = vector.load %arg2[%get3A, %get3A_0] : memref<1000x1xf32, #tpu.memory_space<vmem>>, vector<1000x1xf32>
    %get3A_2 = arith.constant 0 : index
    %get3A_3 = arith.constant 0 : index
    %get3A_4 = arith.constant 0 : index
    %get3A_5 = vector.load %arg1[%get3A_2, %get3A_3, %get3A_4] : memref<2x1000x128xf32, #tpu.memory_space<vmem>>, vector<1x1000x128xf32>
    %get3A_6 = vector.shape_cast %get3A_5 : vector<1x1000x128xf32> to vector<1000x128xf32>
    %get3A_7 = arith.constant 1 : index
    %get3A_8 = arith.constant 0 : index
    %get3A_9 = arith.constant 0 : index
    %get3A_10 = vector.load %arg1[%get3A_7, %get3A_8, %get3A_9] : memref<2x1000x128xf32, #tpu.memory_space<vmem>>, vector<1x1000x128xf32>
    %get3A_11 = vector.shape_cast %get3A_10 : vector<1x1000x128xf32> to vector<1000x128xf32>
    %add3A = arith.addf %get3A_6, %get3A_11 : vector<1000x128xf32>
    %mul3A = vector.broadcast %get3A_1 : vector<1000x1xf32> to vector<1000x128xf32>
    %mul3A_12 = arith.mulf %mul3A, %add3A : vector<1000x128xf32>
    %get3A_13 = arith.constant 0 : index
    %get3A_14 = arith.constant 0 : index
    %get3A_15 = vector.load %arg3[%get3A_13, %get3A_14] : memref<1x128xf32, #tpu.memory_space<vmem>>, vector<1x128xf32>
    %add3A_16 = vector.broadcast %get3A_15 : vector<1x128xf32> to vector<1000x128xf32>
    %add3A_17 = arith.addf %mul3A_12, %add3A_16 : vector<1000x128xf32>
    %swap3A = arith.constant 0 : index
    %swap3A_18 = arith.constant 0 : index
    %swap3A_19 = vector.load %arg4[%swap3A, %swap3A_18] : memref<1000x128xf32, #tpu.memory_space<vmem>>, vector<1000x128xf32>
    tpu.vector_store %arg4[%swap3A, %swap3A_18], %add3A_17 {strides = array<i32>} : memref<1000x128xf32, #tpu.memory_space<vmem>>, vector<1000x128xf32>,
    return
  }
  func.func @transform_0(%arg0: i32) -> (i32, i32, i32) {
    %c0_i32 = arith.constant 0 : i32
    %c0_i32_0 = arith.constant 0 : i32
    %c0_i32_1 = arith.constant 0 : i32
    return %c0_i32, %arg0, %c0_i32_0 : i32, i32, i32
  }
  func.func @transform_1(%arg0: i32) -> (i32, i32) {
    %c0_i32 = arith.constant 0 : i32
    %c0_i32_0 = arith.constant 0 : i32
    return %arg0, %c0_i32 : i32, i32
  }
  func.func @transform_2(%arg0: i32) -> (i32, i32) {
    %c0_i32 = arith.constant 0 : i32
    %c0_i32_0 = arith.constant 0 : i32
    %c0_i32_1 = arith.constant 0 : i32
    return %c0_i32, %c0_i32_0 : i32, i32
  }
  func.func @transform_3(%arg0: i32) -> (i32, i32) {
    %c0_i32 = arith.constant 0 : i32
    %c0_i32_0 = arith.constant 0 : i32
    return %arg0, %c0_i32 : i32, i32
  }
}

</mosaic_0001>

<sc_bundles>
// kernel: kernel.11.cloned.1.call-start
scs
__scs_entry_jumppad:
0x0: {  	(pc) =	sbr.rel $0x88, $3  }
0x1: {  	(tag) =	ssettag $0x0;
	lr =	simm.s32 $0x1  }
0x2: {  	[smem:$0x3F99] =	sst lr;
	_ =	strace $0xD0000000  }
0x3: {  	_ = 	snop  }
0x4: {  	_ = 	snop  }
0x5: {  	_ = 	snop  }
0x6: {  	_ = 	snop  }
0x7: {  	_ = 	snop  }
__scs_overlays_trampoline_lowered:
0x8: {  	[smem:$0x3FA8] =	sst s0  }
0x9: {  	[smem:$0x3FA9] =	sst s1  }
0xa: {  	[smem:$0x3FAA] =	sst s2  }
0xb: {  	[smem:$0x3FAB] =	sst s3  }
0xc: {  	[smem:$0x3FAC] =	sst s4  }
0xd: {  	[smem:$0x3FAD] =	sst s5  }
0xe: {  	[smem:$0x3FAE] =	sst s6  }
0xf: {  	[smem:$0x3FAF] =	sst s7  }
0x10: {  	[smem:$0x3FB0] =	sst s8  }
0x11: {  	[smem:$0x3FB1] =	sst s9;
	s0 =	simm.s32 @!p0 $0x0  }
0x12: {  	s1 =	sld [smem:$0x3F97];
	s0 =	simm.s32 @p0 $0x1  }
0x13: {  	[smem:$0x3FB2] =	sst s0;
	s0 =	simm.s32 @!p1 $0x0  }
0x14: {  	s2 =	sld [smem:$0x3F96];
	s0 =	simm.s32 @p1 $0x1  }
0x15: {  	[smem:$0x3FB3] =	sst s0;
	s0 =	simm.s32 @!p2 $0x0  }
0x16: {  	s3 =	sld [smem:$0x3FDB];
	s0 =	simm.s32 @p2 $0x1  }
0x17: {  	s4 =	simm.s32 $0x1BF5;
	[smem:$0x3FB5] =	sst s0  }
0x18: {  	s0 =	sld [smem:$0x3F98];
	_ =	swait.ge [sflag:s4], $0x0  }
0x19: {  	s7 =	sld [smem:$0x3F99]  }
0x1a: {  	s8 =	sadd.s32 $0xFFFFE003, lr  }
0x1b: {  	s9 =	sadd.s32 $0xFFFFFEF7, lr;
	s5 =	simm.s32 $0xFFFFFFFF;
	p2 =	slt.u32 s8, $0xFFFFF086  }
0x1c: {  	p1 =	slt.u32 s9, $0xF7A;
	s5 =	simm.s32 @!p2 $0x0  }
0x1d: {  	s5 =	simm.s32 @p1 $0x1;
	p0 =	seq.s32 s7, s2  }
0x1e: {  	s7 =	smul.u32 @!p0 $0xF7A, s2;
	p2 =	seq.s32 @!p0 s5, $0x0  }
0x1f: {  	s9 =	smul.u32 $0xF7A, s1;
	s8 =	simm.s32 @!p0 $0x1BF5;
	p2 =	por !p2, p0  }
0x20: {  	[sflag:s8] =	ssyncset.s32 @!p0 $0xFFFFF086;
	s6 =	sadd.s32 @!p0 s3, s7;
	s7 =	simm.s32 @!p0 $0x108  }
0x21: {  	s3 =	sadd.s32 s3, s9;
	s6 =	sadd.s32 @!p0 $0x88, s6;
	s7 =	simm.s32 @p2 $0x1082  }
0x22: {  	[simem:s7], [sflag:s8] =	dma.local @!p0 [hbm:s6], $0xF7A  }
0x23: {  	s9 =	sor.u32 $0xD0000000, s2;
	s6 =	simm.s32 $0x108;
	_ =	swait.ge @!p0 [sflag:s8], $0x0  }
0x24: {  	s3 =	sadd.s32 $0x88, s3;
	s6 =	simm.s32 @!p1 $0x1082;
	[sflag:s4] =	ssyncset.s32 $0xFFFFF086  }
0x25: {  	[simem:s6], [sflag:s4] =	dma.local [hbm:s3], $0xF7A  }
0x26: {  	[smem:$0x3F99] =	sst s1;
	(tag) =	ssettag s2;
	_ =	strace s9  }
0x27: {  	s1 =	sld [smem:$0x3FA9]  }
0x28: {  	s2 =	sld [smem:$0x3FAA]  }
0x29: {  	s4 =	sld [smem:$0x3FAC]  }
0x2a: {  	p0 =	seq.s32 s5, $0x0;
	s5 =	sld [smem:$0x3FAD]  }
0x2b: {  	s6 =	sld [smem:$0x3FAE]  }
0x2c: {  	s7 =	sld [smem:$0x3FAF]  }
0x2d: {  	s3 =	simm.s32 $0x108;
	s8 =	sld [smem:$0x3FB0]  }
0x2e: {  	s3 =	simm.s32 @!p0 $0x1082;
	s9 =	sld [smem:$0x3FB1]  }
0x2f: {  	lr =	sadd.s32 s0, s3;
	s0 =	sld [smem:$0x3FA8]  }
0x30: {  	s3 =	sld [smem:$0x3FAB]  }
0x31: {  	[smem:$0x3FB4] =	sst s10  }
0x32: {  	s10 =	sld [smem:$0x3FB2];
	_ =	sdelay $0x3  }
0x33: {  	p0 =	seq.s32 s10, $0x1;
	s10 =	sld [smem:$0x3FB4];
	_ =	sdelay $0x3  }
0x34: {  	[smem:$0x3FB4] =	sst s10  }
0x35: {  	s10 =	sld [smem:$0x3FB3];
	_ =	sdelay $0x3  }
0x36: {  	p1 =	seq.s32 s10, $0x1;
	s10 =	sld [smem:$0x3FB4];
	_ =	sdelay $0x3  }
0x37: {  	[smem:$0x3FB4] =	sst s10  }
0x38: {  	s10 =	sld [smem:$0x3FB5]  }
0x39: {  	_ = 	snop;
	(pc) =	sbr.ind lr, $3  }
0x3a: {  	_ = 	snop  }
0x3b: {  	_ = 	snop  }
0x3c: {  	p2 =	seq.s32 s10, $0x1;
	s10 =	sld [smem:$0x3FB4]  }
0x3d: {  	_ =	shalt  }
0x3e: {  	_ =	shalt  }
0x3f: {  	_ =	shalt  }
0x40: {  	_ =	shalt  }
0x41: {  	_ =	shalt  }
0x42: {  	_ =	shalt  }
0x43: {  	_ =	shalt  }
0x44: {  	_ =	shalt  }
0x45: {  	_ =	shalt  }
0x46: {  	_ =	shalt  }
0x47: {  	_ =	shalt  }
0x48: {  	_ =	shalt  }
0x49: {  	_ =	shalt  }
0x4a: {  	_ =	shalt  }
0x4b: {  	_ =	shalt  }
0x4c: {  	_ =	shalt  }
0x4d: {  	_ =	shalt  }
0x4e: {  	_ =	shalt  }
0x4f: {  	_ =	shalt  }
0x50: {  	_ =	shalt  }
0x51: {  	_ =	shalt  }
0x52: {  	_ =	shalt  }
0x53: {  	_ =	shalt  }
0x54: {  	_ =	shalt  }
0x55: {  	_ =	shalt  }
0x56: {  	_ =	shalt  }
0x57: {  	_ =	shalt  }
0x58: {  	_ =	shalt  }
0x59: {  	_ =	shalt  }
0x5a: {  	_ =	shalt  }
0x5b: {  	_ =	shalt  }
0x5c: {  	_ =	shalt  }
0x5d: {  	_ =	shalt  }
0x5e: {  	_ =	shalt  }
0x5f: {  	_ =	shalt  }
0x60: {  	_ =	shalt  }
0x61: {  	_ =	shalt  }
0x62: {  	_ =	shalt  }
0x63: {  	_ =	shalt  }
0x64: {  	_ =	shalt  }
0x65: {  	_ =	shalt  }
0x66: {  	_ =	shalt  }
0x67: {  	_ =	shalt  }
0x68: {  	_ =	shalt  }
0x69: {  	_ =	shalt  }
0x6a: {  	_ =	shalt  }
0x6b: {  	_ =	shalt  }
0x6c: {  	_ =	shalt  }
0x6d: {  	_ =	shalt  }
0x6e: {  	_ =	shalt  }
0x6f: {  	_ =	shalt  }
0x70: {  	_ =	shalt  }
0x71: {  	_ =	shalt  }
0x72: {  	_ =	shalt  }
0x73: {  	_ =	shalt  }
0x74: {  	_ =	shalt  }
0x75: {  	_ =	shalt  }
0x76: {  	_ =	shalt  }
0x77: {  	_ =	shalt  }
0x78: {  	_ =	shalt  }
0x79: {  	_ =	shalt  }
0x7a: {  	_ =	shalt  }
0x7b: {  	_ =	shalt  }
0x7c: {  	_ =	shalt  }
0x7d: {  	_ =	shalt  }
0x7e: {  	_ =	shalt  }
0x7f: {  	_ =	shalt  }
0x80: {  	_ =	shalt  }
0x81: {  	_ =	shalt  }
0x82: {  	_ =	shalt  }
0x83: {  	_ =	shalt  }
0x84: {  	_ =	shalt  }
0x85: {  	_ =	shalt  }
0x86: {  	_ =	shalt  }
0x87: {  	_ =	shalt  }
.Lfunc_end0:
.L_simem_size_0:
called_computation_lowered:
.L_overlay_start_0:
0x88: {  	s2 =	sld [smem:$0x3FD9]  }
0x89: {  	s3 =	sld [smem:$0x3FFE];
	_ =	sdelay $0x1  }
0x8a: {  	s1 =	srdreg.scid  }
0x8b: {  	s0 =	sand.u32 $0x1, s1  }
0x8c: {  	s16 =	sshll.u32 s0, $0xA;
	s2 =	sadd.s32 s3, s2  }
0x8d: {  	s2 =	sadd.s32 s2, s16  }
0x8e: {  	[smem:$0x3FC0] =	sst s2  }
0x8f: {  	_ = 	snop  }
0x90: {  	(tm) =	ssettm $0x1  }
0x91: {  	s17 =	sld [smem:$0x3FFB];
	_ =	sdelay $0x3  }
0x92: {  	_ =	strace s17  }
0x93: {  	s2 =	sld [smem:$0x3FFC];
	_ =	sdelay $0x3  }
0x94: {  	_ =	strace s2  }
0x95: {  	s2 =	sld [smem:$0x3FFD];
	_ =	sdelay $0x3  }
0x96: {  	_ =	strace s2  }
0x97: {  	_ =	strace $0x8FFFFFFF  }
0x98: {  	s18 =	sld [smem:$0x3FDB];
	_ =	sdelay $0x1  }
0x99: {  	s19 =	simm.s32 $_scs_section_size  }
0x9a: {  	s4 =	simm.s32 $_size__tile_overlayer_lowered;
	s5 =	simm.s32 $_tile_overlayer_lowered  }
0x9b: {  	s22 =	simm.s32 $0x1BFF;
	s21 =	sshll.u32 s5, $0x1;
	s2 =	sadd.s32 s19, s18  }
0x9c: {  	s6 =	simm.s32 $0x0;
	s20 =	sshll.u32 s4, $0x1;
	s4 =	sadd.s32 s21, s2  }
0x9d: {  	[timem:s6], [sflag:s22] =	dma.local [hbm:s4], s20  }
0x9e: {  	_ =	swait.ge [sflag:s22], s20  }
0x9f: {  	s3 =	ssub.s32 $0x0, s20;
	[sflag:s22] =	ssyncset.done $0x0  }
0xa0: {  	[sflag:s22] =	ssyncadd.s32 s3;
	_ =	sdelay $0x1  }
0xa1: {  	s23 =	simm.s32 $0x1B8B  }
0xa2: {  	_ =	swait.ge [sflag:s23], $0x1  }
0xa3: {  	[sflag:s23] =	ssyncset.done $0x0  }
0xa4: {  	s25 =	simm.s32 $0x1B8E;
	s24 =	sld [smem:$0x3FFE];
	[sflag:s23] =	ssyncadd.s32 $0xFFFFFFFF  }
0xa5: {  	s26 =	simm.s32 $execute0_lowered;
	[smem:$0x3FD2] =	sst s25  }
0xa6: {  	s4 =	sshll.u32 s26, $0x1;
	_ =	strace $0x80000046;
	[dreg:$0x1] =	wrdreg $0xFFFFFFFF  }
0xa7: {  	s28 =	simm.s32 $_size_execute0_lowered;
	s2 =	sadd.s32 s2, s4;
	[dreg:$0x0] =	wrdreg $0x0  }
0xa8: {  	s4 =	sshll.u32 s28, $0x1;
	[dreg:$0x2] =	wrdreg s2  }
0xa9: {  	[dreg:$0x3] =	wrdreg s4  }
0xaa: {  	[dreg:$0x4] =	wrdreg $0xC0  }
0xab: {  	_ =	task [dreg:s6], $0x5FFFF  }
0xac: {  	[dreg:$0x1] =	wrdreg $0xFFFFFFFF  }
0xad: {  	[dreg:$0x0] =	wrdreg $0x60  }
0xae: {  	[dreg:$0x2] =	wrdreg s24  }
0xaf: {  	[dreg:$0x3] =	wrdreg $0x0  }
0xb0: {  	[dreg:$0x4] =	wrdreg $0x9  }
0xb1: {  	_ =	task.clear_ibuf [dreg:s6], $0x5FFFF;
	_ =	strace $0x90000046  }
0xb2: {  	s29 =	simm.s32 $0x9;
	_ =	strace $0x80000048  }
0xb3: {  	_ =	swait.ge [sflag:s29], $0x1  }
0xb4: {  	[sflag:s29] =	ssyncadd.s32 $0xFFFFFFFF  }
0xb5: {  	_ =	strace $0x90000048  }
0xb6: {  	_ =	sfence  }
0xb7: {  	s30 =	sld [smem:$0x0];
	_ =	sdelay $0x2  }
0xb8: {  	s31 =	sshll.u32 s1, $0xD;
	s1 =	sshrl.u32 s1, $0x2  }
0xb9: {  	s3 =	sand.u32 $0x4000, s31;
	s1 =	sadd.s32 s1, s30  }
0xba: {  	s0 =	sor.u32 s3, s0;
	s1 =	sshll.u32 s1, $0x11  }
0xbb: {  	s0 =	sor.u32 s1, s0  }
0xbc: {  	s0 =	sadd.s32 $0x8F2B, s0  }
0xbd: {  	[sflag:s0] =	ssyncadd.remote.s32 $0x1  }
0xbe: {  	_ =	sfence.sel $0xFFFF  }
0xbf: {  	[dreg:$0x0] =	wrdreg $0xFFFFFFFF;
	(pc) =	sbr.abs _section_cstart, $3  }
0xc0: {  	[dreg:$0x1] =	wrdreg $0xFFFFFFFF  }
0xc1: {  	_ =	task.clear_ibuf [dreg:s6], $0x2FFFF;
	_ =	strace $0x9FFFFFFF  }
0xc2: {  	(tm) =	ssettm $0x7FFFFFFF  }
0xc3: {  	_ =	shalt  }
tec
execute0_lowered:
.L_overlay_start_1:
0x0: {  	(tag) =	ssettag $0x1  }
0x1: {  	s0 =	srdreg.scid;
	s6 =	rddreg [dreg:$0x0]  }
0x2: {  	s2 =	rddreg [dreg:$0x1];
	s3 =	simm.s32 $0x0;
	s13 =	simm.s32 $0x4  }
0x3: {  	s14 =	simm.s32 $0x1;
	s15 =	simm.s32 $0x2;
	s16 =	simm.s32 $0x80  }
0x4: {  	s17 =	simm.s32 $0x3;
	s4 =	sand.u32 $0x1, s0;
	s0 =	stileid.u32  }
0x5: {  	s18 =	simm.s32 $0x0;
	[smem:$0x7FF] =	sst s3;
	s7 =	smul.u32 $0x280, s0  }
0x6: {  	s1 =	sshll.u32 s4, $0x4;
	s8 =	smul.u32 $0x2800, s4;
	s30 =	ssub.s32 $0x2, s4  }
0x7: {  	s4 =	sadd.s32 $0xCE00, s6;
	s31 =	sshll.u32 s0, $0x6;
	s1 =	sor.u32 s0, s1  }
0x8: {  	s11 =	sshrl.u32 s30, $0x1;
	s5 =	smul.u32 $0x500, s1;
	s1 =	rddreg [dreg:$0x2]  }
0x9: {  	_ =	strace $0x80000047;
	s29 =	sadd.s32 s7, s8;
	s11 =	ssub.s32 s30, s11  }
0xa: {  	s12 =	sadd.s32 s7, s2;
	s7 =	sor.u32 $0x1C04, s31;
	s10 =	sshrl.u32 s29, $0x3  }
0xb: {  	s12 =	sshrl.u32 s12, $0x3;
	s9 =	sadd.s32 s5, s6;
	s10 =	sadd.s32 s10, s6  }
0xc: {  	s5 =	sadd.s32 $0xD000, s6;
	s6 =	sadd.s32 $0x2E00, s9;
	s8 =	sadd.s32 $0xD200, s10  }
0xd: {  	s9 =	smax.u32 s11, $0x1;
	s10 =	simm.s32 $0x280;
	s11 =	simm.s32 $0x2A80  }
.LBB2_1:
0xe: {  	[tilespmem:s10], [sflag:$0x1] =	stream.linear.gather [hbm4b:s6+s3], $0x2800, $0x38;
	[tilespmem:$0x2B00] =	vst v63  }
0xf: {  	_ = 	snop  }
0x10: {  	[tilespmem:s11], [sflag:$0x2] =	stream.linear.gather [hbm4b:s5+s3], $0x80, $0x38;
	[tilespmem:$0x2B00] =	vst v63  }
0x11: {  	[spmem:s12], [sflag:s7] =	dma.local [hbm:s4], $0x50  }
0x12: {  	_ =	swait.ge [sflag:s13], $0x50  }
0x13: {  	[sflag:s13] =	ssyncset.done $0x0  }
0x14: {  	[sflag:s13] =	ssyncadd.s32 $0xFFFFFFB0  }
0x15: {  	_ =	swait.ge [sflag:s14], $0x2800  }
0x16: {  	[sflag:s14] =	ssyncset.done $0x0  }
0x17: {  	[sflag:s14] =	ssyncadd.s32 $0xFFFFD800  }
0x18: {  	_ =	swait.ge [sflag:s15], $0x80  }
0x19: {  	[sflag:s15] =	ssyncset.done $0x0  }
0x1a: {  	[sflag:s15] =	ssyncadd.s32 $0xFFFFFF80  }
0x1b: {  	s19 =	simm.s32 $0x280;
	[bflag:$0x0] =	sbarrier.arrive $0xFFFF  }
0x1c: {  	[spmem:s2] =	stream.indirect.scatter.add.f32 [tilespmem:s11], [sflag:$0x3], $0x1, s19, s16, $0xb8;
	[tilespmem:$0x2B00] =	vst v63  }
0x1d: {  	s24 =	simm.s32 $0x300  }
0x1e: {  	[spmem:s2] =	stream.indirect.scatter.add.f32 [tilespmem:s11], [sflag:$0x3], $0x1, s24, s16, $0xb8;
	[tilespmem:$0x2B00] =	vst v63  }
0x1f: {  	s25 =	simm.s32 $0x380  }
0x20: {  	[spmem:s2] =	stream.indirect.scatter.add.f32 [tilespmem:s11], [sflag:$0x3], $0x1, s25, s16, $0xb8;
	[tilespmem:$0x2B00] =	vst v63  }
0x21: {  	s26 =	simm.s32 $0x400  }
0x22: {  	[spmem:s2] =	stream.indirect.scatter.add.f32 [tilespmem:s11], [sflag:$0x3], $0x1, s26, s16, $0xb8;
	[tilespmem:$0x2B00] =	vst v63  }
0x23: {  	s28 =	simm.s32 $0x480  }
0x24: {  	[spmem:s2] =	stream.indirect.scatter.add.f32 [tilespmem:s11], [sflag:$0x3], $0x1, s28, s16, $0xb8;
	[tilespmem:$0x2B00] =	vst v63  }
0x25: {  	s29 =	simm.s32 $0x500  }
0x26: {  	[spmem:s2] =	stream.indirect.scatter.add.f32 [tilespmem:s11], [sflag:$0x3], $0x1, s29, s16, $0xb8;
	[tilespmem:$0x2B00] =	vst v63  }
0x27: {  	s30 =	simm.s32 $0x580  }
0x28: {  	[spmem:s2] =	stream.indirect.scatter.add.f32 [tilespmem:s11], [sflag:$0x3], $0x1, s30, s16, $0xb8;
	[tilespmem:$0x2B00] =	vst v63  }
0x29: {  	s31 =	simm.s32 $0x600  }
0x2a: {  	[spmem:s2] =	stream.indirect.scatter.add.f32 [tilespmem:s11], [sflag:$0x3], $0x1, s31, s16, $0xb8;
	[tilespmem:$0x2B00] =	vst v63  }
0x2b: {  	_ =	swait.ge [sflag:s17], $0x80  }
0x2c: {  	[sflag:s17] =	ssyncset.done $0x0  }
0x2d: {  	[sflag:s17] =	ssyncadd.s32 $0xFFFFFF80  }
0x2e: {  	_ =	swait.ge [sflag:s17], $0x80  }
0x2f: {  	[sflag:s17] =	ssyncset.done $0x0  }
0x30: {  	[sflag:s17] =	ssyncadd.s32 $0xFFFFFF80  }
0x31: {  	_ =	swait.ge [sflag:s17], $0x80  }
0x32: {  	[sflag:s17] =	ssyncset.done $0x0  }
0x33: {  	[sflag:s17] =	ssyncadd.s32 $0xFFFFFF80  }
0x34: {  	_ =	swait.ge [sflag:s17], $0x80  }
0x35: {  	[sflag:s17] =	ssyncset.done $0x0  }
0x36: {  	[sflag:s17] =	ssyncadd.s32 $0xFFFFFF80  }
0x37: {  	_ =	swait.ge [sflag:s17], $0x80  }
0x38: {  	[sflag:s17] =	ssyncset.done $0x0  }
0x39: {  	[sflag:s17] =	ssyncadd.s32 $0xFFFFFF80  }
0x3a: {  	_ =	swait.ge [sflag:s17], $0x80  }
0x3b: {  	[sflag:s17] =	ssyncset.done $0x0  }
0x3c: {  	[sflag:s17] =	ssyncadd.s32 $0xFFFFFF80  }
0x3d: {  	_ =	swait.ge [sflag:s17], $0x80  }
0x3e: {  	[sflag:s17] =	ssyncset.done $0x0  }
0x3f: {  	[sflag:s17] =	ssyncadd.s32 $0xFFFFFF80  }
0x40: {  	_ =	swait.ge [sflag:s17], $0x80  }
0x41: {  	s22 =	simm.s32 $0x2000;
	s21 =	simm.s32 $0x400;
	[sflag:s17] =	ssyncset.done $0x0  }
.LBB2_2:
0x42: {  	s23 =	sadd.s32 $0x280, s21  }
0x43: {  	[sflag:s17] =	ssyncadd.s32 $0xFFFFFF80;
	s20 =	smov.u32 s22;
	s19 =	sadd.s32 $0x1000, s22  }
0x44: {  	[spmem:s2] =	stream.indirect.scatter.add.f32 [tilespmem:s11], [sflag:$0x3], $0x1, s23, s16, $0xb8;
	[tilespmem:$0x2B00] =	vst v63  }
0x45: {  	p0 =	sne.s32 s22, $0x9000;
	s22 =	sadd.s32 $0x300, s21  }
0x46: {  	[spmem:s2] =	stream.indirect.scatter.add.f32 [tilespmem:s11], [sflag:$0x3], $0x1, s22, s16, $0xb8;
	[tilespmem:$0x2B00] =	vst v63  }
0x47: {  	s22 =	sadd.s32 $0x380, s21  }
0x48: {  	[spmem:s2] =	stream.indirect.scatter.add.f32 [tilespmem:s11], [sflag:$0x3], $0x1, s22, s16, $0xb8;
	[tilespmem:$0x2B00] =	vst v63  }
0x49: {  	s22 =	sadd.s32 $0x400, s21  }
0x4a: {  	[spmem:s2] =	stream.indirect.scatter.add.f32 [tilespmem:s11], [sflag:$0x3], $0x1, s22, s16, $0xb8;
	[tilespmem:$0x2B00] =	vst v63  }
0x4b: {  	s22 =	sadd.s32 $0x480, s21  }
0x4c: {  	[spmem:s2] =	stream.indirect.scatter.add.f32 [tilespmem:s11], [sflag:$0x3], $0x1, s22, s16, $0xb8;
	[tilespmem:$0x2B00] =	vst v63  }
0x4d: {  	s22 =	sadd.s32 $0x500, s21  }
0x4e: {  	[spmem:s2] =	stream.indirect.scatter.add.f32 [tilespmem:s11], [sflag:$0x3], $0x1, s22, s16, $0xb8;
	[tilespmem:$0x2B00] =	vst v63  }
0x4f: {  	s22 =	sadd.s32 $0x580, s21  }
0x50: {  	[spmem:s2] =	stream.indirect.scatter.add.f32 [tilespmem:s11], [sflag:$0x3], $0x1, s22, s16, $0xb8;
	[tilespmem:$0x2B00] =	vst v63  }
0x51: {  	s21 =	sadd.s32 $0x600, s21  }
0x52: {  	[spmem:s2] =	stream.indirect.scatter.add.f32 [tilespmem:s11], [sflag:$0x3], $0x1, s21, s16, $0xb8;
	[tilespmem:$0x2B00] =	vst v63  }
0x53: {  	_ =	swait.ge [sflag:s17], $0x80  }
0x54: {  	[sflag:s17] =	ssyncset.done $0x0  }
0x55: {  	[sflag:s17] =	ssyncadd.s32 $0xFFFFFF80  }
0x56: {  	_ =	swait.ge [sflag:s17], $0x80  }
0x57: {  	[sflag:s17] =	ssyncset.done $0x0  }
0x58: {  	[sflag:s17] =	ssyncadd.s32 $0xFFFFFF80  }
0x59: {  	_ =	swait.ge [sflag:s17], $0x80  }
0x5a: {  	[sflag:s17] =	ssyncset.done $0x0  }
0x5b: {  	[sflag:s17] =	ssyncadd.s32 $0xFFFFFF80  }
0x5c: {  	_ =	swait.ge [sflag:s17], $0x80  }
0x5d: {  	[sflag:s17] =	ssyncset.done $0x0  }
0x5e: {  	[sflag:s17] =	ssyncadd.s32 $0xFFFFFF80  }
0x5f: {  	_ =	swait.ge [sflag:s17], $0x80  }
0x60: {  	[sflag:s17] =	ssyncset.done $0x0  }
0x61: {  	[sflag:s17] =	ssyncadd.s32 $0xFFFFFF80  }
0x62: {  	_ =	swait.ge [sflag:s17], $0x80  }
0x63: {  	[sflag:s17] =	ssyncset.done $0x0  }
0x64: {  	[sflag:s17] =	ssyncadd.s32 $0xFFFFFF80  }
.Ltmp0:
0x65: {  	_ =	swait.ge [sflag:s17], $0x80;
	(pc) =	sbr.rel @p0 .LBB2_2-.Ltmp0, $4  }
0x66: {  	[sflag:s17] =	ssyncset.done $0x0  }
0x67: {  	[sflag:s17] =	ssyncadd.s32 $0xFFFFFF80  }
0x68: {  	_ =	swait.ge [sflag:s17], $0x80  }
0x69: {  	s22 =	smov.u32 s19;
	s21 =	sshra.s32 s20, $0x2;
	[sflag:s17] =	ssyncset.done $0x0  }
0x6a: {  	s19 =	sadd.s32 $0x280, s21;
	[sflag:s17] =	ssyncadd.s32 $0xFFFFFF80  }
0x6b: {  	[spmem:s2] =	stream.indirect.scatter.add.f32 [tilespmem:s11], [sflag:$0x3], $0x1, s19, s16, $0xb8;
	[tilespmem:$0x2B00] =	vst v63  }
0x6c: {  	s24 =	sadd.s32 $0x300, s21  }
0x6d: {  	[spmem:s2] =	stream.indirect.scatter.add.f32 [tilespmem:s11], [sflag:$0x3], $0x1, s24, s16, $0xb8;
	[tilespmem:$0x2B00] =	vst v63  }
0x6e: {  	s25 =	sadd.s32 $0x380, s21  }
0x6f: {  	[spmem:s2] =	stream.indirect.scatter.add.f32 [tilespmem:s11], [sflag:$0x3], $0x1, s25, s16, $0xb8;
	[tilespmem:$0x2B00] =	vst v63  }
0x70: {  	s26 =	sadd.s32 $0x400, s21  }
0x71: {  	[spmem:s2] =	stream.indirect.scatter.add.f32 [tilespmem:s11], [sflag:$0x3], $0x1, s26, s16, $0xb8;
	[tilespmem:$0x2B00] =	vst v63  }
0x72: {  	s28 =	sadd.s32 $0x480, s21  }
0x73: {  	[spmem:s2] =	stream.indirect.scatter.add.f32 [tilespmem:s11], [sflag:$0x3], $0x1, s28, s16, $0xb8;
	[tilespmem:$0x2B00] =	vst v63  }
0x74: {  	s29 =	sadd.s32 $0x500, s21  }
0x75: {  	[spmem:s2] =	stream.indirect.scatter.add.f32 [tilespmem:s11], [sflag:$0x3], $0x1, s29, s16, $0xb8;
	[tilespmem:$0x2B00] =	vst v63  }
0x76: {  	s30 =	sadd.s32 $0x580, s21  }
0x77: {  	[spmem:s2] =	stream.indirect.scatter.add.f32 [tilespmem:s11], [sflag:$0x3], $0x1, s30, s16, $0xb8;
	[tilespmem:$0x2B00] =	vst v63  }
0x78: {  	s31 =	sadd.s32 $0x600, s21  }
0x79: {  	[spmem:s2] =	stream.indirect.scatter.add.f32 [tilespmem:s11], [sflag:$0x3], $0x1, s31, s16, $0xb8;
	[tilespmem:$0x2B00] =	vst v63  }
0x7a: {  	_ =	swait.ge [sflag:s17], $0x80  }
0x7b: {  	[sflag:s17] =	ssyncset.done $0x0  }
0x7c: {  	[sflag:s17] =	ssyncadd.s32 $0xFFFFFF80  }
0x7d: {  	_ =	swait.ge [sflag:s17], $0x80  }
0x7e: {  	[sflag:s17] =	ssyncset.done $0x0  }
0x7f: {  	[sflag:s17] =	ssyncadd.s32 $0xFFFFFF80  }
0x80: {  	_ =	swait.ge [sflag:s17], $0x80  }
0x81: {  	[sflag:s17] =	ssyncset.done $0x0  }
0x82: {  	[sflag:s17] =	ssyncadd.s32 $0xFFFFFF80  }
0x83: {  	_ =	swait.ge [sflag:s17], $0x80  }
0x84: {  	[sflag:s17] =	ssyncset.done $0x0  }
0x85: {  	[sflag:s17] =	ssyncadd.s32 $0xFFFFFF80  }
0x86: {  	_ =	swait.ge [sflag:s17], $0x80  }
0x87: {  	[sflag:s17] =	ssyncset.done $0x0  }
0x88: {  	[sflag:s17] =	ssyncadd.s32 $0xFFFFFF80  }
0x89: {  	_ =	swait.ge [sflag:s17], $0x80  }
0x8a: {  	[sflag:s17] =	ssyncset.done $0x0  }
0x8b: {  	[sflag:s17] =	ssyncadd.s32 $0xFFFFFF80  }
0x8c: {  	_ =	swait.ge [sflag:s17], $0x80  }
0x8d: {  	[sflag:s17] =	ssyncset.done $0x0  }
0x8e: {  	[sflag:s17] =	ssyncadd.s32 $0xFFFFFF80  }
0x8f: {  	_ =	swait.ge [sflag:s17], $0x80  }
0x90: {  	s18 =	sadd.s32 $0x1, s18;
	[sflag:s17] =	ssyncset.done $0x0  }
0x91: {  	p0 =	sne.s32 s18, s9;
	[sflag:s17] =	ssyncadd.s32 $0xFFFFFF80  }
.Ltmp1:
0x92: {  	[bflag:$0x0] =	sbarrier.arrive $0xFFFF;
	(pc) =	sbr.rel @p0 .LBB2_1-.Ltmp1, $4  }
0x93: {  	[hbm:s8], [sflag:s7] =	dma.local [spmem:s12], $0x50  }
0x94: {  	_ =	swait.ge [sflag:s13], $0x50  }
0x95: {  	[sflag:s13] =	ssyncset.done $0x0  }
0x96: {  	[sflag:s13] =	ssyncadd.s32 $0xFFFFFFB0  }
0x97: {  	_ =	sfence.sel $0x180000  }
0x98: {  	[bflag:$0x0] =	sbarrier.arrive $0xFFFF  }
0x99: {  	p0 =	sne.s32 s0, $0x0;
	_ =	strace $0x90000047  }
0x9a: {  	s0 =	sadd.s32 @!p0 $0x100000, s1;
	[bflag:$0x2] =	sbarrier.arrive $0xFFFF  }
0x9b: {  	[sflag:s0] =	ssyncadd.tile.s32 @!p0 $0x1;
	_ =	shalt  }
.Lfunc_end2:
_tile_overlayer_lowered:
.L_overlay_start_2:
0x9c: {  	(tag) =	ssettag $0x2  }
0x9d: {  	s0 =	rddreg [dreg:$0x0];
	s2 =	stileid.u32  }
0x9e: {  	s1 =	rddreg [dreg:$0x1];
	p0 =	sne.s32 s2, $0x0  }
0x9f: {  	s3 =	rddreg [dreg:$0x2];
	[bflag:$0x3] =	sbarrier.arrive $0xFFFF;
	s2 =	simm.s32 @!p0 $0x1C04  }
0xa0: {  	[timem:s3], [sflag:s2] =	dma.local @!p0 [hbm:s0], s1  }
0xa1: {  	s0 =	simm.s32 @!p0 $0x4  }
0xa2: {  	_ =	swait.ge @!p0 [sflag:s0], s1  }
0xa3: {  	s1 =	ssub.s32 @!p0 $0x0, s1;
	[sflag:s0] =	ssyncset.done @!p0 $0x0  }
0xa4: {  	[sflag:s0] =	ssyncadd.s32 @!p0 s1  }
0xa5: {  	[bflag:$0x3] =	sbarrier.arrive $0xFFFF  }
0xa6: {  	_ =	shalt  }

// kernel: kernel.14.cloned.1.call-start
scs
__scs_entry_jumppad:
0x0: {  	(pc) =	sbr.rel $0x88, $3  }
0x1: {  	(tag) =	ssettag $0x0;
	lr =	simm.s32 $0x1  }
0x2: {  	[smem:$0x3F99] =	sst lr;
	_ =	strace $0xD0000000  }
0x3: {  	_ = 	snop  }
0x4: {  	_ = 	snop  }
0x5: {  	_ = 	snop  }
0x6: {  	_ = 	snop  }
0x7: {  	_ = 	snop  }
__scs_overlays_trampoline_lowered:
0x8: {  	[smem:$0x3FA8] =	sst s0  }
0x9: {  	[smem:$0x3FA9] =	sst s1  }
0xa: {  	[smem:$0x3FAA] =	sst s2  }
0xb: {  	[smem:$0x3FAB] =	sst s3  }
0xc: {  	[smem:$0x3FAC] =	sst s4  }
0xd: {  	[smem:$0x3FAD] =	sst s5  }
0xe: {  	[smem:$0x3FAE] =	sst s6  }
0xf: {  	[smem:$0x3FAF] =	sst s7  }
0x10: {  	[smem:$0x3FB0] =	sst s8  }
0x11: {  	[smem:$0x3FB1] =	sst s9;
	s0 =	simm.s32 @!p0 $0x0  }
0x12: {  	s1 =	sld [smem:$0x3F97];
	s0 =	simm.s32 @p0 $0x1  }
0x13: {  	[smem:$0x3FB2] =	sst s0;
	s0 =	simm.s32 @!p1 $0x0  }
0x14: {  	s2 =	sld [smem:$0x3F96];
	s0 =	simm.s32 @p1 $0x1  }
0x15: {  	[smem:$0x3FB3] =	sst s0;
	s0 =	simm.s32 @!p2 $0x0  }
0x16: {  	s3 =	sld [smem:$0x3FDB];
	s0 =	simm.s32 @p2 $0x1  }
0x17: {  	s4 =	simm.s32 $0x1BF5;
	[smem:$0x3FB5] =	sst s0  }
0x18: {  	s0 =	sld [smem:$0x3F98];
	_ =	swait.ge [sflag:s4], $0x0  }
0x19: {  	s7 =	sld [smem:$0x3F99]  }
0x1a: {  	s8 =	sadd.s32 $0xFFFFE003, lr  }
0x1b: {  	s9 =	sadd.s32 $0xFFFFFEF7, lr;
	s5 =	simm.s32 $0xFFFFFFFF;
	p2 =	slt.u32 s8, $0xFFFFF086  }
0x1c: {  	p1 =	slt.u32 s9, $0xF7A;
	s5 =	simm.s32 @!p2 $0x0  }
0x1d: {  	s5 =	simm.s32 @p1 $0x1;
	p0 =	seq.s32 s7, s2  }
0x1e: {  	s7 =	smul.u32 @!p0 $0xF7A, s2;
	p2 =	seq.s32 @!p0 s5, $0x0  }
0x1f: {  	s9 =	smul.u32 $0xF7A, s1;
	s8 =	simm.s32 @!p0 $0x1BF5;
	p2 =	por !p2, p0  }
0x20: {  	[sflag:s8] =	ssyncset.s32 @!p0 $0xFFFFF086;
	s6 =	sadd.s32 @!p0 s3, s7;
	s7 =	simm.s32 @!p0 $0x108  }
0x21: {  	s3 =	sadd.s32 s3, s9;
	s6 =	sadd.s32 @!p0 $0x88, s6;
	s7 =	simm.s32 @p2 $0x1082  }
0x22: {  	[simem:s7], [sflag:s8] =	dma.local @!p0 [hbm:s6], $0xF7A  }
0x23: {  	s9 =	sor.u32 $0xD0000000, s2;
	s6 =	simm.s32 $0x108;
	_ =	swait.ge @!p0 [sflag:s8], $0x0  }
0x24: {  	s3 =	sadd.s32 $0x88, s3;
	s6 =	simm.s32 @!p1 $0x1082;
	[sflag:s4] =	ssyncset.s32 $0xFFFFF086  }
0x25: {  	[simem:s6], [sflag:s4] =	dma.local [hbm:s3], $0xF7A  }
0x26: {  	[smem:$0x3F99] =	sst s1;
	(tag) =	ssettag s2;
	_ =	strace s9  }
0x27: {  	s1 =	sld [smem:$0x3FA9]  }
0x28: {  	s2 =	sld [smem:$0x3FAA]  }
0x29: {  	s4 =	sld [smem:$0x3FAC]  }
0x2a: {  	p0 =	seq.s32 s5, $0x0;
	s5 =	sld [smem:$0x3FAD]  }
0x2b: {  	s6 =	sld [smem:$0x3FAE]  }
0x2c: {  	s7 =	sld [smem:$0x3FAF]  }
0x2d: {  	s3 =	simm.s32 $0x108;
	s8 =	sld [smem:$0x3FB0]  }
0x2e: {  	s3 =	simm.s32 @!p0 $0x1082;
	s9 =	sld [smem:$0x3FB1]  }
0x2f: {  	lr =	sadd.s32 s0, s3;
	s0 =	sld [smem:$0x3FA8]  }
0x30: {  	s3 =	sld [smem:$0x3FAB]  }
0x31: {  	[smem:$0x3FB4] =	sst s10  }
0x32: {  	s10 =	sld [smem:$0x3FB2];
	_ =	sdelay $0x3  }
0x33: {  	p0 =	seq.s32 s10, $0x1;
	s10 =	sld [smem:$0x3FB4];
	_ =	sdelay $0x3  }
0x34: {  	[smem:$0x3FB4] =	sst s10  }
0x35: {  	s10 =	sld [smem:$0x3FB3];
	_ =	sdelay $0x3  }
0x36: {  	p1 =	seq.s32 s10, $0x1;
	s10 =	sld [smem:$0x3FB4];
	_ =	sdelay $0x3  }
0x37: {  	[smem:$0x3FB4] =	sst s10  }
0x38: {  	s10 =	sld [smem:$0x3FB5]  }
0x39: {  	_ = 	snop;
	(pc) =	sbr.ind lr, $3  }
0x3a: {  	_ = 	snop  }
0x3b: {  	_ = 	snop  }
0x3c: {  	p2 =	seq.s32 s10, $0x1;
	s10 =	sld [smem:$0x3FB4]  }
0x3d: {  	_ =	shalt  }
0x3e: {  	_ =	shalt  }
0x3f: {  	_ =	shalt  }
0x40: {  	_ =	shalt  }
0x41: {  	_ =	shalt  }
0x42: {  	_ =	shalt  }
0x43: {  	_ =	shalt  }
0x44: {  	_ =	shalt  }
0x45: {  	_ =	shalt  }
0x46: {  	_ =	shalt  }
0x47: {  	_ =	shalt  }
0x48: {  	_ =	shalt  }
0x49: {  	_ =	shalt  }
0x4a: {  	_ =	shalt  }
0x4b: {  	_ =	shalt  }
0x4c: {  	_ =	shalt  }
0x4d: {  	_ =	shalt  }
0x4e: {  	_ =	shalt  }
0x4f: {  	_ =	shalt  }
0x50: {  	_ =	shalt  }
0x51: {  	_ =	shalt  }
0x52: {  	_ =	shalt  }
0x53: {  	_ =	shalt  }
0x54: {  	_ =	shalt  }
0x55: {  	_ =	shalt  }
0x56: {  	_ =	shalt  }
0x57: {  	_ =	shalt  }
0x58: {  	_ =	shalt  }
0x59: {  	_ =	shalt  }
0x5a: {  	_ =	shalt  }
0x5b: {  	_ =	shalt  }
0x5c: {  	_ =	shalt  }
0x5d: {  	_ =	shalt  }
0x5e: {  	_ =	shalt  }
0x5f: {  	_ =	shalt  }
0x60: {  	_ =	shalt  }
0x61: {  	_ =	shalt  }
0x62: {  	_ =	shalt  }
0x63: {  	_ =	shalt  }
0x64: {  	_ =	shalt  }
0x65: {  	_ =	shalt  }
0x66: {  	_ =	shalt  }
0x67: {  	_ =	shalt  }
0x68: {  	_ =	shalt  }
0x69: {  	_ =	shalt  }
0x6a: {  	_ =	shalt  }
0x6b: {  	_ =	shalt  }
0x6c: {  	_ =	shalt  }
0x6d: {  	_ =	shalt  }
0x6e: {  	_ =	shalt  }
0x6f: {  	_ =	shalt  }
0x70: {  	_ =	shalt  }
0x71: {  	_ =	shalt  }
0x72: {  	_ =	shalt  }
0x73: {  	_ =	shalt  }
0x74: {  	_ =	shalt  }
0x75: {  	_ =	shalt  }
0x76: {  	_ =	shalt  }
0x77: {  	_ =	shalt  }
0x78: {  	_ =	shalt  }
0x79: {  	_ =	shalt  }
0x7a: {  	_ =	shalt  }
0x7b: {  	_ =	shalt  }
0x7c: {  	_ =	shalt  }
0x7d: {  	_ =	shalt  }
0x7e: {  	_ =	shalt  }
0x7f: {  	_ =	shalt  }
0x80: {  	_ =	shalt  }
0x81: {  	_ =	shalt  }
0x82: {  	_ =	shalt  }
0x83: {  	_ =	shalt  }
0x84: {  	_ =	shalt  }
0x85: {  	_ =	shalt  }
0x86: {  	_ =	shalt  }
0x87: {  	_ =	shalt  }
.Lfunc_end0:
.L_simem_size_0:
called_computation.1_lowered:
.L_overlay_start_0:
0x88: {  	s2 =	sld [smem:$0x3FD9]  }
0x89: {  	s3 =	sld [smem:$0x3FFE];
	_ =	sdelay $0x1  }
0x8a: {  	s1 =	srdreg.scid  }
0x8b: {  	s0 =	sand.u32 $0x1, s1  }
0x8c: {  	s17 =	sshll.u32 s0, $0xA;
	s2 =	sadd.s32 s3, s2  }
0x8d: {  	s2 =	sadd.s32 s2, s17  }
0x8e: {  	[smem:$0x3FC0] =	sst s2  }
0x8f: {  	_ = 	snop  }
0x90: {  	s2 =	sld [smem:$0x3FD0];
	(tm) =	ssettm $0x1  }
0x91: {  	s18 =	sld [smem:$0x3FFB];
	_ =	sdelay $0x3  }
0x92: {  	_ =	strace s18  }
0x93: {  	s3 =	sld [smem:$0x3FFC];
	_ =	sdelay $0x3  }
0x94: {  	_ =	strace s3  }
0x95: {  	s3 =	sld [smem:$0x3FFD];
	_ =	sdelay $0x3  }
0x96: {  	_ =	strace s3  }
0x97: {  	_ =	strace $0x8FFFFFFF  }
0x98: {  	s19 =	sld [smem:$0x3FDB];
	_ =	sdelay $0x1  }
0x99: {  	s4 =	simm.s32 $_scs_section_size  }
0x9a: {  	s5 =	simm.s32 $_size__tile_overlayer_lowered;
	s6 =	simm.s32 $_tile_overlayer_lowered  }
0x9b: {  	s22 =	simm.s32 $0x1BFF;
	s21 =	sshll.u32 s6, $0x1;
	s3 =	sadd.s32 s4, s19  }
0x9c: {  	s7 =	simm.s32 $0x0;
	s20 =	sshll.u32 s5, $0x1;
	s5 =	sadd.s32 s21, s3  }
0x9d: {  	[timem:s7], [sflag:s22] =	dma.local [hbm:s5], s20  }
0x9e: {  	_ =	swait.ge [sflag:s22], s20  }
0x9f: {  	s4 =	ssub.s32 $0x0, s20;
	[sflag:s22] =	ssyncset.done $0x0  }
0xa0: {  	[sflag:s22] =	ssyncadd.s32 s4;
	_ =	sdelay $0x1  }
0xa1: {  	s23 =	simm.s32 $0x1B8B  }
0xa2: {  	_ =	swait.ge [sflag:s23], $0x1  }
0xa3: {  	[sflag:s23] =	ssyncset.done $0x0  }
0xa4: {  	s25 =	simm.s32 $0x1B8E;
	s24 =	sld [smem:$0x3FFE];
	[sflag:s23] =	ssyncadd.s32 $0xFFFFFFFF  }
0xa5: {  	s26 =	simm.s32 $execute0_lowered;
	[smem:$0x3FD2] =	sst s25  }
0xa6: {  	s5 =	sshll.u32 s26, $0x1;
	_ =	strace $0x80000049;
	[dreg:$0x1] =	wrdreg $0xFFFFFFFF  }
0xa7: {  	s28 =	simm.s32 $_size_execute0_lowered;
	s3 =	sadd.s32 s3, s5;
	[dreg:$0x0] =	wrdreg $0x0  }
0xa8: {  	s5 =	sshll.u32 s28, $0x1;
	[dreg:$0x2] =	wrdreg s3  }
0xa9: {  	[dreg:$0x3] =	wrdreg s5  }
0xaa: {  	[dreg:$0x4] =	wrdreg $0xC0  }
0xab: {  	_ =	task [dreg:s7], $0x5FFFF  }
0xac: {  	[dreg:$0x1] =	wrdreg $0xFFFFFFFF  }
0xad: {  	[dreg:$0x0] =	wrdreg $0x60  }
0xae: {  	[dreg:$0x2] =	wrdreg s24  }
0xaf: {  	[dreg:$0x3] =	wrdreg s2  }
0xb0: {  	[dreg:$0x4] =	wrdreg $0x0  }
0xb1: {  	[dreg:$0x5] =	wrdreg $0x9  }
0xb2: {  	_ =	task.clear_ibuf [dreg:s7], $0x6FFFF;
	_ =	strace $0x90000049  }
0xb3: {  	s29 =	simm.s32 $0x9;
	_ =	strace $0x8000004B  }
0xb4: {  	_ =	swait.ge [sflag:s29], $0x1  }
0xb5: {  	[sflag:s29] =	ssyncadd.s32 $0xFFFFFFFF  }
0xb6: {  	_ =	strace $0x9000004B  }
0xb7: {  	_ =	sfence  }
0xb8: {  	s30 =	sld [smem:$0x0];
	_ =	sdelay $0x2  }
0xb9: {  	s31 =	sshll.u32 s1, $0xD;
	s1 =	sshrl.u32 s1, $0x2  }
0xba: {  	s3 =	sand.u32 $0x4000, s31;
	s1 =	sadd.s32 s1, s30  }
0xbb: {  	s0 =	sor.u32 s3, s0;
	s1 =	sshll.u32 s1, $0x11  }
0xbc: {  	s0 =	sor.u32 s1, s0  }
0xbd: {  	s0 =	sadd.s32 $0x8F2B, s0  }
0xbe: {  	[sflag:s0] =	ssyncadd.remote.s32 $0x1  }
0xbf: {  	_ =	sfence.sel $0xFFFF  }
0xc0: {  	[dreg:$0x0] =	wrdreg $0xFFFFFFFF;
	(pc) =	sbr.abs _section_cstart, $3  }
0xc1: {  	[dreg:$0x1] =	wrdreg $0xFFFFFFFF  }
0xc2: {  	_ =	task.clear_ibuf [dreg:s7], $0x2FFFF;
	_ =	strace $0x9FFFFFFF  }
0xc3: {  	(tm) =	ssettm $0x7FFFFFFF  }
tec
execute0_lowered:
.L_overlay_start_1:
0x0: {  	(tag) =	ssettag $0x1  }
0x1: {  	s5 =	rddreg [dreg:$0x0]  }
0x2: {  	s8 =	rddreg [dreg:$0x1]  }
0x3: {  	s1 =	rddreg [dreg:$0x2];
	s2 =	simm.s32 $0x0  }
0x4: {  	s3 =	srdreg.scid;
	s18 =	simm.s32 $0x2;
	s19 =	simm.s32 $0x80  }
0x5: {  	s20 =	simm.s32 $0x16800;
	s21 =	simm.s32 $0x1A800;
	s22 =	simm.s32 $0x3  }
0x6: {  	s23 =	simm.s32 $0x4;
	s24 =	simm.s32 $0x5;
	s25 =	simm.s32 $0x6  }
0x7: {  	s26 =	simm.s32 $0x0;
	[smem:$0x7FF] =	sst s2;
	s12 =	sand.u32 $0x1, s3  }
0x8: {  	s3 =	stileid.u32;
	s4 =	sadd.s32 $0xCE00, s5;
	s6 =	smul.u32 $0x140000, s12  }
0x9: {  	s10 =	sadd.s32 $0x2E00, s5;
	s14 =	sadd.s32 $0x34E00, s5;
	s7 =	smul.u32 $0x14000, s3  }
0xa: {  	_ =	strace $0x8000004A;
	s9 =	sshll.u32 s12, $0x4;
	s30 =	smul.u32 $0x50000, s3  }
0xb: {  	s29 =	ssub.s32 $0x2, s12;
	s16 =	smul.u32 $0x2800, s3;
	p0 =	sne.s32 s12, $0x0  }
0xc: {  	s12 =	simm.s32 $0x14000;
	s31 =	sshll.u32 s3, $0x6;
	s9 =	sor.u32 s3, s9  }
0xd: {  	s13 =	sshrl.u32 s29, $0x1;
	s6 =	sadd.s32 s7, s6;
	s11 =	smul.u32 $0x500, s9  }
0xe: {  	s9 =	smul.u32 $0x2800, s9;
	s13 =	ssub.s32 s29, s13;
	s7 =	sshrl.u32 s30, $0x2  }
0xf: {  	s6 =	sshrl.u32 s6, $0x3;
	s17 =	sadd.s32 s7, s1;
	s7 =	sadd.s32 s4, s16  }
0x10: {  	s16 =	simm.s32 $0x7;
	s15 =	sadd.s32 s6, s5;
	s5 =	sadd.s32 s8, s11  }
0x11: {  	s9 =	sshrl.u32 s9, $0x3;
	s6 =	sadd.s32 s10, s11;
	s11 =	smax.u32 s13, $0x1  }
0x12: {  	s13 =	simm.s32 $0x15400;
	s7 =	smov.u32 @p0 s14;
	s9 =	sadd.s32 $0x280, s9  }
0x13: {  	s14 =	sor.u32 $0x1C07, s31;
	s8 =	sadd.s32 s8, s9;
	s9 =	sadd.s32 s10, s9  }
0x14: {  	s10 =	sadd.s32 $0x37600, s15;
	s15 =	sshrl.u32 s17, $0x3;
	s17 =	simm.s32 $0x1  }
.LBB2_1:
0x15: {  	[tilespmem:s12], [sflag:$0x1] =	stream.linear.gather [hbm4b:s5+s2], $0x1400, $0x38;
	[tilespmem:$0x1E800] =	vst v63  }
0x16: {  	_ = 	snop  }
0x17: {  	[tilespmem:s13], [sflag:$0x2] =	stream.linear.gather [hbm4b:s6+s2], $0x1400, $0x38;
	[tilespmem:$0x1E800] =	vst v63  }
0x18: {  	[spmem:s15], [sflag:s14] =	dma.local [hbm:s7], $0x2800  }
0x19: {  	_ =	swait.ge [sflag:s16], $0x2800  }
0x1a: {  	[sflag:s16] =	ssyncset.done $0x0  }
0x1b: {  	[sflag:s16] =	ssyncadd.s32 $0xFFFFD800  }
0x1c: {  	_ =	swait.ge [sflag:s17], $0x1400  }
0x1d: {  	[sflag:s17] =	ssyncset.done $0x0  }
0x1e: {  	[sflag:s17] =	ssyncadd.s32 $0xFFFFEC00  }
0x1f: {  	_ =	swait.ge [sflag:s18], $0x1400  }
0x20: {  	[sflag:s18] =	ssyncset.done $0x0  }
0x21: {  	[sflag:s18] =	ssyncadd.s32 $0xFFFFEC00  }
0x22: {  	s28 =	simm.s32 $0x14000;
	[bflag:$0x0] =	sbarrier.arrive $0xFFFF  }
0x23: {  	[tilespmem:s20], [sflag:$0x3] =	stream.indirect.gather [hbm4b:s4+s19], $0x80, s28, s19, $0xb8;
	[tilespmem:$0x1E800] =	vst v63  }
0x24: {  	s28 =	simm.s32 $0x14080  }
0x25: {  	[tilespmem:s21], [sflag:$0x4] =	stream.indirect.gather [hbm4b:s4+s19], $0x80, s28, s19, $0xb8;
	[tilespmem:$0x1E800] =	vst v63  }
0x26: {  	_ =	swait.ge [sflag:s22], $0x4000  }
0x27: {  	[sflag:s22] =	ssyncset.done $0x0  }
0x28: {  	s28 =	simm.s32 $0x15400;
	[sflag:s22] =	ssyncadd.s32 $0xFFFFC000  }
0x29: {  	[spmem:s1] =	stream.indirect.scatter.add.f32 [tilespmem:s20], [sflag:$0x5], $0x80, s28, s19, $0xb8;
	[tilespmem:$0x1E800] =	vst v63  }
0x2a: {  	_ =	swait.ge [sflag:s23], $0x4000  }
0x2b: {  	[sflag:s23] =	ssyncset.done $0x0  }
0x2c: {  	s28 =	simm.s32 $0x15480;
	[sflag:s23] =	ssyncadd.s32 $0xFFFFC000  }
0x2d: {  	[spmem:s1] =	stream.indirect.scatter.add.f32 [tilespmem:s21], [sflag:$0x6], $0x80, s28, s19, $0xb8;
	[tilespmem:$0x1E800] =	vst v63  }
0x2e: {  	_ =	swait.ge [sflag:s24], $0x4000  }
0x2f: {  	[sflag:s24] =	ssyncset.done $0x0  }
0x30: {  	[sflag:s24] =	ssyncadd.s32 $0xFFFFC000  }
0x31: {  	_ =	swait.ge [sflag:s25], $0x4000  }
0x32: {  	s29 =	simm.s32 $0x800;
	s28 =	simm.s32 $0x100;
	[sflag:s25] =	ssyncset.done $0x0  }
.LBB2_2:
0x33: {  	s30 =	sadd.s32 $0x14000, s28  }
0x34: {  	[sflag:s25] =	ssyncadd.s32 $0xFFFFC000;
	s31 =	smov.u32 s29;
	s0 =	sadd.s32 $0x400, s29  }
0x35: {  	[tilespmem:s20], [sflag:$0x3] =	stream.indirect.gather [hbm4b:s4+s19], $0x80, s30, s19, $0xb8;
	[tilespmem:$0x1E800] =	vst v63  }
0x36: {  	p0 =	sne.s32 s29, $0x4C00;
	s29 =	sadd.s32 $0x14080, s28  }
0x37: {  	[tilespmem:s21], [sflag:$0x4] =	stream.indirect.gather [hbm4b:s4+s19], $0x80, s29, s19, $0xb8;
	[tilespmem:$0x1E800] =	vst v63  }
0x38: {  	_ =	swait.ge [sflag:s22], $0x4000  }
0x39: {  	[sflag:s22] =	ssyncset.done $0x0  }
0x3a: {  	s29 =	sadd.s32 $0x15400, s28;
	[sflag:s22] =	ssyncadd.s32 $0xFFFFC000  }
0x3b: {  	[spmem:s1] =	stream.indirect.scatter.add.f32 [tilespmem:s20], [sflag:$0x5], $0x80, s29, s19, $0xb8;
	[tilespmem:$0x1E800] =	vst v63  }
0x3c: {  	_ =	swait.ge [sflag:s23], $0x4000  }
0x3d: {  	[sflag:s23] =	ssyncset.done $0x0  }
0x3e: {  	s28 =	sadd.s32 $0x15480, s28;
	[sflag:s23] =	ssyncadd.s32 $0xFFFFC000  }
0x3f: {  	[spmem:s1] =	stream.indirect.scatter.add.f32 [tilespmem:s21], [sflag:$0x6], $0x80, s28, s19, $0xb8;
	[tilespmem:$0x1E800] =	vst v63  }
.Ltmp0:
0x40: {  	_ =	swait.ge [sflag:s24], $0x4000;
	(pc) =	sbr.rel @p0 .LBB2_2-.Ltmp0, $4  }
0x41: {  	[sflag:s24] =	ssyncset.done $0x0  }
0x42: {  	[sflag:s24] =	ssyncadd.s32 $0xFFFFC000  }
0x43: {  	_ =	swait.ge [sflag:s25], $0x4000  }
0x44: {  	s29 =	smov.u32 s0;
	s28 =	sshra.s32 s31, $0x2;
	[sflag:s25] =	ssyncset.done $0x0  }
0x45: {  	s0 =	sadd.s32 $0x14000, s28;
	[sflag:s25] =	ssyncadd.s32 $0xFFFFC000  }
0x46: {  	[tilespmem:s20], [sflag:$0x3] =	stream.indirect.gather [hbm4b:s4+s19], $0x80, s0, s19, $0xb8;
	[tilespmem:$0x1E800] =	vst v63  }
0x47: {  	s30 =	sadd.s32 $0x14080, s28  }
0x48: {  	[tilespmem:s21], [sflag:$0x4] =	stream.indirect.gather [hbm4b:s4+s19], $0x80, s30, s19, $0xb8;
	[tilespmem:$0x1E800] =	vst v63  }
0x49: {  	_ =	swait.ge [sflag:s22], $0x4000  }
0x4a: {  	[sflag:s22] =	ssyncset.done $0x0  }
0x4b: {  	s31 =	sadd.s32 $0x15400, s28;
	[sflag:s22] =	ssyncadd.s32 $0xFFFFC000  }
0x4c: {  	[spmem:s1] =	stream.indirect.scatter.add.f32 [tilespmem:s20], [sflag:$0x5], $0x80, s31, s19, $0xb8;
	[tilespmem:$0x1E800] =	vst v63  }
0x4d: {  	_ =	swait.ge [sflag:s23], $0x4000  }
0x4e: {  	[sflag:s23] =	ssyncset.done $0x0  }
0x4f: {  	s30 =	sadd.s32 $0x15480, s28;
	[sflag:s23] =	ssyncadd.s32 $0xFFFFC000  }
0x50: {  	[spmem:s1] =	stream.indirect.scatter.add.f32 [tilespmem:s21], [sflag:$0x6], $0x80, s30, s19, $0xb8;
	[tilespmem:$0x1E800] =	vst v63  }
0x51: {  	_ =	swait.ge [sflag:s24], $0x4000  }
0x52: {  	[sflag:s24] =	ssyncset.done $0x0  }
0x53: {  	[sflag:s24] =	ssyncadd.s32 $0xFFFFC000  }
0x54: {  	_ =	swait.ge [sflag:s25], $0x4000  }
0x55: {  	[sflag:s25] =	ssyncset.done $0x0  }
0x56: {  	s31 =	simm.s32 $0x0;
	[sflag:s25] =	ssyncadd.s32 $0xFFFFC000  }
0x57: {  	[tilespmem:s12], [sflag:$0x1] =	stream.linear.gather [hbm4b:s8+s31], $0x1400, $0x38;
	[tilespmem:$0x1E800] =	vst v63  }
0x58: {  	_ =	swait.ge [sflag:s17], $0x1400  }
0x59: {  	[sflag:s17] =	ssyncset.done $0x0  }
0x5a: {  	[sflag:s17] =	ssyncadd.s32 $0xFFFFEC00  }
0x5b: {  	[tilespmem:s13], [sflag:$0x2] =	stream.linear.gather [hbm4b:s9+s31], $0x1400, $0x38;
	[tilespmem:$0x1E800] =	vst v63  }
0x5c: {  	_ =	swait.ge [sflag:s18], $0x1400  }
0x5d: {  	[sflag:s18] =	ssyncset.done $0x0  }
0x5e: {  	s30 =	simm.s32 $0x14000;
	[sflag:s18] =	ssyncadd.s32 $0xFFFFEC00  }
0x5f: {  	[tilespmem:s20], [sflag:$0x3] =	stream.indirect.gather [hbm4b:s4+s19], $0x80, s30, s19, $0xb8;
	[tilespmem:$0x1E800] =	vst v63  }
0x60: {  	s31 =	simm.s32 $0x14080  }
0x61: {  	[tilespmem:s21], [sflag:$0x4] =	stream.indirect.gather [hbm4b:s4+s19], $0x80, s31, s19, $0xb8;
	[tilespmem:$0x1E800] =	vst v63  }
0x62: {  	_ =	swait.ge [sflag:s22], $0x4000  }
0x63: {  	[sflag:s22] =	ssyncset.done $0x0  }
0x64: {  	s30 =	simm.s32 $0x15400;
	[sflag:s22] =	ssyncadd.s32 $0xFFFFC000  }
0x65: {  	[spmem:s1] =	stream.indirect.scatter.add.f32 [tilespmem:s20], [sflag:$0x5], $0x80, s30, s19, $0xb8;
	[tilespmem:$0x1E800] =	vst v63  }
0x66: {  	_ =	swait.ge [sflag:s23], $0x4000  }
0x67: {  	[sflag:s23] =	ssyncset.done $0x0  }
0x68: {  	s31 =	simm.s32 $0x15480;
	[sflag:s23] =	ssyncadd.s32 $0xFFFFC000  }
0x69: {  	[spmem:s1] =	stream.indirect.scatter.add.f32 [tilespmem:s21], [sflag:$0x6], $0x80, s31, s19, $0xb8;
	[tilespmem:$0x1E800] =	vst v63  }
0x6a: {  	_ =	swait.ge [sflag:s24], $0x4000  }
0x6b: {  	[sflag:s24] =	ssyncset.done $0x0  }
0x6c: {  	[sflag:s24] =	ssyncadd.s32 $0xFFFFC000  }
0x6d: {  	_ =	swait.ge [sflag:s25], $0x4000  }
0x6e: {  	s29 =	simm.s32 $0x800;
	s28 =	simm.s32 $0x100;
	[sflag:s25] =	ssyncset.done $0x0  }
.LBB2_4:
0x6f: {  	s0 =	sadd.s32 $0x14000, s28  }
0x70: {  	[sflag:s25] =	ssyncadd.s32 $0xFFFFC000;
	s30 =	smov.u32 s29;
	s31 =	sadd.s32 $0x400, s29  }
0x71: {  	[tilespmem:s20], [sflag:$0x3] =	stream.indirect.gather [hbm4b:s4+s19], $0x80, s0, s19, $0xb8;
	[tilespmem:$0x1E800] =	vst v63  }
0x72: {  	p0 =	sne.s32 s29, $0x4C00;
	s0 =	sadd.s32 $0x14080, s28  }
0x73: {  	[tilespmem:s21], [sflag:$0x4] =	stream.indirect.gather [hbm4b:s4+s19], $0x80, s0, s19, $0xb8;
	[tilespmem:$0x1E800] =	vst v63  }
0x74: {  	_ =	swait.ge [sflag:s22], $0x4000  }
0x75: {  	[sflag:s22] =	ssyncset.done $0x0  }
0x76: {  	s0 =	sadd.s32 $0x15400, s28;
	[sflag:s22] =	ssyncadd.s32 $0xFFFFC000  }
0x77: {  	[spmem:s1] =	stream.indirect.scatter.add.f32 [tilespmem:s20], [sflag:$0x5], $0x80, s0, s19, $0xb8;
	[tilespmem:$0x1E800] =	vst v63  }
0x78: {  	_ =	swait.ge [sflag:s23], $0x4000  }
0x79: {  	[sflag:s23] =	ssyncset.done $0x0  }
0x7a: {  	s0 =	sadd.s32 $0x15480, s28;
	[sflag:s23] =	ssyncadd.s32 $0xFFFFC000  }
0x7b: {  	[spmem:s1] =	stream.indirect.scatter.add.f32 [tilespmem:s21], [sflag:$0x6], $0x80, s0, s19, $0xb8;
	[tilespmem:$0x1E800] =	vst v63  }
.Ltmp1:
0x7c: {  	_ =	swait.ge [sflag:s24], $0x4000;
	(pc) =	sbr.rel @p0 .LBB2_4-.Ltmp1, $4  }
0x7d: {  	[sflag:s24] =	ssyncset.done $0x0  }
0x7e: {  	[sflag:s24] =	ssyncadd.s32 $0xFFFFC000  }
0x7f: {  	_ =	swait.ge [sflag:s25], $0x4000  }
0x80: {  	s29 =	smov.u32 s31;
	s28 =	sshra.s32 s30, $0x2;
	[sflag:s25] =	ssyncset.done $0x0  }
0x81: {  	s0 =	sadd.s32 $0x14000, s28;
	[sflag:s25] =	ssyncadd.s32 $0xFFFFC000  }
0x82: {  	[tilespmem:s20], [sflag:$0x3] =	stream.indirect.gather [hbm4b:s4+s19], $0x80, s0, s19, $0xb8;
	[tilespmem:$0x1E800] =	vst v63  }
0x83: {  	s29 =	sadd.s32 $0x14080, s28  }
0x84: {  	[tilespmem:s21], [sflag:$0x4] =	stream.indirect.gather [hbm4b:s4+s19], $0x80, s29, s19, $0xb8;
	[tilespmem:$0x1E800] =	vst v63  }
0x85: {  	_ =	swait.ge [sflag:s22], $0x4000  }
0x86: {  	[sflag:s22] =	ssyncset.done $0x0  }
0x87: {  	s30 =	sadd.s32 $0x15400, s28;
	[sflag:s22] =	ssyncadd.s32 $0xFFFFC000  }
0x88: {  	[spmem:s1] =	stream.indirect.scatter.add.f32 [tilespmem:s20], [sflag:$0x5], $0x80, s30, s19, $0xb8;
	[tilespmem:$0x1E800] =	vst v63  }
0x89: {  	_ =	swait.ge [sflag:s23], $0x4000  }
0x8a: {  	[sflag:s23] =	ssyncset.done $0x0  }
0x8b: {  	s31 =	sadd.s32 $0x15480, s28;
	[sflag:s23] =	ssyncadd.s32 $0xFFFFC000  }
0x8c: {  	[spmem:s1] =	stream.indirect.scatter.add.f32 [tilespmem:s21], [sflag:$0x6], $0x80, s31, s19, $0xb8;
	[tilespmem:$0x1E800] =	vst v63  }
0x8d: {  	_ =	swait.ge [sflag:s24], $0x4000  }
0x8e: {  	[sflag:s24] =	ssyncset.done $0x0  }
0x8f: {  	[sflag:s24] =	ssyncadd.s32 $0xFFFFC000  }
0x90: {  	_ =	swait.ge [sflag:s25], $0x4000  }
0x91: {  	s26 =	sadd.s32 $0x1, s26;
	[sflag:s25] =	ssyncset.done $0x0  }
0x92: {  	p0 =	sne.s32 s26, s11;
	[sflag:s25] =	ssyncadd.s32 $0xFFFFC000  }
.Ltmp2:
0x93: {  	[bflag:$0x0] =	sbarrier.arrive $0xFFFF;
	(pc) =	sbr.rel @p0 .LBB2_1-.Ltmp2, $4  }
0x94: {  	[hbm:s10], [sflag:s14] =	dma.local [spmem:s15], $0x2800  }
0x95: {  	_ =	swait.ge [sflag:s16], $0x2800  }
0x96: {  	[sflag:s16] =	ssyncset.done $0x0  }
0x97: {  	[sflag:s16] =	ssyncadd.s32 $0xFFFFD800  }
0x98: {  	_ =	sfence.sel $0x180000  }
0x99: {  	[bflag:$0x0] =	sbarrier.arrive $0xFFFF  }
0x9a: {  	_ =	strace $0x9000004A  }
0x9b: {  	[bflag:$0x2] =	sbarrier.arrive $0xFFFF  }
0x9c: {  	p0 =	sne.s32 s3, $0x0;
	s0 =	rddreg [dreg:$0x3]  }
0x9d: {  	s0 =	sadd.s32 @!p0 $0x100000, s0  }
0x9e: {  	[sflag:s0] =	ssyncadd.tile.s32 @!p0 $0x1;
	_ =	shalt  }
.Lfunc_end2:
_tile_overlayer_lowered:
.L_overlay_start_2:
0x9f: {  	(tag) =	ssettag $0x2  }
0xa0: {  	s0 =	rddreg [dreg:$0x0];
	s2 =	stileid.u32  }
0xa1: {  	s1 =	rddreg [dreg:$0x1];
	p0 =	sne.s32 s2, $0x0  }
0xa2: {  	s3 =	rddreg [dreg:$0x2];
	[bflag:$0x3] =	sbarrier.arrive $0xFFFF;
	s2 =	simm.s32 @!p0 $0x1C07  }
0xa3: {  	[timem:s3], [sflag:s2] =	dma.local @!p0 [hbm:s0], s1  }
0xa4: {  	s0 =	simm.s32 @!p0 $0x7  }
0xa5: {  	_ =	swait.ge @!p0 [sflag:s0], s1  }
0xa6: {  	s1 =	ssub.s32 @!p0 $0x0, s1;
	[sflag:s0] =	ssyncset.done @!p0 $0x0  }
0xa7: {  	[sflag:s0] =	ssyncadd.s32 @!p0 s1  }
0xa8: {  	[bflag:$0x3] =	sbarrier.arrive $0xFFFF  }
0xa9: {  	_ =	shalt  }

// kernel: kernel.17.cloned.1.call-start
scs
__scs_entry_jumppad:
0x0: {  	(pc) =	sbr.rel $0x88, $3  }
0x1: {  	(tag) =	ssettag $0x0;
	lr =	simm.s32 $0x1  }
0x2: {  	[smem:$0x3F99] =	sst lr;
	_ =	strace $0xD0000000  }
0x3: {  	_ = 	snop  }
0x4: {  	_ = 	snop  }
0x5: {  	_ = 	snop  }
0x6: {  	_ = 	snop  }
0x7: {  	_ = 	snop  }
__scs_overlays_trampoline_lowered:
0x8: {  	[smem:$0x3FA8] =	sst s0  }
0x9: {  	[smem:$0x3FA9] =	sst s1  }
0xa: {  	[smem:$0x3FAA] =	sst s2  }
0xb: {  	[smem:$0x3FAB] =	sst s3  }
0xc: {  	[smem:$0x3FAC] =	sst s4  }
0xd: {  	[smem:$0x3FAD] =	sst s5  }
0xe: {  	[smem:$0x3FAE] =	sst s6  }
0xf: {  	[smem:$0x3FAF] =	sst s7  }
0x10: {  	[smem:$0x3FB0] =	sst s8  }
0x11: {  	[smem:$0x3FB1] =	sst s9;
	s0 =	simm.s32 @!p0 $0x0  }
0x12: {  	s1 =	sld [smem:$0x3F97];
	s0 =	simm.s32 @p0 $0x1  }
0x13: {  	[smem:$0x3FB2] =	sst s0;
	s0 =	simm.s32 @!p1 $0x0  }
0x14: {  	s2 =	sld [smem:$0x3F96];
	s0 =	simm.s32 @p1 $0x1  }
0x15: {  	[smem:$0x3FB3] =	sst s0;
	s0 =	simm.s32 @!p2 $0x0  }
0x16: {  	s3 =	sld [smem:$0x3FDB];
	s0 =	simm.s32 @p2 $0x1  }
0x17: {  	s4 =	simm.s32 $0x1BF5;
	[smem:$0x3FB5] =	sst s0  }
0x18: {  	s0 =	sld [smem:$0x3F98];
	_ =	swait.ge [sflag:s4], $0x0  }
0x19: {  	s7 =	sld [smem:$0x3F99]  }
0x1a: {  	s8 =	sadd.s32 $0xFFFFE003, lr  }
0x1b: {  	s9 =	sadd.s32 $0xFFFFFEF7, lr;
	s5 =	simm.s32 $0xFFFFFFFF;
	p2 =	slt.u32 s8, $0xFFFFF086  }
0x1c: {  	p1 =	slt.u32 s9, $0xF7A;
	s5 =	simm.s32 @!p2 $0x0  }
0x1d: {  	s5 =	simm.s32 @p1 $0x1;
	p0 =	seq.s32 s7, s2  }
0x1e: {  	s7 =	smul.u32 @!p0 $0xF7A, s2;
	p2 =	seq.s32 @!p0 s5, $0x0  }
0x1f: {  	s9 =	smul.u32 $0xF7A, s1;
	s8 =	simm.s32 @!p0 $0x1BF5;
	p2 =	por !p2, p0  }
0x20: {  	[sflag:s8] =	ssyncset.s32 @!p0 $0xFFFFF086;
	s6 =	sadd.s32 @!p0 s3, s7;
	s7 =	simm.s32 @!p0 $0x108  }
0x21: {  	s3 =	sadd.s32 s3, s9;
	s6 =	sadd.s32 @!p0 $0x88, s6;
	s7 =	simm.s32 @p2 $0x1082  }
0x22: {  	[simem:s7], [sflag:s8] =	dma.local @!p0 [hbm:s6], $0xF7A  }
0x23: {  	s9 =	sor.u32 $0xD0000000, s2;
	s6 =	simm.s32 $0x108;
	_ =	swait.ge @!p0 [sflag:s8], $0x0  }
0x24: {  	s3 =	sadd.s32 $0x88, s3;
	s6 =	simm.s32 @!p1 $0x1082;
	[sflag:s4] =	ssyncset.s32 $0xFFFFF086  }
0x25: {  	[simem:s6], [sflag:s4] =	dma.local [hbm:s3], $0xF7A  }
0x26: {  	[smem:$0x3F99] =	sst s1;
	(tag) =	ssettag s2;
	_ =	strace s9  }
0x27: {  	s1 =	sld [smem:$0x3FA9]  }
0x28: {  	s2 =	sld [smem:$0x3FAA]  }
0x29: {  	s4 =	sld [smem:$0x3FAC]  }
0x2a: {  	p0 =	seq.s32 s5, $0x0;
	s5 =	sld [smem:$0x3FAD]  }
0x2b: {  	s6 =	sld [smem:$0x3FAE]  }
0x2c: {  	s7 =	sld [smem:$0x3FAF]  }
0x2d: {  	s3 =	simm.s32 $0x108;
	s8 =	sld [smem:$0x3FB0]  }
0x2e: {  	s3 =	simm.s32 @!p0 $0x1082;
	s9 =	sld [smem:$0x3FB1]  }
0x2f: {  	lr =	sadd.s32 s0, s3;
	s0 =	sld [smem:$0x3FA8]  }
0x30: {  	s3 =	sld [smem:$0x3FAB]  }
0x31: {  	[smem:$0x3FB4] =	sst s10  }
0x32: {  	s10 =	sld [smem:$0x3FB2];
	_ =	sdelay $0x3  }
0x33: {  	p0 =	seq.s32 s10, $0x1;
	s10 =	sld [smem:$0x3FB4];
	_ =	sdelay $0x3  }
0x34: {  	[smem:$0x3FB4] =	sst s10  }
0x35: {  	s10 =	sld [smem:$0x3FB3];
	_ =	sdelay $0x3  }
0x36: {  	p1 =	seq.s32 s10, $0x1;
	s10 =	sld [smem:$0x3FB4];
	_ =	sdelay $0x3  }
0x37: {  	[smem:$0x3FB4] =	sst s10  }
0x38: {  	s10 =	sld [smem:$0x3FB5]  }
0x39: {  	_ = 	snop;
	(pc) =	sbr.ind lr, $3  }
0x3a: {  	_ = 	snop  }
0x3b: {  	_ = 	snop  }
0x3c: {  	p2 =	seq.s32 s10, $0x1;
	s10 =	sld [smem:$0x3FB4]  }
0x3d: {  	_ =	shalt  }
0x3e: {  	_ =	shalt  }
0x3f: {  	_ =	shalt  }
0x40: {  	_ =	shalt  }
0x41: {  	_ =	shalt  }
0x42: {  	_ =	shalt  }
0x43: {  	_ =	shalt  }
0x44: {  	_ =	shalt  }
0x45: {  	_ =	shalt  }
0x46: {  	_ =	shalt  }
0x47: {  	_ =	shalt  }
0x48: {  	_ =	shalt  }
0x49: {  	_ =	shalt  }
0x4a: {  	_ =	shalt  }
0x4b: {  	_ =	shalt  }
0x4c: {  	_ =	shalt  }
0x4d: {  	_ =	shalt  }
0x4e: {  	_ =	shalt  }
0x4f: {  	_ =	shalt  }
0x50: {  	_ =	shalt  }
0x51: {  	_ =	shalt  }
0x52: {  	_ =	shalt  }
0x53: {  	_ =	shalt  }
0x54: {  	_ =	shalt  }
0x55: {  	_ =	shalt  }
0x56: {  	_ =	shalt  }
0x57: {  	_ =	shalt  }
0x58: {  	_ =	shalt  }
0x59: {  	_ =	shalt  }
0x5a: {  	_ =	shalt  }
0x5b: {  	_ =	shalt  }
0x5c: {  	_ =	shalt  }
0x5d: {  	_ =	shalt  }
0x5e: {  	_ =	shalt  }
0x5f: {  	_ =	shalt  }
0x60: {  	_ =	shalt  }
0x61: {  	_ =	shalt  }
0x62: {  	_ =	shalt  }
0x63: {  	_ =	shalt  }
0x64: {  	_ =	shalt  }
0x65: {  	_ =	shalt  }
0x66: {  	_ =	shalt  }
0x67: {  	_ =	shalt  }
0x68: {  	_ =	shalt  }
0x69: {  	_ =	shalt  }
0x6a: {  	_ =	shalt  }
0x6b: {  	_ =	shalt  }
0x6c: {  	_ =	shalt  }
0x6d: {  	_ =	shalt  }
0x6e: {  	_ =	shalt  }
0x6f: {  	_ =	shalt  }
0x70: {  	_ =	shalt  }
0x71: {  	_ =	shalt  }
0x72: {  	_ =	shalt  }
0x73: {  	_ =	shalt  }
0x74: {  	_ =	shalt  }
0x75: {  	_ =	shalt  }
0x76: {  	_ =	shalt  }
0x77: {  	_ =	shalt  }
0x78: {  	_ =	shalt  }
0x79: {  	_ =	shalt  }
0x7a: {  	_ =	shalt  }
0x7b: {  	_ =	shalt  }
0x7c: {  	_ =	shalt  }
0x7d: {  	_ =	shalt  }
0x7e: {  	_ =	shalt  }
0x7f: {  	_ =	shalt  }
0x80: {  	_ =	shalt  }
0x81: {  	_ =	shalt  }
0x82: {  	_ =	shalt  }
0x83: {  	_ =	shalt  }
0x84: {  	_ =	shalt  }
0x85: {  	_ =	shalt  }
0x86: {  	_ =	shalt  }
0x87: {  	_ =	shalt  }
.Lfunc_end0:
.L_simem_size_0:
called_computation.2_lowered:
.L_overlay_start_0:
0x88: {  	s2 =	sld [smem:$0x3FD9]  }
0x89: {  	s3 =	sld [smem:$0x3FFE];
	_ =	sdelay $0x1  }
0x8a: {  	s1 =	srdreg.scid  }
0x8b: {  	s0 =	sand.u32 $0x1, s1  }
0x8c: {  	s17 =	sshll.u32 s0, $0xA;
	s2 =	sadd.s32 s3, s2  }
0x8d: {  	s2 =	sadd.s32 s2, s17  }
0x8e: {  	[smem:$0x3FC0] =	sst s2  }
0x8f: {  	_ = 	snop  }
0x90: {  	s2 =	sld [smem:$0x3FD0];
	(tm) =	ssettm $0x1  }
0x91: {  	s18 =	sld [smem:$0x3FFB];
	_ =	sdelay $0x3  }
0x92: {  	_ =	strace s18  }
0x93: {  	s3 =	sld [smem:$0x3FFC];
	_ =	sdelay $0x3  }
0x94: {  	_ =	strace s3  }
0x95: {  	s3 =	sld [smem:$0x3FFD];
	_ =	sdelay $0x3  }
0x96: {  	_ =	strace s3  }
0x97: {  	_ =	strace $0x8FFFFFFF  }
0x98: {  	s19 =	sld [smem:$0x3FDB];
	_ =	sdelay $0x1  }
0x99: {  	s4 =	simm.s32 $_scs_section_size  }
0x9a: {  	s5 =	simm.s32 $_size__tile_overlayer_lowered;
	s6 =	simm.s32 $_tile_overlayer_lowered  }
0x9b: {  	s22 =	simm.s32 $0x1BFF;
	s21 =	sshll.u32 s6, $0x1;
	s3 =	sadd.s32 s4, s19  }
0x9c: {  	s7 =	simm.s32 $0x0;
	s20 =	sshll.u32 s5, $0x1;
	s5 =	sadd.s32 s21, s3  }
0x9d: {  	[timem:s7], [sflag:s22] =	dma.local [hbm:s5], s20  }
0x9e: {  	_ =	swait.ge [sflag:s22], s20  }
0x9f: {  	s4 =	ssub.s32 $0x0, s20;
	[sflag:s22] =	ssyncset.done $0x0  }
0xa0: {  	[sflag:s22] =	ssyncadd.s32 s4;
	_ =	sdelay $0x1  }
0xa1: {  	s23 =	simm.s32 $0x1B8B  }
0xa2: {  	_ =	swait.ge [sflag:s23], $0x1  }
0xa3: {  	[sflag:s23] =	ssyncset.done $0x0  }
0xa4: {  	s25 =	simm.s32 $0x1B8E;
	s24 =	sld [smem:$0x3FFE];
	[sflag:s23] =	ssyncadd.s32 $0xFFFFFFFF  }
0xa5: {  	s26 =	simm.s32 $execute0_lowered;
	[smem:$0x3FD2] =	sst s25  }
0xa6: {  	s5 =	sshll.u32 s26, $0x1;
	_ =	strace $0x8000004C;
	[dreg:$0x1] =	wrdreg $0xFFFFFFFF  }
0xa7: {  	s28 =	simm.s32 $_size_execute0_lowered;
	s3 =	sadd.s32 s3, s5;
	[dreg:$0x0] =	wrdreg $0x0  }
0xa8: {  	s5 =	sshll.u32 s28, $0x1;
	[dreg:$0x2] =	wrdreg s3  }
0xa9: {  	[dreg:$0x3] =	wrdreg s5  }
0xaa: {  	[dreg:$0x4] =	wrdreg $0xC0  }
0xab: {  	_ =	task [dreg:s7], $0x5FFFF  }
0xac: {  	[dreg:$0x1] =	wrdreg $0xFFFFFFFF  }
0xad: {  	[dreg:$0x0] =	wrdreg $0x60  }
0xae: {  	[dreg:$0x2] =	wrdreg s24  }
0xaf: {  	[dreg:$0x3] =	wrdreg s2  }
0xb0: {  	[dreg:$0x4] =	wrdreg $0x0  }
0xb1: {  	[dreg:$0x5] =	wrdreg $0x9  }
0xb2: {  	_ =	task.clear_ibuf [dreg:s7], $0x6FFFF;
	_ =	strace $0x9000004C  }
0xb3: {  	s29 =	simm.s32 $0x9;
	_ =	strace $0x8000004E  }
0xb4: {  	_ =	swait.ge [sflag:s29], $0x1  }
0xb5: {  	[sflag:s29] =	ssyncadd.s32 $0xFFFFFFFF  }
0xb6: {  	_ =	strace $0x9000004E  }
0xb7: {  	_ =	sfence  }
0xb8: {  	s30 =	sld [smem:$0x0];
	_ =	sdelay $0x2  }
0xb9: {  	s31 =	sshll.u32 s1, $0xD;
	s1 =	sshrl.u32 s1, $0x2  }
0xba: {  	s3 =	sand.u32 $0x4000, s31;
	s1 =	sadd.s32 s1, s30  }
0xbb: {  	s0 =	sor.u32 s3, s0;
	s1 =	sshll.u32 s1, $0x11  }
0xbc: {  	s0 =	sor.u32 s1, s0  }
0xbd: {  	s0 =	sadd.s32 $0x8F2B, s0  }
0xbe: {  	[sflag:s0] =	ssyncadd.remote.s32 $0x1  }
0xbf: {  	_ =	sfence.sel $0xFFFF  }
0xc0: {  	[dreg:$0x0] =	wrdreg $0xFFFFFFFF;
	(pc) =	sbr.abs _section_cstart, $3  }
0xc1: {  	[dreg:$0x1] =	wrdreg $0xFFFFFFFF  }
0xc2: {  	_ =	task.clear_ibuf [dreg:s7], $0x2FFFF;
	_ =	strace $0x9FFFFFFF  }
0xc3: {  	(tm) =	ssettm $0x7FFFFFFF  }
tec
execute0_lowered:
.L_overlay_start_1:
0x0: {  	(tag) =	ssettag $0x1  }
0x1: {  	s5 =	rddreg [dreg:$0x0]  }
0x2: {  	s8 =	rddreg [dreg:$0x1]  }
0x3: {  	s1 =	rddreg [dreg:$0x2];
	s2 =	simm.s32 $0x0  }
0x4: {  	s3 =	srdreg.scid;
	s18 =	simm.s32 $0x2;
	s19 =	simm.s32 $0x80  }
0x5: {  	s20 =	simm.s32 $0x16800;
	s21 =	simm.s32 $0x1A800;
	s22 =	simm.s32 $0x3  }
0x6: {  	s23 =	simm.s32 $0x4;
	s24 =	simm.s32 $0x5;
	s25 =	simm.s32 $0x6  }
0x7: {  	s26 =	simm.s32 $0x0;
	[smem:$0x7FF] =	sst s2;
	s12 =	sand.u32 $0x1, s3  }
0x8: {  	s3 =	stileid.u32;
	s4 =	sadd.s32 $0xCE00, s5;
	s6 =	smul.u32 $0x140000, s12  }
0x9: {  	s10 =	sadd.s32 $0x2E00, s5;
	s14 =	sadd.s32 $0x34E00, s5;
	s7 =	smul.u32 $0x14000, s3  }
0xa: {  	_ =	strace $0x8000004D;
	s9 =	sshll.u32 s12, $0x4;
	s30 =	smul.u32 $0x50000, s3  }
0xb: {  	s29 =	ssub.s32 $0x2, s12;
	s16 =	smul.u32 $0x2800, s3;
	p0 =	sne.s32 s12, $0x0  }
0xc: {  	s12 =	simm.s32 $0x14000;
	s31 =	sshll.u32 s3, $0x6;
	s9 =	sor.u32 s3, s9  }
0xd: {  	s13 =	sshrl.u32 s29, $0x1;
	s6 =	sadd.s32 s7, s6;
	s11 =	smul.u32 $0x500, s9  }
0xe: {  	s9 =	smul.u32 $0x2800, s9;
	s13 =	ssub.s32 s29, s13;
	s7 =	sshrl.u32 s30, $0x2  }
0xf: {  	s6 =	sshrl.u32 s6, $0x3;
	s17 =	sadd.s32 s7, s1;
	s7 =	sadd.s32 s4, s16  }
0x10: {  	s16 =	simm.s32 $0x7;
	s15 =	sadd.s32 s6, s5;
	s5 =	sadd.s32 s8, s11  }
0x11: {  	s9 =	sshrl.u32 s9, $0x3;
	s6 =	sadd.s32 s10, s11;
	s11 =	smax.u32 s13, $0x1  }
0x12: {  	s13 =	simm.s32 $0x15400;
	s7 =	smov.u32 @p0 s14;
	s9 =	sadd.s32 $0x280, s9  }
0x13: {  	s14 =	sor.u32 $0x1C07, s31;
	s8 =	sadd.s32 s8, s9;
	s9 =	sadd.s32 s10, s9  }
0x14: {  	s10 =	sadd.s32 $0x37600, s15;
	s15 =	sshrl.u32 s17, $0x3;
	s17 =	simm.s32 $0x1  }
.LBB2_1:
0x15: {  	[tilespmem:s12], [sflag:$0x1] =	stream.linear.gather [hbm4b:s5+s2], $0x1400, $0x38;
	[tilespmem:$0x1E800] =	vst v63  }
0x16: {  	_ = 	snop  }
0x17: {  	[tilespmem:s13], [sflag:$0x2] =	stream.linear.gather [hbm4b:s6+s2], $0x1400, $0x38;
	[tilespmem:$0x1E800] =	vst v63  }
0x18: {  	[spmem:s15], [sflag:s14] =	dma.local [hbm:s7], $0x2800  }
0x19: {  	_ =	swait.ge [sflag:s16], $0x2800  }
0x1a: {  	[sflag:s16] =	ssyncset.done $0x0  }
0x1b: {  	[sflag:s16] =	ssyncadd.s32 $0xFFFFD800  }
0x1c: {  	_ =	swait.ge [sflag:s17], $0x1400  }
0x1d: {  	[sflag:s17] =	ssyncset.done $0x0  }
0x1e: {  	[sflag:s17] =	ssyncadd.s32 $0xFFFFEC00  }
0x1f: {  	_ =	swait.ge [sflag:s18], $0x1400  }
0x20: {  	[sflag:s18] =	ssyncset.done $0x0  }
0x21: {  	[sflag:s18] =	ssyncadd.s32 $0xFFFFEC00  }
0x22: {  	s28 =	simm.s32 $0x14000;
	[bflag:$0x0] =	sbarrier.arrive $0xFFFF  }
0x23: {  	[tilespmem:s20], [sflag:$0x3] =	stream.indirect.gather [hbm4b:s4+s19], $0x80, s28, s19, $0xb8;
	[tilespmem:$0x1E800] =	vst v63  }
0x24: {  	s28 =	simm.s32 $0x14080  }
0x25: {  	[tilespmem:s21], [sflag:$0x4] =	stream.indirect.gather [hbm4b:s4+s19], $0x80, s28, s19, $0xb8;
	[tilespmem:$0x1E800] =	vst v63  }
0x26: {  	_ =	swait.ge [sflag:s22], $0x4000  }
0x27: {  	[sflag:s22] =	ssyncset.done $0x0  }
0x28: {  	s28 =	simm.s32 $0x15400;
	[sflag:s22] =	ssyncadd.s32 $0xFFFFC000  }
0x29: {  	[spmem:s1] =	stream.indirect.scatter.add.f32 [tilespmem:s20], [sflag:$0x5], $0x80, s28, s19, $0xb8;
	[tilespmem:$0x1E800] =	vst v63  }
0x2a: {  	_ =	swait.ge [sflag:s23], $0x4000  }
0x2b: {  	[sflag:s23] =	ssyncset.done $0x0  }
0x2c: {  	s28 =	simm.s32 $0x15480;
	[sflag:s23] =	ssyncadd.s32 $0xFFFFC000  }
0x2d: {  	[spmem:s1] =	stream.indirect.scatter.add.f32 [tilespmem:s21], [sflag:$0x6], $0x80, s28, s19, $0xb8;
	[tilespmem:$0x1E800] =	vst v63  }
0x2e: {  	_ =	swait.ge [sflag:s24], $0x4000  }
0x2f: {  	[sflag:s24] =	ssyncset.done $0x0  }
0x30: {  	[sflag:s24] =	ssyncadd.s32 $0xFFFFC000  }
0x31: {  	_ =	swait.ge [sflag:s25], $0x4000  }
0x32: {  	s29 =	simm.s32 $0x800;
	s28 =	simm.s32 $0x100;
	[sflag:s25] =	ssyncset.done $0x0  }
.LBB2_2:
0x33: {  	s30 =	sadd.s32 $0x14000, s28  }
0x34: {  	[sflag:s25] =	ssyncadd.s32 $0xFFFFC000;
	s31 =	smov.u32 s29;
	s0 =	sadd.s32 $0x400, s29  }
0x35: {  	[tilespmem:s20], [sflag:$0x3] =	stream.indirect.gather [hbm4b:s4+s19], $0x80, s30, s19, $0xb8;
	[tilespmem:$0x1E800] =	vst v63  }
0x36: {  	p0 =	sne.s32 s29, $0x4C00;
	s29 =	sadd.s32 $0x14080, s28  }
0x37: {  	[tilespmem:s21], [sflag:$0x4] =	stream.indirect.gather [hbm4b:s4+s19], $0x80, s29, s19, $0xb8;
	[tilespmem:$0x1E800] =	vst v63  }
0x38: {  	_ =	swait.ge [sflag:s22], $0x4000  }
0x39: {  	[sflag:s22] =	ssyncset.done $0x0  }
0x3a: {  	s29 =	sadd.s32 $0x15400, s28;
	[sflag:s22] =	ssyncadd.s32 $0xFFFFC000  }
0x3b: {  	[spmem:s1] =	stream.indirect.scatter.add.f32 [tilespmem:s20], [sflag:$0x5], $0x80, s29, s19, $0xb8;
	[tilespmem:$0x1E800] =	vst v63  }
0x3c: {  	_ =	swait.ge [sflag:s23], $0x4000  }
0x3d: {  	[sflag:s23] =	ssyncset.done $0x0  }
0x3e: {  	s28 =	sadd.s32 $0x15480, s28;
	[sflag:s23] =	ssyncadd.s32 $0xFFFFC000  }
0x3f: {  	[spmem:s1] =	stream.indirect.scatter.add.f32 [tilespmem:s21], [sflag:$0x6], $0x80, s28, s19, $0xb8;
	[tilespmem:$0x1E800] =	vst v63  }
.Ltmp0:
0x40: {  	_ =	swait.ge [sflag:s24], $0x4000;
	(pc) =	sbr.rel @p0 .LBB2_2-.Ltmp0, $4  }
0x41: {  	[sflag:s24] =	ssyncset.done $0x0  }
0x42: {  	[sflag:s24] =	ssyncadd.s32 $0xFFFFC000  }
0x43: {  	_ =	swait.ge [sflag:s25], $0x4000  }
0x44: {  	s29 =	smov.u32 s0;
	s28 =	sshra.s32 s31, $0x2;
	[sflag:s25] =	ssyncset.done $0x0  }
0x45: {  	s0 =	sadd.s32 $0x14000, s28;
	[sflag:s25] =	ssyncadd.s32 $0xFFFFC000  }
0x46: {  	[tilespmem:s20], [sflag:$0x3] =	stream.indirect.gather [hbm4b:s4+s19], $0x80, s0, s19, $0xb8;
	[tilespmem:$0x1E800] =	vst v63  }
0x47: {  	s30 =	sadd.s32 $0x14080, s28  }
0x48: {  	[tilespmem:s21], [sflag:$0x4] =	stream.indirect.gather [hbm4b:s4+s19], $0x80, s30, s19, $0xb8;
	[tilespmem:$0x1E800] =	vst v63  }
0x49: {  	_ =	swait.ge [sflag:s22], $0x4000  }
0x4a: {  	[sflag:s22] =	ssyncset.done $0x0  }
0x4b: {  	s31 =	sadd.s32 $0x15400, s28;
	[sflag:s22] =	ssyncadd.s32 $0xFFFFC000  }
0x4c: {  	[spmem:s1] =	stream.indirect.scatter.add.f32 [tilespmem:s20], [sflag:$0x5], $0x80, s31, s19, $0xb8;
	[tilespmem:$0x1E800] =	vst v63  }
0x4d: {  	_ =	swait.ge [sflag:s23], $0x4000  }
0x4e: {  	[sflag:s23] =	ssyncset.done $0x0  }
0x4f: {  	s30 =	sadd.s32 $0x15480, s28;
	[sflag:s23] =	ssyncadd.s32 $0xFFFFC000  }
0x50: {  	[spmem:s1] =	stream.indirect.scatter.add.f32 [tilespmem:s21], [sflag:$0x6], $0x80, s30, s19, $0xb8;
	[tilespmem:$0x1E800] =	vst v63  }
0x51: {  	_ =	swait.ge [sflag:s24], $0x4000  }
0x52: {  	[sflag:s24] =	ssyncset.done $0x0  }
0x53: {  	[sflag:s24] =	ssyncadd.s32 $0xFFFFC000  }
0x54: {  	_ =	swait.ge [sflag:s25], $0x4000  }
0x55: {  	[sflag:s25] =	ssyncset.done $0x0  }
0x56: {  	s31 =	simm.s32 $0x0;
	[sflag:s25] =	ssyncadd.s32 $0xFFFFC000  }
0x57: {  	[tilespmem:s12], [sflag:$0x1] =	stream.linear.gather [hbm4b:s8+s31], $0x1400, $0x38;
	[tilespmem:$0x1E800] =	vst v63  }
0x58: {  	_ =	swait.ge [sflag:s17], $0x1400  }
0x59: {  	[sflag:s17] =	ssyncset.done $0x0  }
0x5a: {  	[sflag:s17] =	ssyncadd.s32 $0xFFFFEC00  }
0x5b: {  	[tilespmem:s13], [sflag:$0x2] =	stream.linear.gather [hbm4b:s9+s31], $0x1400, $0x38;
	[tilespmem:$0x1E800] =	vst v63  }
0x5c: {  	_ =	swait.ge [sflag:s18], $0x1400  }
0x5d: {  	[sflag:s18] =	ssyncset.done $0x0  }
0x5e: {  	s30 =	simm.s32 $0x14000;
	[sflag:s18] =	ssyncadd.s32 $0xFFFFEC00  }
0x5f: {  	[tilespmem:s20], [sflag:$0x3] =	stream.indirect.gather [hbm4b:s4+s19], $0x80, s30, s19, $0xb8;
	[tilespmem:$0x1E800] =	vst v63  }
0x60: {  	s31 =	simm.s32 $0x14080  }
0x61: {  	[tilespmem:s21], [sflag:$0x4] =	stream.indirect.gather [hbm4b:s4+s19], $0x80, s31, s19, $0xb8;
	[tilespmem:$0x1E800] =	vst v63  }
0x62: {  	_ =	swait.ge [sflag:s22], $0x4000  }
0x63: {  	[sflag:s22] =	ssyncset.done $0x0  }
0x64: {  	s30 =	simm.s32 $0x15400;
	[sflag:s22] =	ssyncadd.s32 $0xFFFFC000  }
0x65: {  	[spmem:s1] =	stream.indirect.scatter.add.f32 [tilespmem:s20], [sflag:$0x5], $0x80, s30, s19, $0xb8;
	[tilespmem:$0x1E800] =	vst v63  }
0x66: {  	_ =	swait.ge [sflag:s23], $0x4000  }
0x67: {  	[sflag:s23] =	ssyncset.done $0x0  }
0x68: {  	s31 =	simm.s32 $0x15480;
	[sflag:s23] =	ssyncadd.s32 $0xFFFFC000  }
0x69: {  	[spmem:s1] =	stream.indirect.scatter.add.f32 [tilespmem:s21], [sflag:$0x6], $0x80, s31, s19, $0xb8;
	[tilespmem:$0x1E800] =	vst v63  }
0x6a: {  	_ =	swait.ge [sflag:s24], $0x4000  }
0x6b: {  	[sflag:s24] =	ssyncset.done $0x0  }
0x6c: {  	[sflag:s24] =	ssyncadd.s32 $0xFFFFC000  }
0x6d: {  	_ =	swait.ge [sflag:s25], $0x4000  }
0x6e: {  	s29 =	simm.s32 $0x800;
	s28 =	simm.s32 $0x100;
	[sflag:s25] =	ssyncset.done $0x0  }
.LBB2_4:
0x6f: {  	s0 =	sadd.s32 $0x14000, s28  }
0x70: {  	[sflag:s25] =	ssyncadd.s32 $0xFFFFC000;
	s30 =	smov.u32 s29;
	s31 =	sadd.s32 $0x400, s29  }
0x71: {  	[tilespmem:s20], [sflag:$0x3] =	stream.indirect.gather [hbm4b:s4+s19], $0x80, s0, s19, $0xb8;
	[tilespmem:$0x1E800] =	vst v63  }
0x72: {  	p0 =	sne.s32 s29, $0x4C00;
	s0 =	sadd.s32 $0x14080, s28  }
0x73: {  	[tilespmem:s21], [sflag:$0x4] =	stream.indirect.gather [hbm4b:s4+s19], $0x80, s0, s19, $0xb8;
	[tilespmem:$0x1E800] =	vst v63  }
0x74: {  	_ =	swait.ge [sflag:s22], $0x4000  }
0x75: {  	[sflag:s22] =	ssyncset.done $0x0  }
0x76: {  	s0 =	sadd.s32 $0x15400, s28;
	[sflag:s22] =	ssyncadd.s32 $0xFFFFC000  }
0x77: {  	[spmem:s1] =	stream.indirect.scatter.add.f32 [tilespmem:s20], [sflag:$0x5], $0x80, s0, s19, $0xb8;
	[tilespmem:$0x1E800] =	vst v63  }
0x78: {  	_ =	swait.ge [sflag:s23], $0x4000  }
0x79: {  	[sflag:s23] =	ssyncset.done $0x0  }
0x7a: {  	s0 =	sadd.s32 $0x15480, s28;
	[sflag:s23] =	ssyncadd.s32 $0xFFFFC000  }
0x7b: {  	[spmem:s1] =	stream.indirect.scatter.add.f32 [tilespmem:s21], [sflag:$0x6], $0x80, s0, s19, $0xb8;
	[tilespmem:$0x1E800] =	vst v63  }
.Ltmp1:
0x7c: {  	_ =	swait.ge [sflag:s24], $0x4000;
	(pc) =	sbr.rel @p0 .LBB2_4-.Ltmp1, $4  }
0x7d: {  	[sflag:s24] =	ssyncset.done $0x0  }
0x7e: {  	[sflag:s24] =	ssyncadd.s32 $0xFFFFC000  }
0x7f: {  	_ =	swait.ge [sflag:s25], $0x4000  }
0x80: {  	s29 =	smov.u32 s31;
	s28 =	sshra.s32 s30, $0x2;
	[sflag:s25] =	ssyncset.done $0x0  }
0x81: {  	s0 =	sadd.s32 $0x14000, s28;
	[sflag:s25] =	ssyncadd.s32 $0xFFFFC000  }
0x82: {  	[tilespmem:s20], [sflag:$0x3] =	stream.indirect.gather [hbm4b:s4+s19], $0x80, s0, s19, $0xb8;
	[tilespmem:$0x1E800] =	vst v63  }
0x83: {  	s29 =	sadd.s32 $0x14080, s28  }
0x84: {  	[tilespmem:s21], [sflag:$0x4] =	stream.indirect.gather [hbm4b:s4+s19], $0x80, s29, s19, $0xb8;
	[tilespmem:$0x1E800] =	vst v63  }
0x85: {  	_ =	swait.ge [sflag:s22], $0x4000  }
0x86: {  	[sflag:s22] =	ssyncset.done $0x0  }
0x87: {  	s30 =	sadd.s32 $0x15400, s28;
	[sflag:s22] =	ssyncadd.s32 $0xFFFFC000  }
0x88: {  	[spmem:s1] =	stream.indirect.scatter.add.f32 [tilespmem:s20], [sflag:$0x5], $0x80, s30, s19, $0xb8;
	[tilespmem:$0x1E800] =	vst v63  }
0x89: {  	_ =	swait.ge [sflag:s23], $0x4000  }
0x8a: {  	[sflag:s23] =	ssyncset.done $0x0  }
0x8b: {  	s31 =	sadd.s32 $0x15480, s28;
	[sflag:s23] =	ssyncadd.s32 $0xFFFFC000  }
0x8c: {  	[spmem:s1] =	stream.indirect.scatter.add.f32 [tilespmem:s21], [sflag:$0x6], $0x80, s31, s19, $0xb8;
	[tilespmem:$0x1E800] =	vst v63  }
0x8d: {  	_ =	swait.ge [sflag:s24], $0x4000  }
0x8e: {  	[sflag:s24] =	ssyncset.done $0x0  }
0x8f: {  	[sflag:s24] =	ssyncadd.s32 $0xFFFFC000  }
0x90: {  	_ =	swait.ge [sflag:s25], $0x4000  }
0x91: {  	s26 =	sadd.s32 $0x1, s26;
	[sflag:s25] =	ssyncset.done $0x0  }
0x92: {  	p0 =	sne.s32 s26, s11;
	[sflag:s25] =	ssyncadd.s32 $0xFFFFC000  }
.Ltmp2:
0x93: {  	[bflag:$0x0] =	sbarrier.arrive $0xFFFF;
	(pc) =	sbr.rel @p0 .LBB2_1-.Ltmp2, $4  }
0x94: {  	[hbm:s10], [sflag:s14] =	dma.local [spmem:s15], $0x2800  }
0x95: {  	_ =	swait.ge [sflag:s16], $0x2800  }
0x96: {  	[sflag:s16] =	ssyncset.done $0x0  }
0x97: {  	[sflag:s16] =	ssyncadd.s32 $0xFFFFD800  }
0x98: {  	_ =	sfence.sel $0x180000  }
0x99: {  	[bflag:$0x0] =	sbarrier.arrive $0xFFFF  }
0x9a: {  	_ =	strace $0x9000004D  }
0x9b: {  	[bflag:$0x2] =	sbarrier.arrive $0xFFFF  }
0x9c: {  	p0 =	sne.s32 s3, $0x0;
	s0 =	rddreg [dreg:$0x3]  }
0x9d: {  	s0 =	sadd.s32 @!p0 $0x100000, s0  }
0x9e: {  	[sflag:s0] =	ssyncadd.tile.s32 @!p0 $0x1;
	_ =	shalt  }
.Lfunc_end2:
_tile_overlayer_lowered:
.L_overlay_start_2:
0x9f: {  	(tag) =	ssettag $0x2  }
0xa0: {  	s0 =	rddreg [dreg:$0x0];
	s2 =	stileid.u32  }
0xa1: {  	s1 =	rddreg [dreg:$0x1];
	p0 =	sne.s32 s2, $0x0  }
0xa2: {  	s3 =	rddreg [dreg:$0x2];
	[bflag:$0x3] =	sbarrier.arrive $0xFFFF;
	s2 =	simm.s32 @!p0 $0x1C07  }
0xa3: {  	[timem:s3], [sflag:s2] =	dma.local @!p0 [hbm:s0], s1  }
0xa4: {  	s0 =	simm.s32 @!p0 $0x7  }
0xa5: {  	_ =	swait.ge @!p0 [sflag:s0], s1  }
0xa6: {  	s1 =	ssub.s32 @!p0 $0x0, s1;
	[sflag:s0] =	ssyncset.done @!p0 $0x0  }
0xa7: {  	[sflag:s0] =	ssyncadd.s32 @!p0 s1  }
0xa8: {  	[bflag:$0x3] =	sbarrier.arrive $0xFFFF  }
0xa9: {  	_ =	shalt  }

// kernel: kernel.20.cloned.1.call-start
scs
__scs_entry_jumppad:
0x0: {  	(pc) =	sbr.rel $0x88, $3  }
0x1: {  	(tag) =	ssettag $0x0;
	lr =	simm.s32 $0x1  }
0x2: {  	[smem:$0x3F99] =	sst lr;
	_ =	strace $0xD0000000  }
0x3: {  	_ = 	snop  }
0x4: {  	_ = 	snop  }
0x5: {  	_ = 	snop  }
0x6: {  	_ = 	snop  }
0x7: {  	_ = 	snop  }
__scs_overlays_trampoline_lowered:
0x8: {  	[smem:$0x3FA8] =	sst s0  }
0x9: {  	[smem:$0x3FA9] =	sst s1  }
0xa: {  	[smem:$0x3FAA] =	sst s2  }
0xb: {  	[smem:$0x3FAB] =	sst s3  }
0xc: {  	[smem:$0x3FAC] =	sst s4  }
0xd: {  	[smem:$0x3FAD] =	sst s5  }
0xe: {  	[smem:$0x3FAE] =	sst s6  }
0xf: {  	[smem:$0x3FAF] =	sst s7  }
0x10: {  	[smem:$0x3FB0] =	sst s8  }
0x11: {  	[smem:$0x3FB1] =	sst s9;
	s0 =	simm.s32 @!p0 $0x0  }
0x12: {  	s1 =	sld [smem:$0x3F97];
	s0 =	simm.s32 @p0 $0x1  }
0x13: {  	[smem:$0x3FB2] =	sst s0;
	s0 =	simm.s32 @!p1 $0x0  }
0x14: {  	s2 =	sld [smem:$0x3F96];
	s0 =	simm.s32 @p1 $0x1  }
0x15: {  	[smem:$0x3FB3] =	sst s0;
	s0 =	simm.s32 @!p2 $0x0  }
0x16: {  	s3 =	sld [smem:$0x3FDB];
	s0 =	simm.s32 @p2 $0x1  }
0x17: {  	s4 =	simm.s32 $0x1BF5;
	[smem:$0x3FB5] =	sst s0  }
0x18: {  	s0 =	sld [smem:$0x3F98];
	_ =	swait.ge [sflag:s4], $0x0  }
0x19: {  	s7 =	sld [smem:$0x3F99]  }
0x1a: {  	s8 =	sadd.s32 $0xFFFFE003, lr  }
0x1b: {  	s9 =	sadd.s32 $0xFFFFFEF7, lr;
	s5 =	simm.s32 $0xFFFFFFFF;
	p2 =	slt.u32 s8, $0xFFFFF086  }
0x1c: {  	p1 =	slt.u32 s9, $0xF7A;
	s5 =	simm.s32 @!p2 $0x0  }
0x1d: {  	s5 =	simm.s32 @p1 $0x1;
	p0 =	seq.s32 s7, s2  }
0x1e: {  	s7 =	smul.u32 @!p0 $0xF7A, s2;
	p2 =	seq.s32 @!p0 s5, $0x0  }
0x1f: {  	s9 =	smul.u32 $0xF7A, s1;
	s8 =	simm.s32 @!p0 $0x1BF5;
	p2 =	por !p2, p0  }
0x20: {  	[sflag:s8] =	ssyncset.s32 @!p0 $0xFFFFF086;
	s6 =	sadd.s32 @!p0 s3, s7;
	s7 =	simm.s32 @!p0 $0x108  }
0x21: {  	s3 =	sadd.s32 s3, s9;
	s6 =	sadd.s32 @!p0 $0x88, s6;
	s7 =	simm.s32 @p2 $0x1082  }
0x22: {  	[simem:s7], [sflag:s8] =	dma.local @!p0 [hbm:s6], $0xF7A  }
0x23: {  	s9 =	sor.u32 $0xD0000000, s2;
	s6 =	simm.s32 $0x108;
	_ =	swait.ge @!p0 [sflag:s8], $0x0  }
0x24: {  	s3 =	sadd.s32 $0x88, s3;
	s6 =	simm.s32 @!p1 $0x1082;
	[sflag:s4] =	ssyncset.s32 $0xFFFFF086  }
0x25: {  	[simem:s6], [sflag:s4] =	dma.local [hbm:s3], $0xF7A  }
0x26: {  	[smem:$0x3F99] =	sst s1;
	(tag) =	ssettag s2;
	_ =	strace s9  }
0x27: {  	s1 =	sld [smem:$0x3FA9]  }
0x28: {  	s2 =	sld [smem:$0x3FAA]  }
0x29: {  	s4 =	sld [smem:$0x3FAC]  }
0x2a: {  	p0 =	seq.s32 s5, $0x0;
	s5 =	sld [smem:$0x3FAD]  }
0x2b: {  	s6 =	sld [smem:$0x3FAE]  }
0x2c: {  	s7 =	sld [smem:$0x3FAF]  }
0x2d: {  	s3 =	simm.s32 $0x108;
	s8 =	sld [smem:$0x3FB0]  }
0x2e: {  	s3 =	simm.s32 @!p0 $0x1082;
	s9 =	sld [smem:$0x3FB1]  }
0x2f: {  	lr =	sadd.s32 s0, s3;
	s0 =	sld [smem:$0x3FA8]  }
0x30: {  	s3 =	sld [smem:$0x3FAB]  }
0x31: {  	[smem:$0x3FB4] =	sst s10  }
0x32: {  	s10 =	sld [smem:$0x3FB2];
	_ =	sdelay $0x3  }
0x33: {  	p0 =	seq.s32 s10, $0x1;
	s10 =	sld [smem:$0x3FB4];
	_ =	sdelay $0x3  }
0x34: {  	[smem:$0x3FB4] =	sst s10  }
0x35: {  	s10 =	sld [smem:$0x3FB3];
	_ =	sdelay $0x3  }
0x36: {  	p1 =	seq.s32 s10, $0x1;
	s10 =	sld [smem:$0x3FB4];
	_ =	sdelay $0x3  }
0x37: {  	[smem:$0x3FB4] =	sst s10  }
0x38: {  	s10 =	sld [smem:$0x3FB5]  }
0x39: {  	_ = 	snop;
	(pc) =	sbr.ind lr, $3  }
0x3a: {  	_ = 	snop  }
0x3b: {  	_ = 	snop  }
0x3c: {  	p2 =	seq.s32 s10, $0x1;
	s10 =	sld [smem:$0x3FB4]  }
0x3d: {  	_ =	shalt  }
0x3e: {  	_ =	shalt  }
0x3f: {  	_ =	shalt  }
0x40: {  	_ =	shalt  }
0x41: {  	_ =	shalt  }
0x42: {  	_ =	shalt  }
0x43: {  	_ =	shalt  }
0x44: {  	_ =	shalt  }
0x45: {  	_ =	shalt  }
0x46: {  	_ =	shalt  }
0x47: {  	_ =	shalt  }
0x48: {  	_ =	shalt  }
0x49: {  	_ =	shalt  }
0x4a: {  	_ =	shalt  }
0x4b: {  	_ =	shalt  }
0x4c: {  	_ =	shalt  }
0x4d: {  	_ =	shalt  }
0x4e: {  	_ =	shalt  }
0x4f: {  	_ =	shalt  }
0x50: {  	_ =	shalt  }
0x51: {  	_ =	shalt  }
0x52: {  	_ =	shalt  }
0x53: {  	_ =	shalt  }
0x54: {  	_ =	shalt  }
0x55: {  	_ =	shalt  }
0x56: {  	_ =	shalt  }
0x57: {  	_ =	shalt  }
0x58: {  	_ =	shalt  }
0x59: {  	_ =	shalt  }
0x5a: {  	_ =	shalt  }
0x5b: {  	_ =	shalt  }
0x5c: {  	_ =	shalt  }
0x5d: {  	_ =	shalt  }
0x5e: {  	_ =	shalt  }
0x5f: {  	_ =	shalt  }
0x60: {  	_ =	shalt  }
0x61: {  	_ =	shalt  }
0x62: {  	_ =	shalt  }
0x63: {  	_ =	shalt  }
0x64: {  	_ =	shalt  }
0x65: {  	_ =	shalt  }
0x66: {  	_ =	shalt  }
0x67: {  	_ =	shalt  }
0x68: {  	_ =	shalt  }
0x69: {  	_ =	shalt  }
0x6a: {  	_ =	shalt  }
0x6b: {  	_ =	shalt  }
0x6c: {  	_ =	shalt  }
0x6d: {  	_ =	shalt  }
0x6e: {  	_ =	shalt  }
0x6f: {  	_ =	shalt  }
0x70: {  	_ =	shalt  }
0x71: {  	_ =	shalt  }
0x72: {  	_ =	shalt  }
0x73: {  	_ =	shalt  }
0x74: {  	_ =	shalt  }
0x75: {  	_ =	shalt  }
0x76: {  	_ =	shalt  }
0x77: {  	_ =	shalt  }
0x78: {  	_ =	shalt  }
0x79: {  	_ =	shalt  }
0x7a: {  	_ =	shalt  }
0x7b: {  	_ =	shalt  }
0x7c: {  	_ =	shalt  }
0x7d: {  	_ =	shalt  }
0x7e: {  	_ =	shalt  }
0x7f: {  	_ =	shalt  }
0x80: {  	_ =	shalt  }
0x81: {  	_ =	shalt  }
0x82: {  	_ =	shalt  }
0x83: {  	_ =	shalt  }
0x84: {  	_ =	shalt  }
0x85: {  	_ =	shalt  }
0x86: {  	_ =	shalt  }
0x87: {  	_ =	shalt  }
.Lfunc_end0:
.L_simem_size_0:
called_computation.3_lowered:
.L_overlay_start_0:
0x88: {  	s2 =	sld [smem:$0x3FD9]  }
0x89: {  	s3 =	sld [smem:$0x3FFE];
	_ =	sdelay $0x1  }
0x8a: {  	s1 =	srdreg.scid  }
0x8b: {  	s0 =	sand.u32 $0x1, s1  }
0x8c: {  	s17 =	sshll.u32 s0, $0xA;
	s2 =	sadd.s32 s3, s2  }
0x8d: {  	s2 =	sadd.s32 s2, s17  }
0x8e: {  	[smem:$0x3FC0] =	sst s2  }
0x8f: {  	_ = 	snop  }
0x90: {  	s2 =	sld [smem:$0x3FD0];
	(tm) =	ssettm $0x1  }
0x91: {  	s18 =	sld [smem:$0x3FFB];
	_ =	sdelay $0x3  }
0x92: {  	_ =	strace s18  }
0x93: {  	s3 =	sld [smem:$0x3FFC];
	_ =	sdelay $0x3  }
0x94: {  	_ =	strace s3  }
0x95: {  	s3 =	sld [smem:$0x3FFD];
	_ =	sdelay $0x3  }
0x96: {  	_ =	strace s3  }
0x97: {  	_ =	strace $0x8FFFFFFF  }
0x98: {  	s19 =	sld [smem:$0x3FDB];
	_ =	sdelay $0x1  }
0x99: {  	s4 =	simm.s32 $_scs_section_size  }
0x9a: {  	s5 =	simm.s32 $_size__tile_overlayer_lowered;
	s6 =	simm.s32 $_tile_overlayer_lowered  }
0x9b: {  	s22 =	simm.s32 $0x1BFF;
	s21 =	sshll.u32 s6, $0x1;
	s3 =	sadd.s32 s4, s19  }
0x9c: {  	s7 =	simm.s32 $0x0;
	s20 =	sshll.u32 s5, $0x1;
	s5 =	sadd.s32 s21, s3  }
0x9d: {  	[timem:s7], [sflag:s22] =	dma.local [hbm:s5], s20  }
0x9e: {  	_ =	swait.ge [sflag:s22], s20  }
0x9f: {  	s4 =	ssub.s32 $0x0, s20;
	[sflag:s22] =	ssyncset.done $0x0  }
0xa0: {  	[sflag:s22] =	ssyncadd.s32 s4;
	_ =	sdelay $0x1  }
0xa1: {  	s23 =	simm.s32 $0x1B8B  }
0xa2: {  	_ =	swait.ge [sflag:s23], $0x1  }
0xa3: {  	[sflag:s23] =	ssyncset.done $0x0  }
0xa4: {  	s25 =	simm.s32 $0x1B8E;
	s24 =	sld [smem:$0x3FFE];
	[sflag:s23] =	ssyncadd.s32 $0xFFFFFFFF  }
0xa5: {  	s26 =	simm.s32 $execute0_lowered;
	[smem:$0x3FD2] =	sst s25  }
0xa6: {  	s5 =	sshll.u32 s26, $0x1;
	_ =	strace $0x8000004F;
	[dreg:$0x1] =	wrdreg $0xFFFFFFFF  }
0xa7: {  	s28 =	simm.s32 $_size_execute0_lowered;
	s3 =	sadd.s32 s3, s5;
	[dreg:$0x0] =	wrdreg $0x0  }
0xa8: {  	s5 =	sshll.u32 s28, $0x1;
	[dreg:$0x2] =	wrdreg s3  }
0xa9: {  	[dreg:$0x3] =	wrdreg s5  }
0xaa: {  	[dreg:$0x4] =	wrdreg $0xC0  }
0xab: {  	_ =	task [dreg:s7], $0x5FFFF  }
0xac: {  	[dreg:$0x1] =	wrdreg $0xFFFFFFFF  }
0xad: {  	[dreg:$0x0] =	wrdreg $0x60  }
0xae: {  	[dreg:$0x2] =	wrdreg s24  }
0xaf: {  	[dreg:$0x3] =	wrdreg s2  }
0xb0: {  	[dreg:$0x4] =	wrdreg $0x0  }
0xb1: {  	[dreg:$0x5] =	wrdreg $0x9  }
0xb2: {  	_ =	task.clear_ibuf [dreg:s7], $0x6FFFF;
	_ =	strace $0x9000004F  }
0xb3: {  	s29 =	simm.s32 $0x9;
	_ =	strace $0x80000051  }
0xb4: {  	_ =	swait.ge [sflag:s29], $0x1  }
0xb5: {  	[sflag:s29] =	ssyncadd.s32 $0xFFFFFFFF  }
0xb6: {  	_ =	strace $0x90000051  }
0xb7: {  	_ =	sfence  }
0xb8: {  	s30 =	sld [smem:$0x0];
	_ =	sdelay $0x2  }
0xb9: {  	s31 =	sshll.u32 s1, $0xD;
	s1 =	sshrl.u32 s1, $0x2  }
0xba: {  	s3 =	sand.u32 $0x4000, s31;
	s1 =	sadd.s32 s1, s30  }
0xbb: {  	s0 =	sor.u32 s3, s0;
	s1 =	sshll.u32 s1, $0x11  }
0xbc: {  	s0 =	sor.u32 s1, s0  }
0xbd: {  	s0 =	sadd.s32 $0x8F2B, s0  }
0xbe: {  	[sflag:s0] =	ssyncadd.remote.s32 $0x1  }
0xbf: {  	_ =	sfence.sel $0xFFFF  }
0xc0: {  	[dreg:$0x0] =	wrdreg $0xFFFFFFFF;
	(pc) =	sbr.abs _section_cstart, $3  }
0xc1: {  	[dreg:$0x1] =	wrdreg $0xFFFFFFFF  }
0xc2: {  	_ =	task.clear_ibuf [dreg:s7], $0x2FFFF;
	_ =	strace $0x9FFFFFFF  }
0xc3: {  	(tm) =	ssettm $0x7FFFFFFF  }
tec
execute0_lowered:
.L_overlay_start_1:
0x0: {  	(tag) =	ssettag $0x1  }
0x1: {  	s5 =	rddreg [dreg:$0x0]  }
0x2: {  	s8 =	rddreg [dreg:$0x1]  }
0x3: {  	s1 =	rddreg [dreg:$0x2];
	s2 =	simm.s32 $0x0  }
0x4: {  	s3 =	srdreg.scid;
	s18 =	simm.s32 $0x2;
	s19 =	simm.s32 $0x80  }
0x5: {  	s20 =	simm.s32 $0x16800;
	s21 =	simm.s32 $0x1A800;
	s22 =	simm.s32 $0x3  }
0x6: {  	s23 =	simm.s32 $0x4;
	s24 =	simm.s32 $0x5;
	s25 =	simm.s32 $0x6  }
0x7: {  	s26 =	simm.s32 $0x0;
	[smem:$0x7FF] =	sst s2;
	s12 =	sand.u32 $0x1, s3  }
0x8: {  	s3 =	stileid.u32;
	s4 =	sadd.s32 $0xCE00, s5;
	s6 =	smul.u32 $0x140000, s12  }
0x9: {  	s10 =	sadd.s32 $0x2E00, s5;
	s14 =	sadd.s32 $0x34E00, s5;
	s7 =	smul.u32 $0x14000, s3  }
0xa: {  	_ =	strace $0x80000050;
	s9 =	sshll.u32 s12, $0x4;
	s30 =	smul.u32 $0x50000, s3  }
0xb: {  	s29 =	ssub.s32 $0x2, s12;
	s16 =	smul.u32 $0x2800, s3;
	p0 =	sne.s32 s12, $0x0  }
0xc: {  	s12 =	simm.s32 $0x14000;
	s31 =	sshll.u32 s3, $0x6;
	s9 =	sor.u32 s3, s9  }
0xd: {  	s13 =	sshrl.u32 s29, $0x1;
	s6 =	sadd.s32 s7, s6;
	s11 =	smul.u32 $0x500, s9  }
0xe: {  	s9 =	smul.u32 $0x2800, s9;
	s13 =	ssub.s32 s29, s13;
	s7 =	sshrl.u32 s30, $0x2  }
0xf: {  	s6 =	sshrl.u32 s6, $0x3;
	s17 =	sadd.s32 s7, s1;
	s7 =	sadd.s32 s4, s16  }
0x10: {  	s16 =	simm.s32 $0x7;
	s15 =	sadd.s32 s6, s5;
	s5 =	sadd.s32 s8, s11  }
0x11: {  	s9 =	sshrl.u32 s9, $0x3;
	s6 =	sadd.s32 s10, s11;
	s11 =	smax.u32 s13, $0x1  }
0x12: {  	s13 =	simm.s32 $0x15400;
	s7 =	smov.u32 @p0 s14;
	s9 =	sadd.s32 $0x280, s9  }
0x13: {  	s14 =	sor.u32 $0x1C07, s31;
	s8 =	sadd.s32 s8, s9;
	s9 =	sadd.s32 s10, s9  }
0x14: {  	s10 =	sadd.s32 $0x37600, s15;
	s15 =	sshrl.u32 s17, $0x3;
	s17 =	simm.s32 $0x1  }
.LBB2_1:
0x15: {  	[tilespmem:s12], [sflag:$0x1] =	stream.linear.gather [hbm4b:s5+s2], $0x1400, $0x38;
	[tilespmem:$0x1E800] =	vst v63  }
0x16: {  	_ = 	snop  }
0x17: {  	[tilespmem:s13], [sflag:$0x2] =	stream.linear.gather [hbm4b:s6+s2], $0x1400, $0x38;
	[tilespmem:$0x1E800] =	vst v63  }
0x18: {  	[spmem:s15], [sflag:s14] =	dma.local [hbm:s7], $0x2800  }
0x19: {  	_ =	swait.ge [sflag:s16], $0x2800  }
0x1a: {  	[sflag:s16] =	ssyncset.done $0x0  }
0x1b: {  	[sflag:s16] =	ssyncadd.s32 $0xFFFFD800  }
0x1c: {  	_ =	swait.ge [sflag:s17], $0x1400  }
0x1d: {  	[sflag:s17] =	ssyncset.done $0x0  }
0x1e: {  	[sflag:s17] =	ssyncadd.s32 $0xFFFFEC00  }
0x1f: {  	_ =	swait.ge [sflag:s18], $0x1400  }
0x20: {  	[sflag:s18] =	ssyncset.done $0x0  }
0x21: {  	[sflag:s18] =	ssyncadd.s32 $0xFFFFEC00  }
0x22: {  	s28 =	simm.s32 $0x14000;
	[bflag:$0x0] =	sbarrier.arrive $0xFFFF  }
0x23: {  	[tilespmem:s20], [sflag:$0x3] =	stream.indirect.gather [hbm4b:s4+s19], $0x80, s28, s19, $0xb8;
	[tilespmem:$0x1E800] =	vst v63  }
0x24: {  	s28 =	simm.s32 $0x14080  }
0x25: {  	[tilespmem:s21], [sflag:$0x4] =	stream.indirect.gather [hbm4b:s4+s19], $0x80, s28, s19, $0xb8;
	[tilespmem:$0x1E800] =	vst v63  }
0x26: {  	_ =	swait.ge [sflag:s22], $0x4000  }
0x27: {  	[sflag:s22] =	ssyncset.done $0x0  }
0x28: {  	s28 =	simm.s32 $0x15400;
	[sflag:s22] =	ssyncadd.s32 $0xFFFFC000  }
0x29: {  	[spmem:s1] =	stream.indirect.scatter.add.f32 [tilespmem:s20], [sflag:$0x5], $0x80, s28, s19, $0xb8;
	[tilespmem:$0x1E800] =	vst v63  }
0x2a: {  	_ =	swait.ge [sflag:s23], $0x4000  }
0x2b: {  	[sflag:s23] =	ssyncset.done $0x0  }
0x2c: {  	s28 =	simm.s32 $0x15480;
	[sflag:s23] =	ssyncadd.s32 $0xFFFFC000  }
0x2d: {  	[spmem:s1] =	stream.indirect.scatter.add.f32 [tilespmem:s21], [sflag:$0x6], $0x80, s28, s19, $0xb8;
	[tilespmem:$0x1E800] =	vst v63  }
0x2e: {  	_ =	swait.ge [sflag:s24], $0x4000  }
0x2f: {  	[sflag:s24] =	ssyncset.done $0x0  }
0x30: {  	[sflag:s24] =	ssyncadd.s32 $0xFFFFC000  }
0x31: {  	_ =	swait.ge [sflag:s25], $0x4000  }
0x32: {  	s29 =	simm.s32 $0x800;
	s28 =	simm.s32 $0x100;
	[sflag:s25] =	ssyncset.done $0x0  }
.LBB2_2:
0x33: {  	s30 =	sadd.s32 $0x14000, s28  }
0x34: {  	[sflag:s25] =	ssyncadd.s32 $0xFFFFC000;
	s31 =	smov.u32 s29;
	s0 =	sadd.s32 $0x400, s29  }
0x35: {  	[tilespmem:s20], [sflag:$0x3] =	stream.indirect.gather [hbm4b:s4+s19], $0x80, s30, s19, $0xb8;
	[tilespmem:$0x1E800] =	vst v63  }
0x36: {  	p0 =	sne.s32 s29, $0x4C00;
	s29 =	sadd.s32 $0x14080, s28  }
0x37: {  	[tilespmem:s21], [sflag:$0x4] =	stream.indirect.gather [hbm4b:s4+s19], $0x80, s29, s19, $0xb8;
	[tilespmem:$0x1E800] =	vst v63  }
0x38: {  	_ =	swait.ge [sflag:s22], $0x4000  }
0x39: {  	[sflag:s22] =	ssyncset.done $0x0  }
0x3a: {  	s29 =	sadd.s32 $0x15400, s28;
	[sflag:s22] =	ssyncadd.s32 $0xFFFFC000  }
0x3b: {  	[spmem:s1] =	stream.indirect.scatter.add.f32 [tilespmem:s20], [sflag:$0x5], $0x80, s29, s19, $0xb8;
	[tilespmem:$0x1E800] =	vst v63  }
0x3c: {  	_ =	swait.ge [sflag:s23], $0x4000  }
0x3d: {  	[sflag:s23] =	ssyncset.done $0x0  }
0x3e: {  	s28 =	sadd.s32 $0x15480, s28;
	[sflag:s23] =	ssyncadd.s32 $0xFFFFC000  }
0x3f: {  	[spmem:s1] =	stream.indirect.scatter.add.f32 [tilespmem:s21], [sflag:$0x6], $0x80, s28, s19, $0xb8;
	[tilespmem:$0x1E800] =	vst v63  }
.Ltmp0:
0x40: {  	_ =	swait.ge [sflag:s24], $0x4000;
	(pc) =	sbr.rel @p0 .LBB2_2-.Ltmp0, $4  }
0x41: {  	[sflag:s24] =	ssyncset.done $0x0  }
0x42: {  	[sflag:s24] =	ssyncadd.s32 $0xFFFFC000  }
0x43: {  	_ =	swait.ge [sflag:s25], $0x4000  }
0x44: {  	s29 =	smov.u32 s0;
	s28 =	sshra.s32 s31, $0x2;
	[sflag:s25] =	ssyncset.done $0x0  }
0x45: {  	s0 =	sadd.s32 $0x14000, s28;
	[sflag:s25] =	ssyncadd.s32 $0xFFFFC000  }
0x46: {  	[tilespmem:s20], [sflag:$0x3] =	stream.indirect.gather [hbm4b:s4+s19], $0x80, s0, s19, $0xb8;
	[tilespmem:$0x1E800] =	vst v63  }
0x47: {  	s30 =	sadd.s32 $0x14080, s28  }
0x48: {  	[tilespmem:s21], [sflag:$0x4] =	stream.indirect.gather [hbm4b:s4+s19], $0x80, s30, s19, $0xb8;
	[tilespmem:$0x1E800] =	vst v63  }
0x49: {  	_ =	swait.ge [sflag:s22], $0x4000  }
0x4a: {  	[sflag:s22] =	ssyncset.done $0x0  }
0x4b: {  	s31 =	sadd.s32 $0x15400, s28;
	[sflag:s22] =	ssyncadd.s32 $0xFFFFC000  }
0x4c: {  	[spmem:s1] =	stream.indirect.scatter.add.f32 [tilespmem:s20], [sflag:$0x5], $0x80, s31, s19, $0xb8;
	[tilespmem:$0x1E800] =	vst v63  }
0x4d: {  	_ =	swait.ge [sflag:s23], $0x4000  }
0x4e: {  	[sflag:s23] =	ssyncset.done $0x0  }
0x4f: {  	s30 =	sadd.s32 $0x15480, s28;
	[sflag:s23] =	ssyncadd.s32 $0xFFFFC000  }
0x50: {  	[spmem:s1] =	stream.indirect.scatter.add.f32 [tilespmem:s21], [sflag:$0x6], $0x80, s30, s19, $0xb8;
	[tilespmem:$0x1E800] =	vst v63  }
0x51: {  	_ =	swait.ge [sflag:s24], $0x4000  }
0x52: {  	[sflag:s24] =	ssyncset.done $0x0  }
0x53: {  	[sflag:s24] =	ssyncadd.s32 $0xFFFFC000  }
0x54: {  	_ =	swait.ge [sflag:s25], $0x4000  }
0x55: {  	[sflag:s25] =	ssyncset.done $0x0  }
0x56: {  	s31 =	simm.s32 $0x0;
	[sflag:s25] =	ssyncadd.s32 $0xFFFFC000  }
0x57: {  	[tilespmem:s12], [sflag:$0x1] =	stream.linear.gather [hbm4b:s8+s31], $0x1400, $0x38;
	[tilespmem:$0x1E800] =	vst v63  }
0x58: {  	_ =	swait.ge [sflag:s17], $0x1400  }
0x59: {  	[sflag:s17] =	ssyncset.done $0x0  }
0x5a: {  	[sflag:s17] =	ssyncadd.s32 $0xFFFFEC00  }
0x5b: {  	[tilespmem:s13], [sflag:$0x2] =	stream.linear.gather [hbm4b:s9+s31], $0x1400, $0x38;
	[tilespmem:$0x1E800] =	vst v63  }
0x5c: {  	_ =	swait.ge [sflag:s18], $0x1400  }
0x5d: {  	[sflag:s18] =	ssyncset.done $0x0  }
0x5e: {  	s30 =	simm.s32 $0x14000;
	[sflag:s18] =	ssyncadd.s32 $0xFFFFEC00  }
0x5f: {  	[tilespmem:s20], [sflag:$0x3] =	stream.indirect.gather [hbm4b:s4+s19], $0x80, s30, s19, $0xb8;
	[tilespmem:$0x1E800] =	vst v63  }
0x60: {  	s31 =	simm.s32 $0x14080  }
0x61: {  	[tilespmem:s21], [sflag:$0x4] =	stream.indirect.gather [hbm4b:s4+s19], $0x80, s31, s19, $0xb8;
	[tilespmem:$0x1E800] =	vst v63  }
0x62: {  	_ =	swait.ge [sflag:s22], $0x4000  }
0x63: {  	[sflag:s22] =	ssyncset.done $0x0  }
0x64: {  	s30 =	simm.s32 $0x15400;
	[sflag:s22] =	ssyncadd.s32 $0xFFFFC000  }
0x65: {  	[spmem:s1] =	stream.indirect.scatter.add.f32 [tilespmem:s20], [sflag:$0x5], $0x80, s30, s19, $0xb8;
	[tilespmem:$0x1E800] =	vst v63  }
0x66: {  	_ =	swait.ge [sflag:s23], $0x4000  }
0x67: {  	[sflag:s23] =	ssyncset.done $0x0  }
0x68: {  	s31 =	simm.s32 $0x15480;
	[sflag:s23] =	ssyncadd.s32 $0xFFFFC000  }
0x69: {  	[spmem:s1] =	stream.indirect.scatter.add.f32 [tilespmem:s21], [sflag:$0x6], $0x80, s31, s19, $0xb8;
	[tilespmem:$0x1E800] =	vst v63  }
0x6a: {  	_ =	swait.ge [sflag:s24], $0x4000  }
0x6b: {  	[sflag:s24] =	ssyncset.done $0x0  }
0x6c: {  	[sflag:s24] =	ssyncadd.s32 $0xFFFFC000  }
0x6d: {  	_ =	swait.ge [sflag:s25], $0x4000  }
0x6e: {  	s29 =	simm.s32 $0x800;
	s28 =	simm.s32 $0x100;
	[sflag:s25] =	ssyncset.done $0x0  }
.LBB2_4:
0x6f: {  	s0 =	sadd.s32 $0x14000, s28  }
0x70: {  	[sflag:s25] =	ssyncadd.s32 $0xFFFFC000;
	s30 =	smov.u32 s29;
	s31 =	sadd.s32 $0x400, s29  }
0x71: {  	[tilespmem:s20], [sflag:$0x3] =	stream.indirect.gather [hbm4b:s4+s19], $0x80, s0, s19, $0xb8;
	[tilespmem:$0x1E800] =	vst v63  }
0x72: {  	p0 =	sne.s32 s29, $0x4C00;
	s0 =	sadd.s32 $0x14080, s28  }
0x73: {  	[tilespmem:s21], [sflag:$0x4] =	stream.indirect.gather [hbm4b:s4+s19], $0x80, s0, s19, $0xb8;
	[tilespmem:$0x1E800] =	vst v63  }
0x74: {  	_ =	swait.ge [sflag:s22], $0x4000  }
0x75: {  	[sflag:s22] =	ssyncset.done $0x0  }
0x76: {  	s0 =	sadd.s32 $0x15400, s28;
	[sflag:s22] =	ssyncadd.s32 $0xFFFFC000  }
0x77: {  	[spmem:s1] =	stream.indirect.scatter.add.f32 [tilespmem:s20], [sflag:$0x5], $0x80, s0, s19, $0xb8;
	[tilespmem:$0x1E800] =	vst v63  }
0x78: {  	_ =	swait.ge [sflag:s23], $0x4000  }
0x79: {  	[sflag:s23] =	ssyncset.done $0x0  }
0x7a: {  	s0 =	sadd.s32 $0x15480, s28;
	[sflag:s23] =	ssyncadd.s32 $0xFFFFC000  }
0x7b: {  	[spmem:s1] =	stream.indirect.scatter.add.f32 [tilespmem:s21], [sflag:$0x6], $0x80, s0, s19, $0xb8;
	[tilespmem:$0x1E800] =	vst v63  }
.Ltmp1:
0x7c: {  	_ =	swait.ge [sflag:s24], $0x4000;
	(pc) =	sbr.rel @p0 .LBB2_4-.Ltmp1, $4  }
0x7d: {  	[sflag:s24] =	ssyncset.done $0x0  }
0x7e: {  	[sflag:s24] =	ssyncadd.s32 $0xFFFFC000  }
0x7f: {  	_ =	swait.ge [sflag:s25], $0x4000  }
0x80: {  	s29 =	smov.u32 s31;
	s28 =	sshra.s32 s30, $0x2;
	[sflag:s25] =	ssyncset.done $0x0  }
0x81: {  	s0 =	sadd.s32 $0x14000, s28;
	[sflag:s25] =	ssyncadd.s32 $0xFFFFC000  }
0x82: {  	[tilespmem:s20], [sflag:$0x3] =	stream.indirect.gather [hbm4b:s4+s19], $0x80, s0, s19, $0xb8;
	[tilespmem:$0x1E800] =	vst v63  }
0x83: {  	s29 =	sadd.s32 $0x14080, s28  }
0x84: {  	[tilespmem:s21], [sflag:$0x4] =	stream.indirect.gather [hbm4b:s4+s19], $0x80, s29, s19, $0xb8;
	[tilespmem:$0x1E800] =	vst v63  }
0x85: {  	_ =	swait.ge [sflag:s22], $0x4000  }
0x86: {  	[sflag:s22] =	ssyncset.done $0x0  }
0x87: {  	s30 =	sadd.s32 $0x15400, s28;
	[sflag:s22] =	ssyncadd.s32 $0xFFFFC000  }
0x88: {  	[spmem:s1] =	stream.indirect.scatter.add.f32 [tilespmem:s20], [sflag:$0x5], $0x80, s30, s19, $0xb8;
	[tilespmem:$0x1E800] =	vst v63  }
0x89: {  	_ =	swait.ge [sflag:s23], $0x4000  }
0x8a: {  	[sflag:s23] =	ssyncset.done $0x0  }
0x8b: {  	s31 =	sadd.s32 $0x15480, s28;
	[sflag:s23] =	ssyncadd.s32 $0xFFFFC000  }
0x8c: {  	[spmem:s1] =	stream.indirect.scatter.add.f32 [tilespmem:s21], [sflag:$0x6], $0x80, s31, s19, $0xb8;
	[tilespmem:$0x1E800] =	vst v63  }
0x8d: {  	_ =	swait.ge [sflag:s24], $0x4000  }
0x8e: {  	[sflag:s24] =	ssyncset.done $0x0  }
0x8f: {  	[sflag:s24] =	ssyncadd.s32 $0xFFFFC000  }
0x90: {  	_ =	swait.ge [sflag:s25], $0x4000  }
0x91: {  	s26 =	sadd.s32 $0x1, s26;
	[sflag:s25] =	ssyncset.done $0x0  }
0x92: {  	p0 =	sne.s32 s26, s11;
	[sflag:s25] =	ssyncadd.s32 $0xFFFFC000  }
.Ltmp2:
0x93: {  	[bflag:$0x0] =	sbarrier.arrive $0xFFFF;
	(pc) =	sbr.rel @p0 .LBB2_1-.Ltmp2, $4  }
0x94: {  	[hbm:s10], [sflag:s14] =	dma.local [spmem:s15], $0x2800  }
0x95: {  	_ =	swait.ge [sflag:s16], $0x2800  }
0x96: {  	[sflag:s16] =	ssyncset.done $0x0  }
0x97: {  	[sflag:s16] =	ssyncadd.s32 $0xFFFFD800  }
0x98: {  	_ =	sfence.sel $0x180000  }
0x99: {  	[bflag:$0x0] =	sbarrier.arrive $0xFFFF  }
0x9a: {  	_ =	strace $0x90000050  }
0x9b: {  	[bflag:$0x2] =	sbarrier.arrive $0xFFFF  }
0x9c: {  	p0 =	sne.s32 s3, $0x0;
	s0 =	rddreg [dreg:$0x3]  }
0x9d: {  	s0 =	sadd.s32 @!p0 $0x100000, s0  }
0x9e: {  	[sflag:s0] =	ssyncadd.tile.s32 @!p0 $0x1;
	_ =	shalt  }
.Lfunc_end2:
_tile_overlayer_lowered:
.L_overlay_start_2:
0x9f: {  	(tag) =	ssettag $0x2  }
0xa0: {  	s0 =	rddreg [dreg:$0x0];
	s2 =	stileid.u32  }
0xa1: {  	s1 =	rddreg [dreg:$0x1];
	p0 =	sne.s32 s2, $0x0  }
0xa2: {  	s3 =	rddreg [dreg:$0x2];
	[bflag:$0x3] =	sbarrier.arrive $0xFFFF;
	s2 =	simm.s32 @!p0 $0x1C07  }
0xa3: {  	[timem:s3], [sflag:s2] =	dma.local @!p0 [hbm:s0], s1  }
0xa4: {  	s0 =	simm.s32 @!p0 $0x7  }
0xa5: {  	_ =	swait.ge @!p0 [sflag:s0], s1  }
0xa6: {  	s1 =	ssub.s32 @!p0 $0x0, s1;
	[sflag:s0] =	ssyncset.done @!p0 $0x0  }
0xa7: {  	[sflag:s0] =	ssyncadd.s32 @!p0 s1  }
0xa8: {  	[bflag:$0x3] =	sbarrier.arrive $0xFFFF  }
0xa9: {  	_ =	shalt  }

</sc_bundles>
